<compile_context>
chip_gen: v7x
topology: tpu7x:2x2x1
jax: 0.10.2.dev20260603
libtpu: 0.0.44.dev20260713+nightly
codegen_flags: <defaults>
</compile_context>

<pallas_src>
import functools

import jax
import jax.numpy as jnp
from jax import lax
from jax.experimental import pallas as pl
from jax.experimental.pallas import tpu as pltpu
from jax.experimental.pallas import tpu_sc as plsc

BATCH = 4096
SEQ = 200
DIM = 64
VOCAB = 100000
L = 16

NC, NS = 2, 16
NW = NC * NS
ROWS_PER_W = BATCH // NW
HRW = ROWS_PER_W // 2

NCHUNK = 13
TAIL_OFF = SEQ - L

CHUNK = 256
CSH = 8
NCH = 392
VPAD = NCH * CHUNK
NSLOT = ROWS_PER_W * NCHUNK * L
CSZ = (NCH + 1) * L


def _body(idx_hbm, mask_hbm, w_hbm, out_hbm,
          idx_v, mask_v, payload, counts2d, base2d, woff2d,
          chunk_a, chunk_b, out_v, denom_v, sem_a, sem_b):
    wid = lax.axis_index("s") * NC + lax.axis_index("c")
    base = wid * ROWS_PER_W

    lane = lax.iota(jnp.int32, L)
    tail_keep = (lane >= (L - (SEQ - (NCHUNK - 1) * L))).astype(jnp.int32)
    ones_i = jnp.ones((L,), jnp.int32)
    zero_i = jnp.zeros((L,), jnp.int32)
    zero_f = jnp.zeros((L,), jnp.float32)

    def zero_counts(i, carry):
        counts2d[pl.ds(i * L, L)] = zero_i
        return carry

    lax.fori_loop(0, NCH + 1, zero_counts, 0)

    def zero_out(r, carry):
        for c in range(DIM // L):
            out_v[r, pl.ds(c * L, L)] = zero_f
        return carry

    lax.fori_loop(0, ROWS_PER_W, zero_out, 0)

    for hb in range(2):
        pltpu.sync_copy(idx_hbm.at[pl.ds(base + hb * HRW, HRW)], idx_v)
        pltpu.sync_copy(mask_hbm.at[pl.ds(base + hb * HRW, HRW)], mask_v)

        def pass1(r, carry, hb=hb):
            rowcnt = zero_i
            for j in range(NCHUNK):
                off = j * L if j < NCHUNK - 1 else TAIL_OFF
                iv = idx_v[r, pl.ds(off, L)]
                mv = mask_v[r, pl.ds(off, L)]
                if j == NCHUNK - 1:
                    mv = mv * tail_keep
                pos = (lax.shift_right_logical(iv, CSH) * L) + lane
                plsc.addupdate_scatter(counts2d, [pos], ones_i, mask=mv > 0)
                rowcnt = rowcnt + mv
            cnt = jnp.sum(rowcnt).astype(jnp.float32)
            cnt_vec = lax.broadcast_in_dim(cnt, (L,), ())
            denom_v[hb * HRW + r, pl.ds(0, L)] = jnp.maximum(cnt_vec, 1e-9)
            return carry

        lax.fori_loop(0, HRW, pass1, 0)

    def mk_base(cid, run):
        c16 = counts2d[pl.ds(cid * L, L)]
        inc = plsc.cumsum(c16)
        run_vec = lax.broadcast_in_dim(run, (L,), ())
        b = run_vec + inc - c16
        base2d[pl.ds(cid * L, L)] = b
        woff2d[pl.ds(cid * L, L)] = b
        return run + jnp.sum(c16)

    total = lax.fori_loop(0, NCH, mk_base, jnp.int32(0))
    base2d[pl.ds(NCH * L, L)] = lax.broadcast_in_dim(total, (L,), ())

    for hb in range(2):
        pltpu.sync_copy(idx_hbm.at[pl.ds(base + hb * HRW, HRW)], idx_v)
        pltpu.sync_copy(mask_hbm.at[pl.ds(base + hb * HRW, HRW)], mask_v)

        def pass2(r, carry, hb=hb):
            for j in range(NCHUNK):
                off = j * L if j < NCHUNK - 1 else TAIL_OFF
                iv = idx_v[r, pl.ds(off, L)]
                mv = mask_v[r, pl.ds(off, L)]
                if j == NCHUNK - 1:
                    mv = mv * tail_keep
                cidpos = (lax.shift_right_logical(iv, CSH) * L) + lane
                pos = plsc.load_gather(woff2d, [cidpos])
                pval = (jnp.bitwise_and(iv, CHUNK - 1) * ROWS_PER_W) + (
                    hb * HRW + r)
                plsc.store_scatter(payload, [pos], pval, mask=mv > 0)
                plsc.addupdate_scatter(woff2d, [cidpos], ones_i, mask=mv > 0)
            return carry

        lax.fori_loop(0, HRW, pass2, 0)

    def process(ci, chunk_v):
        s = base2d[pl.ds(ci * L, L)][0]
        e = base2d[pl.ds((ci + 1) * L, L)][0]

        def entry(k, c2):
            pv = payload[pl.ds(k, L)][0]
            r = jnp.bitwise_and(pv, ROWS_PER_W - 1)
            il = lax.shift_right_logical(pv, 7)
            for c in range(DIM // L):
                plsc.addupdate(out_v.at[r, pl.ds(c * L, L)],
                               chunk_v[il, pl.ds(c * L, L)])
            return c2

        lax.fori_loop(s, e, entry, 0)

    pltpu.async_copy(w_hbm.at[pl.ds(0, CHUNK)], chunk_a, sem_a)

    def pair(p, carry):
        ci0 = p * 2
        ci1 = ci0 + 1
        pltpu.async_copy(w_hbm.at[pl.ds(ci1 * CHUNK, CHUNK)], chunk_b, sem_b)
        pltpu.make_async_copy(
            w_hbm.at[pl.ds(ci0 * CHUNK, CHUNK)], chunk_a, sem_a).wait()
        process(ci0, chunk_a)
        nxt = jnp.minimum(ci0 + 2, NCH - 1)
        pltpu.async_copy(w_hbm.at[pl.ds(nxt * CHUNK, CHUNK)], chunk_a, sem_a)
        pltpu.make_async_copy(
            w_hbm.at[pl.ds(ci1 * CHUNK, CHUNK)], chunk_b, sem_b).wait()
        process(ci1, chunk_b)
        return carry

    lax.fori_loop(0, NCH // 2, pair, 0)
    pltpu.make_async_copy(
        w_hbm.at[pl.ds((NCH - 1) * CHUNK, CHUNK)], chunk_a, sem_a).wait()

    def fin(r, carry):
        d = denom_v[r, pl.ds(0, L)]
        for c in range(DIM // L):
            out_v[r, pl.ds(c * L, L)] = out_v[r, pl.ds(c * L, L)] / d
        return carry

    lax.fori_loop(0, ROWS_PER_W, fin, 0)
    pltpu.sync_copy(out_v, out_hbm.at[pl.ds(base, ROWS_PER_W)])


@jax.jit
def _run(idx, mask_idx, W):
    w_pad = jnp.pad(W, ((0, VPAD - VOCAB), (0, 0)))
    mesh = plsc.VectorSubcoreMesh(core_axis_name="c", subcore_axis_name="s")
    return pl.kernel(
        _body,
        mesh=mesh,
        out_type=jax.ShapeDtypeStruct((BATCH, DIM), jnp.float32),
        compiler_params=pltpu.CompilerParams(
            use_tc_tiling_on_sc=False,
            needs_layout_passes=False,
        ),
        scratch_types=[
            pltpu.VMEM((HRW, SEQ), jnp.int32),
            pltpu.VMEM((HRW, SEQ), jnp.int32),
            pltpu.VMEM((NSLOT + L,), jnp.int32),
            pltpu.VMEM((CSZ,), jnp.int32),
            pltpu.VMEM((CSZ,), jnp.int32),
            pltpu.VMEM((CSZ,), jnp.int32),
            pltpu.VMEM((CHUNK, DIM), jnp.float32),
            pltpu.VMEM((CHUNK, DIM), jnp.float32),
            pltpu.VMEM((ROWS_PER_W, DIM), jnp.float32),
            pltpu.VMEM((ROWS_PER_W, L), jnp.float32),
            pltpu.SemaphoreType.DMA,
            pltpu.SemaphoreType.DMA,
        ],
    )(idx, mask_idx, w_pad)


def kernel(idx, mask_idx, W):
    return _run(idx, mask_idx, W)

# --- scband reference (transcript-rebuilt; emitter-appended) ---
"""Pipeline reference for scband-text-backbone-30545807409447 (READ-ONLY COPY).

The authoritative reference and input builder live on the scoring server;
editing this copy changes nothing except your own understanding.
"""

import jax, jax.numpy as jnp
import numpy as np

VOCAB = 100000
EMBED_DIM = 64
BATCH = 4096
SEQ = 200

def setup_inputs(seed: int = 0) -> dict:
    key = jax.random.key(seed)
    k1, k2, k3 = jax.random.split(key, 3)
    idx = jax.random.randint(k1, (BATCH, SEQ), 0, VOCAB, dtype=jnp.int64 if jax.config.jax_enable_x64 else jnp.int32).astype(jnp.int32)
    mask_idx = jax.random.randint(k2, (BATCH, SEQ), 0, 2, dtype=jnp.int32)
    W = jax.random.normal(k3, (VOCAB, EMBED_DIM), dtype=jnp.float32)
    # padding_idx=0: embedding row 0 is zeros
    W = W.at[0].set(0.0)
    return {"idx": idx, "mask_idx": mask_idx, "W": W}

def reference(idx, mask_idx, W):
    # Embedding lookup (gather rows from table)
    embeds = jnp.take(W, idx, axis=0)            # [B, L, D]
    mask_expanded = mask_idx[..., None].astype(jnp.float32)  # [B, L, 1]
    embeds = embeds * mask_expanded
    sum_embeds = jnp.sum(embeds, axis=1)         # [B, D]
    lens = jnp.clip(jnp.sum(mask_idx.astype(jnp.float32), axis=1, keepdims=True), 1e-9, None)  # [B, 1]
    return sum_embeds / lens

if __name__ == "__main__":
    import jax
    _d = setup_inputs()
    print(jax.jit(kernel)(*tuple(_d.values())))

</pallas_src>

<mosaic_0001>
#map = affine_map<(d0, d1) -> (0, 0)>
module attributes {stable_mosaic.version = 14 : i64} {
  func.func @_body(%arg0: i32, %arg1: i32, %arg2: memref<4096x200xi32, #tpu.memory_space<hbm>>, %arg3: memref<4096x200xi32, #tpu.memory_space<hbm>>, %arg4: memref<100352x64xf32, #tpu.memory_space<hbm>>, %arg5: memref<4096x64xf32, #tpu.memory_space<hbm>>, %arg6: memref<64x200xi32, #tpu.memory_space<vmem>>, %arg7: memref<64x200xi32, #tpu.memory_space<vmem>>, %arg8: memref<26640xi32, #tpu.memory_space<vmem>>, %arg9: memref<6288xi32, #tpu.memory_space<vmem>>, %arg10: memref<6288xi32, #tpu.memory_space<vmem>>, %arg11: memref<6288xi32, #tpu.memory_space<vmem>>, %arg12: memref<256x64xf32, #tpu.memory_space<vmem>>, %arg13: memref<256x64xf32, #tpu.memory_space<vmem>>, %arg14: memref<128x64xf32, #tpu.memory_space<vmem>>, %arg15: memref<128x16xf32, #tpu.memory_space<vmem>>, %arg16: memref<!tpu.dma_semaphore, #tpu.memory_space<semaphore_mem>>, %arg17: memref<!tpu.dma_semaphore, #tpu.memory_space<semaphore_mem>>) attributes {dimension_semantics = [#tpu.dimension_semantics<core_parallel>, #tpu.dimension_semantics<subcore_parallel>], iteration_bounds = array<i64: 2, 16>, scalar_prefetch = 0 : i64, scratch_operands = 12 : i64, tpu.core_type = #tpu.core_type<sc_vector_subcore>, window_params = [{transform_indices = #map}, {transform_indices = #map}, {transform_indices = #map}, {transform_indices = #map}]} {
    %mul3A = arith.constant 2 : i32
    %mul3A_0 = arith.muli %arg1, %mul3A : i32
    %add3A = arith.addi %mul3A_0, %arg0 : i32
    %mul3A_1 = arith.constant 128 : i32
    %mul3A_2 = arith.muli %add3A, %mul3A_1 : i32
    %iota3A = tpu.iota {dimensions = array<i32: 0>} : vector<16xi32>
    %ge3A = arith.constant 8 : i32
    %ge3A_3 = vector.broadcast %ge3A : i32 to vector<16xi32>
    %ge3A_4 = arith.cmpi sge, %iota3A, %ge3A_3 : vector<16xi32>
    %convert_element_type3A = arith.extui %ge3A_4 : vector<16xi1> to vector<16xi32>
    %broadcast_in_dim3A = arith.constant 1 : i32
    %broadcast_in_dim3A_5 = vector.broadcast %broadcast_in_dim3A : i32 to vector<16xi32>
    %broadcast_in_dim3A_6 = arith.constant 0 : i32
    %broadcast_in_dim3A_7 = vector.broadcast %broadcast_in_dim3A_6 : i32 to vector<16xi32>
    %broadcast_in_dim3A_8 = arith.constant 0.000000e+00 : f32
    %broadcast_in_dim3A_9 = vector.broadcast %broadcast_in_dim3A_8 : f32 to vector<16xf32>
    %scan3A = arith.constant 0 : i32
    %scan3A_10 = arith.constant 0 : i32
    %scan3A_11 = arith.constant 393 : i32
    %scan3A_12 = arith.addi %scan3A_10, %scan3A_11 : i32
    %scan3A_13 = arith.constant 1 : i32
    scf.for %scan3A_92 = %scan3A_10 to %scan3A_12 step %scan3A_13  : i32 {
      %mul3A_93 = arith.constant 16 : i32
      %mul3A_94 = arith.muli %scan3A_92, %mul3A_93 : i32
      %swap3A_95 = arith.index_cast %mul3A_94 : i32 to index
      %swap3A_96 = tpu.vector_load %arg9[%swap3A_95] {strides = array<i32>} : memref<6288xi32, #tpu.memory_space<vmem>>, vector<16xi32>,
      tpu.vector_store %arg9[%swap3A_95], %broadcast_in_dim3A_7 {strides = array<i32>} : memref<6288xi32, #tpu.memory_space<vmem>>, vector<16xi32>,
    }
    %scan3A_14 = arith.constant 393 : i32
    %scan3A_15 = arith.constant 0 : i32
    %scan3A_16 = arith.constant 0 : i32
    %scan3A_17 = arith.constant 128 : i32
    %scan3A_18 = arith.addi %scan3A_16, %scan3A_17 : i32
    %scan3A_19 = arith.constant 1 : i32
    scf.for %scan3A_92 = %scan3A_16 to %scan3A_18 step %scan3A_19  : i32 {
      %swap3A_93 = arith.index_cast %scan3A_92 : i32 to index
      %swap3A_94 = arith.constant 0 : index
      %swap3A_95 = tpu.vector_load %arg14[%swap3A_93, %swap3A_94] {strides = array<i32>} : memref<128x64xf32, #tpu.memory_space<vmem>>, vector<16xf32>,
      tpu.vector_store %arg14[%swap3A_93, %swap3A_94], %broadcast_in_dim3A_9 {strides = array<i32>} : memref<128x64xf32, #tpu.memory_space<vmem>>, vector<16xf32>,
      %swap3A_96 = arith.index_cast %scan3A_92 : i32 to index
      %swap3A_97 = arith.constant 16 : index
      %swap3A_98 = tpu.vector_load %arg14[%swap3A_96, %swap3A_97] {strides = array<i32>} : memref<128x64xf32, #tpu.memory_space<vmem>>, vector<16xf32>,
      tpu.vector_store %arg14[%swap3A_96, %swap3A_97], %broadcast_in_dim3A_9 {strides = array<i32>} : memref<128x64xf32, #tpu.memory_space<vmem>>, vector<16xf32>,
      %swap3A_99 = arith.index_cast %scan3A_92 : i32 to index
      %swap3A_100 = arith.constant 32 : index
      %swap3A_101 = tpu.vector_load %arg14[%swap3A_99, %swap3A_100] {strides = array<i32>} : memref<128x64xf32, #tpu.memory_space<vmem>>, vector<16xf32>,
      tpu.vector_store %arg14[%swap3A_99, %swap3A_100], %broadcast_in_dim3A_9 {strides = array<i32>} : memref<128x64xf32, #tpu.memory_space<vmem>>, vector<16xf32>,
      %swap3A_102 = arith.index_cast %scan3A_92 : i32 to index
      %swap3A_103 = arith.constant 48 : index
      %swap3A_104 = tpu.vector_load %arg14[%swap3A_102, %swap3A_103] {strides = array<i32>} : memref<128x64xf32, #tpu.memory_space<vmem>>, vector<16xf32>,
      tpu.vector_store %arg14[%swap3A_102, %swap3A_103], %broadcast_in_dim3A_9 {strides = array<i32>} : memref<128x64xf32, #tpu.memory_space<vmem>>, vector<16xf32>,
    }
    %scan3A_20 = arith.constant 128 : i32
    %add3A_21 = arith.constant 0 : i32
    %add3A_22 = arith.addi %mul3A_2, %add3A_21 : i32
    "tpu.region"() ({
      %run_scoped3A = tpu.sem_alloc : memref<!tpu.dma_semaphore, #tpu.memory_space<semaphore_mem>>
      %dma_start3A_92 = arith.constant 0 : i32
      %dma_start3A_93 = tpu.memref_slice %arg2[%add3A_22, %dma_start3A_92] : memref<4096x200xi32, #tpu.memory_space<hbm>> -> memref<64x200xi32, #tpu.memory_space<hbm>>
      %dma_start3A_94 = arith.constant 0 : i32
      %dma_start3A_95 = tpu.memref_slice %arg2[%add3A_22, %dma_start3A_94] : memref<4096x200xi32, #tpu.memory_space<hbm>> -> memref<64x200xi32, #tpu.memory_space<hbm>>
      tpu.enqueue_dma source(%dma_start3A_95 : memref<64x200xi32, #tpu.memory_space<hbm>>) target(%arg6 : memref<64x200xi32, #tpu.memory_space<vmem>>) target_semaphore(%run_scoped3A : memref<!tpu.dma_semaphore, #tpu.memory_space<semaphore_mem>>)
      %dma_wait3A_96 = arith.constant 0 : i32
      %dma_wait3A_97 = tpu.memref_slice %arg2[%add3A_22, %dma_wait3A_96] : memref<4096x200xi32, #tpu.memory_space<hbm>> -> memref<64x200xi32, #tpu.memory_space<hbm>>
      %dma_wait3A_98 = arith.constant 0 : i32
      %dma_wait3A_99 = tpu.memref_slice %arg2[%add3A_22, %dma_wait3A_98] : memref<4096x200xi32, #tpu.memory_space<hbm>> -> memref<64x200xi32, #tpu.memory_space<hbm>>
      tpu.wait_dma2 semaphore(%run_scoped3A : memref<!tpu.dma_semaphore, #tpu.memory_space<semaphore_mem>>) src(%dma_wait3A_99 : memref<64x200xi32, #tpu.memory_space<hbm>>) dst(%arg6 : memref<64x200xi32, #tpu.memory_space<vmem>>)
      tpu.yield
    }) : () -> ()
    %add3A_23 = arith.constant 0 : i32
    %add3A_24 = arith.addi %mul3A_2, %add3A_23 : i32
    "tpu.region"() ({
      %run_scoped3A = tpu.sem_alloc : memref<!tpu.dma_semaphore, #tpu.memory_space<semaphore_mem>>
      %dma_start3A_92 = arith.constant 0 : i32
      %dma_start3A_93 = tpu.memref_slice %arg3[%add3A_24, %dma_start3A_92] : memref<4096x200xi32, #tpu.memory_space<hbm>> -> memref<64x200xi32, #tpu.memory_space<hbm>>
      %dma_start3A_94 = arith.constant 0 : i32
      %dma_start3A_95 = tpu.memref_slice %arg3[%add3A_24, %dma_start3A_94] : memref<4096x200xi32, #tpu.memory_space<hbm>> -> memref<64x200xi32, #tpu.memory_space<hbm>>
      tpu.enqueue_dma source(%dma_start3A_95 : memref<64x200xi32, #tpu.memory_space<hbm>>) target(%arg7 : memref<64x200xi32, #tpu.memory_space<vmem>>) target_semaphore(%run_scoped3A : memref<!tpu.dma_semaphore, #tpu.memory_space<semaphore_mem>>)
      %dma_wait3A_96 = arith.constant 0 : i32
      %dma_wait3A_97 = tpu.memref_slice %arg3[%add3A_24, %dma_wait3A_96] : memref<4096x200xi32, #tpu.memory_space<hbm>> -> memref<64x200xi32, #tpu.memory_space<hbm>>
      %dma_wait3A_98 = arith.constant 0 : i32
      %dma_wait3A_99 = tpu.memref_slice %arg3[%add3A_24, %dma_wait3A_98] : memref<4096x200xi32, #tpu.memory_space<hbm>> -> memref<64x200xi32, #tpu.memory_space<hbm>>
      tpu.wait_dma2 semaphore(%run_scoped3A : memref<!tpu.dma_semaphore, #tpu.memory_space<semaphore_mem>>) src(%dma_wait3A_99 : memref<64x200xi32, #tpu.memory_space<hbm>>) dst(%arg7 : memref<64x200xi32, #tpu.memory_space<vmem>>)
      tpu.yield
    }) : () -> ()
    %scan3A_25 = arith.constant 0 : i32
    %scan3A_26 = arith.constant 0 : i32
    %scan3A_27 = arith.constant 64 : i32
    %scan3A_28 = arith.addi %scan3A_26, %scan3A_27 : i32
    %scan3A_29 = arith.constant 1 : i32
    scf.for %scan3A_92 = %scan3A_26 to %scan3A_28 step %scan3A_29  : i32 {
      %get3A = arith.index_cast %scan3A_92 : i32 to index
      %get3A_93 = arith.constant 0 : index
      %get3A_94 = tpu.vector_load %arg6[%get3A, %get3A_93] {strides = array<i32>} : memref<64x200xi32, #tpu.memory_space<vmem>>, vector<16xi32>,
      %get3A_95 = arith.index_cast %scan3A_92 : i32 to index
      %get3A_96 = arith.constant 0 : index
      %get3A_97 = tpu.vector_load %arg7[%get3A_95, %get3A_96] {strides = array<i32>} : memref<64x200xi32, #tpu.memory_space<vmem>>, vector<16xi32>,
      %shift_right_logical3A = arith.constant 8 : i32
      %shift_right_logical3A_98 = vector.broadcast %shift_right_logical3A : i32 to vector<16xi32>
      %shift_right_logical3A_99 = arith.shrui %get3A_94, %shift_right_logical3A_98 : vector<16xi32>
      %mul3A_100 = arith.constant 16 : i32
      %mul3A_101 = vector.broadcast %mul3A_100 : i32 to vector<16xi32>
      %mul3A_102 = arith.muli %shift_right_logical3A_99, %mul3A_101 : vector<16xi32>
      %add3A_103 = arith.addi %mul3A_102, %iota3A : vector<16xi32>
      %gt3A = arith.constant 0 : i32
      %gt3A_104 = vector.broadcast %gt3A : i32 to vector<16xi32>
      %gt3A_105 = arith.cmpi sgt, %get3A_97, %gt3A_104 : vector<16xi32>
      tpu.vector_store_idx %arg9[%add3A_103], %broadcast_in_dim3A_5 masked %gt3A_105 {add = true} : memref<6288xi32, #tpu.memory_space<vmem>>[vector<16xi32>], vector<16xi32>, vector<16xi1>
      %add3A_106 = arith.addi %broadcast_in_dim3A_7, %get3A_97 : vector<16xi32>
      %get3A_107 = arith.index_cast %scan3A_92 : i32 to index
      %get3A_108 = arith.constant 16 : index
      %get3A_109 = tpu.vector_load %arg6[%get3A_107, %get3A_108] {strides = array<i32>} : memref<64x200xi32, #tpu.memory_space<vmem>>, vector<16xi32>,
      %get3A_110 = arith.index_cast %scan3A_92 : i32 to index
      %get3A_111 = arith.constant 16 : index
      %get3A_112 = tpu.vector_load %arg7[%get3A_110, %get3A_111] {strides = array<i32>} : memref<64x200xi32, #tpu.memory_space<vmem>>, vector<16xi32>,
      %shift_right_logical3A_113 = arith.constant 8 : i32
      %shift_right_logical3A_114 = vector.broadcast %shift_right_logical3A_113 : i32 to vector<16xi32>
      %shift_right_logical3A_115 = arith.shrui %get3A_109, %shift_right_logical3A_114 : vector<16xi32>
      %mul3A_116 = arith.constant 16 : i32
      %mul3A_117 = vector.broadcast %mul3A_116 : i32 to vector<16xi32>
      %mul3A_118 = arith.muli %shift_right_logical3A_115, %mul3A_117 : vector<16xi32>
      %add3A_119 = arith.addi %mul3A_118, %iota3A : vector<16xi32>
      %gt3A_120 = arith.constant 0 : i32
      %gt3A_121 = vector.broadcast %gt3A_120 : i32 to vector<16xi32>
      %gt3A_122 = arith.cmpi sgt, %get3A_112, %gt3A_121 : vector<16xi32>
      tpu.vector_store_idx %arg9[%add3A_119], %broadcast_in_dim3A_5 masked %gt3A_122 {add = true} : memref<6288xi32, #tpu.memory_space<vmem>>[vector<16xi32>], vector<16xi32>, vector<16xi1>
      %add3A_123 = arith.addi %add3A_106, %get3A_112 : vector<16xi32>
      %get3A_124 = arith.index_cast %scan3A_92 : i32 to index
      %get3A_125 = arith.constant 32 : index
      %get3A_126 = tpu.vector_load %arg6[%get3A_124, %get3A_125] {strides = array<i32>} : memref<64x200xi32, #tpu.memory_space<vmem>>, vector<16xi32>,
      %get3A_127 = arith.index_cast %scan3A_92 : i32 to index
      %get3A_128 = arith.constant 32 : index
      %get3A_129 = tpu.vector_load %arg7[%get3A_127, %get3A_128] {strides = array<i32>} : memref<64x200xi32, #tpu.memory_space<vmem>>, vector<16xi32>,
      %shift_right_logical3A_130 = arith.constant 8 : i32
      %shift_right_logical3A_131 = vector.broadcast %shift_right_logical3A_130 : i32 to vector<16xi32>
      %shift_right_logical3A_132 = arith.shrui %get3A_126, %shift_right_logical3A_131 : vector<16xi32>
      %mul3A_133 = arith.constant 16 : i32
      %mul3A_134 = vector.broadcast %mul3A_133 : i32 to vector<16xi32>
      %mul3A_135 = arith.muli %shift_right_logical3A_132, %mul3A_134 : vector<16xi32>
      %add3A_136 = arith.addi %mul3A_135, %iota3A : vector<16xi32>
      %gt3A_137 = arith.constant 0 : i32
      %gt3A_138 = vector.broadcast %gt3A_137 : i32 to vector<16xi32>
      %gt3A_139 = arith.cmpi sgt, %get3A_129, %gt3A_138 : vector<16xi32>
      tpu.vector_store_idx %arg9[%add3A_136], %broadcast_in_dim3A_5 masked %gt3A_139 {add = true} : memref<6288xi32, #tpu.memory_space<vmem>>[vector<16xi32>], vector<16xi32>, vector<16xi1>
      %add3A_140 = arith.addi %add3A_123, %get3A_129 : vector<16xi32>
      %get3A_141 = arith.index_cast %scan3A_92 : i32 to index
      %get3A_142 = arith.constant 48 : index
      %get3A_143 = tpu.vector_load %arg6[%get3A_141, %get3A_142] {strides = array<i32>} : memref<64x200xi32, #tpu.memory_space<vmem>>, vector<16xi32>,
      %get3A_144 = arith.index_cast %scan3A_92 : i32 to index
      %get3A_145 = arith.constant 48 : index
      %get3A_146 = tpu.vector_load %arg7[%get3A_144, %get3A_145] {strides = array<i32>} : memref<64x200xi32, #tpu.memory_space<vmem>>, vector<16xi32>,
      %shift_right_logical3A_147 = arith.constant 8 : i32
      %shift_right_logical3A_148 = vector.broadcast %shift_right_logical3A_147 : i32 to vector<16xi32>
      %shift_right_logical3A_149 = arith.shrui %get3A_143, %shift_right_logical3A_148 : vector<16xi32>
      %mul3A_150 = arith.constant 16 : i32
      %mul3A_151 = vector.broadcast %mul3A_150 : i32 to vector<16xi32>
      %mul3A_152 = arith.muli %shift_right_logical3A_149, %mul3A_151 : vector<16xi32>
      %add3A_153 = arith.addi %mul3A_152, %iota3A : vector<16xi32>
      %gt3A_154 = arith.constant 0 : i32
      %gt3A_155 = vector.broadcast %gt3A_154 : i32 to vector<16xi32>
      %gt3A_156 = arith.cmpi sgt, %get3A_146, %gt3A_155 : vector<16xi32>
      tpu.vector_store_idx %arg9[%add3A_153], %broadcast_in_dim3A_5 masked %gt3A_156 {add = true} : memref<6288xi32, #tpu.memory_space<vmem>>[vector<16xi32>], vector<16xi32>, vector<16xi1>
      %add3A_157 = arith.addi %add3A_140, %get3A_146 : vector<16xi32>
      %get3A_158 = arith.index_cast %scan3A_92 : i32 to index
      %get3A_159 = arith.constant 64 : index
      %get3A_160 = tpu.vector_load %arg6[%get3A_158, %get3A_159] {strides = array<i32>} : memref<64x200xi32, #tpu.memory_space<vmem>>, vector<16xi32>,
      %get3A_161 = arith.index_cast %scan3A_92 : i32 to index
      %get3A_162 = arith.constant 64 : index
      %get3A_163 = tpu.vector_load %arg7[%get3A_161, %get3A_162] {strides = array<i32>} : memref<64x200xi32, #tpu.memory_space<vmem>>, vector<16xi32>,
      %shift_right_logical3A_164 = arith.constant 8 : i32
      %shift_right_logical3A_165 = vector.broadcast %shift_right_logical3A_164 : i32 to vector<16xi32>
      %shift_right_logical3A_166 = arith.shrui %get3A_160, %shift_right_logical3A_165 : vector<16xi32>
      %mul3A_167 = arith.constant 16 : i32
      %mul3A_168 = vector.broadcast %mul3A_167 : i32 to vector<16xi32>
      %mul3A_169 = arith.muli %shift_right_logical3A_166, %mul3A_168 : vector<16xi32>
      %add3A_170 = arith.addi %mul3A_169, %iota3A : vector<16xi32>
      %gt3A_171 = arith.constant 0 : i32
      %gt3A_172 = vector.broadcast %gt3A_171 : i32 to vector<16xi32>
      %gt3A_173 = arith.cmpi sgt, %get3A_163, %gt3A_172 : vector<16xi32>
      tpu.vector_store_idx %arg9[%add3A_170], %broadcast_in_dim3A_5 masked %gt3A_173 {add = true} : memref<6288xi32, #tpu.memory_space<vmem>>[vector<16xi32>], vector<16xi32>, vector<16xi1>
      %add3A_174 = arith.addi %add3A_157, %get3A_163 : vector<16xi32>
      %get3A_175 = arith.index_cast %scan3A_92 : i32 to index
      %get3A_176 = arith.constant 80 : index
      %get3A_177 = tpu.vector_load %arg6[%get3A_175, %get3A_176] {strides = array<i32>} : memref<64x200xi32, #tpu.memory_space<vmem>>, vector<16xi32>,
      %get3A_178 = arith.index_cast %scan3A_92 : i32 to index
      %get3A_179 = arith.constant 80 : index
      %get3A_180 = tpu.vector_load %arg7[%get3A_178, %get3A_179] {strides = array<i32>} : memref<64x200xi32, #tpu.memory_space<vmem>>, vector<16xi32>,
      %shift_right_logical3A_181 = arith.constant 8 : i32
      %shift_right_logical3A_182 = vector.broadcast %shift_right_logical3A_181 : i32 to vector<16xi32>
      %shift_right_logical3A_183 = arith.shrui %get3A_177, %shift_right_logical3A_182 : vector<16xi32>
      %mul3A_184 = arith.constant 16 : i32
      %mul3A_185 = vector.broadcast %mul3A_184 : i32 to vector<16xi32>
      %mul3A_186 = arith.muli %shift_right_logical3A_183, %mul3A_185 : vector<16xi32>
      %add3A_187 = arith.addi %mul3A_186, %iota3A : vector<16xi32>
      %gt3A_188 = arith.constant 0 : i32
      %gt3A_189 = vector.broadcast %gt3A_188 : i32 to vector<16xi32>
      %gt3A_190 = arith.cmpi sgt, %get3A_180, %gt3A_189 : vector<16xi32>
      tpu.vector_store_idx %arg9[%add3A_187], %broadcast_in_dim3A_5 masked %gt3A_190 {add = true} : memref<6288xi32, #tpu.memory_space<vmem>>[vector<16xi32>], vector<16xi32>, vector<16xi1>
      %add3A_191 = arith.addi %add3A_174, %get3A_180 : vector<16xi32>
      %get3A_192 = arith.index_cast %scan3A_92 : i32 to index
      %get3A_193 = arith.constant 96 : index
      %get3A_194 = tpu.vector_load %arg6[%get3A_192, %get3A_193] {strides = array<i32>} : memref<64x200xi32, #tpu.memory_space<vmem>>, vector<16xi32>,
      %get3A_195 = arith.index_cast %scan3A_92 : i32 to index
      %get3A_196 = arith.constant 96 : index
      %get3A_197 = tpu.vector_load %arg7[%get3A_195, %get3A_196] {strides = array<i32>} : memref<64x200xi32, #tpu.memory_space<vmem>>, vector<16xi32>,
      %shift_right_logical3A_198 = arith.constant 8 : i32
      %shift_right_logical3A_199 = vector.broadcast %shift_right_logical3A_198 : i32 to vector<16xi32>
      %shift_right_logical3A_200 = arith.shrui %get3A_194, %shift_right_logical3A_199 : vector<16xi32>
      %mul3A_201 = arith.constant 16 : i32
      %mul3A_202 = vector.broadcast %mul3A_201 : i32 to vector<16xi32>
      %mul3A_203 = arith.muli %shift_right_logical3A_200, %mul3A_202 : vector<16xi32>
      %add3A_204 = arith.addi %mul3A_203, %iota3A : vector<16xi32>
      %gt3A_205 = arith.constant 0 : i32
      %gt3A_206 = vector.broadcast %gt3A_205 : i32 to vector<16xi32>
      %gt3A_207 = arith.cmpi sgt, %get3A_197, %gt3A_206 : vector<16xi32>
      tpu.vector_store_idx %arg9[%add3A_204], %broadcast_in_dim3A_5 masked %gt3A_207 {add = true} : memref<6288xi32, #tpu.memory_space<vmem>>[vector<16xi32>], vector<16xi32>, vector<16xi1>
      %add3A_208 = arith.addi %add3A_191, %get3A_197 : vector<16xi32>
      %get3A_209 = arith.index_cast %scan3A_92 : i32 to index
      %get3A_210 = arith.constant 112 : index
      %get3A_211 = tpu.vector_load %arg6[%get3A_209, %get3A_210] {strides = array<i32>} : memref<64x200xi32, #tpu.memory_space<vmem>>, vector<16xi32>,
      %get3A_212 = arith.index_cast %scan3A_92 : i32 to index
      %get3A_213 = arith.constant 112 : index
      %get3A_214 = tpu.vector_load %arg7[%get3A_212, %get3A_213] {strides = array<i32>} : memref<64x200xi32, #tpu.memory_space<vmem>>, vector<16xi32>,
      %shift_right_logical3A_215 = arith.constant 8 : i32
      %shift_right_logical3A_216 = vector.broadcast %shift_right_logical3A_215 : i32 to vector<16xi32>
      %shift_right_logical3A_217 = arith.shrui %get3A_211, %shift_right_logical3A_216 : vector<16xi32>
      %mul3A_218 = arith.constant 16 : i32
      %mul3A_219 = vector.broadcast %mul3A_218 : i32 to vector<16xi32>
      %mul3A_220 = arith.muli %shift_right_logical3A_217, %mul3A_219 : vector<16xi32>
      %add3A_221 = arith.addi %mul3A_220, %iota3A : vector<16xi32>
      %gt3A_222 = arith.constant 0 : i32
      %gt3A_223 = vector.broadcast %gt3A_222 : i32 to vector<16xi32>
      %gt3A_224 = arith.cmpi sgt, %get3A_214, %gt3A_223 : vector<16xi32>
      tpu.vector_store_idx %arg9[%add3A_221], %broadcast_in_dim3A_5 masked %gt3A_224 {add = true} : memref<6288xi32, #tpu.memory_space<vmem>>[vector<16xi32>], vector<16xi32>, vector<16xi1>
      %add3A_225 = arith.addi %add3A_208, %get3A_214 : vector<16xi32>
      %get3A_226 = arith.index_cast %scan3A_92 : i32 to index
      %get3A_227 = arith.constant 128 : index
      %get3A_228 = tpu.vector_load %arg6[%get3A_226, %get3A_227] {strides = array<i32>} : memref<64x200xi32, #tpu.memory_space<vmem>>, vector<16xi32>,
      %get3A_229 = arith.index_cast %scan3A_92 : i32 to index
      %get3A_230 = arith.constant 128 : index
      %get3A_231 = tpu.vector_load %arg7[%get3A_229, %get3A_230] {strides = array<i32>} : memref<64x200xi32, #tpu.memory_space<vmem>>, vector<16xi32>,
      %shift_right_logical3A_232 = arith.constant 8 : i32
      %shift_right_logical3A_233 = vector.broadcast %shift_right_logical3A_232 : i32 to vector<16xi32>
      %shift_right_logical3A_234 = arith.shrui %get3A_228, %shift_right_logical3A_233 : vector<16xi32>
      %mul3A_235 = arith.constant 16 : i32
      %mul3A_236 = vector.broadcast %mul3A_235 : i32 to vector<16xi32>
      %mul3A_237 = arith.muli %shift_right_logical3A_234, %mul3A_236 : vector<16xi32>
      %add3A_238 = arith.addi %mul3A_237, %iota3A : vector<16xi32>
      %gt3A_239 = arith.constant 0 : i32
      %gt3A_240 = vector.broadcast %gt3A_239 : i32 to vector<16xi32>
      %gt3A_241 = arith.cmpi sgt, %get3A_231, %gt3A_240 : vector<16xi32>
      tpu.vector_store_idx %arg9[%add3A_238], %broadcast_in_dim3A_5 masked %gt3A_241 {add = true} : memref<6288xi32, #tpu.memory_space<vmem>>[vector<16xi32>], vector<16xi32>, vector<16xi1>
      %add3A_242 = arith.addi %add3A_225, %get3A_231 : vector<16xi32>
      %get3A_243 = arith.index_cast %scan3A_92 : i32 to index
      %get3A_244 = arith.constant 144 : index
      %get3A_245 = tpu.vector_load %arg6[%get3A_243, %get3A_244] {strides = array<i32>} : memref<64x200xi32, #tpu.memory_space<vmem>>, vector<16xi32>,
      %get3A_246 = arith.index_cast %scan3A_92 : i32 to index
      %get3A_247 = arith.constant 144 : index
      %get3A_248 = tpu.vector_load %arg7[%get3A_246, %get3A_247] {strides = array<i32>} : memref<64x200xi32, #tpu.memory_space<vmem>>, vector<16xi32>,
      %shift_right_logical3A_249 = arith.constant 8 : i32
      %shift_right_logical3A_250 = vector.broadcast %shift_right_logical3A_249 : i32 to vector<16xi32>
      %shift_right_logical3A_251 = arith.shrui %get3A_245, %shift_right_logical3A_250 : vector<16xi32>
      %mul3A_252 = arith.constant 16 : i32
      %mul3A_253 = vector.broadcast %mul3A_252 : i32 to vector<16xi32>
      %mul3A_254 = arith.muli %shift_right_logical3A_251, %mul3A_253 : vector<16xi32>
      %add3A_255 = arith.addi %mul3A_254, %iota3A : vector<16xi32>
      %gt3A_256 = arith.constant 0 : i32
      %gt3A_257 = vector.broadcast %gt3A_256 : i32 to vector<16xi32>
      %gt3A_258 = arith.cmpi sgt, %get3A_248, %gt3A_257 : vector<16xi32>
      tpu.vector_store_idx %arg9[%add3A_255], %broadcast_in_dim3A_5 masked %gt3A_258 {add = true} : memref<6288xi32, #tpu.memory_space<vmem>>[vector<16xi32>], vector<16xi32>, vector<16xi1>
      %add3A_259 = arith.addi %add3A_242, %get3A_248 : vector<16xi32>
      %get3A_260 = arith.index_cast %scan3A_92 : i32 to index
      %get3A_261 = arith.constant 160 : index
      %get3A_262 = tpu.vector_load %arg6[%get3A_260, %get3A_261] {strides = array<i32>} : memref<64x200xi32, #tpu.memory_space<vmem>>, vector<16xi32>,
      %get3A_263 = arith.index_cast %scan3A_92 : i32 to index
      %get3A_264 = arith.constant 160 : index
      %get3A_265 = tpu.vector_load %arg7[%get3A_263, %get3A_264] {strides = array<i32>} : memref<64x200xi32, #tpu.memory_space<vmem>>, vector<16xi32>,
      %shift_right_logical3A_266 = arith.constant 8 : i32
      %shift_right_logical3A_267 = vector.broadcast %shift_right_logical3A_266 : i32 to vector<16xi32>
      %shift_right_logical3A_268 = arith.shrui %get3A_262, %shift_right_logical3A_267 : vector<16xi32>
      %mul3A_269 = arith.constant 16 : i32
      %mul3A_270 = vector.broadcast %mul3A_269 : i32 to vector<16xi32>
      %mul3A_271 = arith.muli %shift_right_logical3A_268, %mul3A_270 : vector<16xi32>
      %add3A_272 = arith.addi %mul3A_271, %iota3A : vector<16xi32>
      %gt3A_273 = arith.constant 0 : i32
      %gt3A_274 = vector.broadcast %gt3A_273 : i32 to vector<16xi32>
      %gt3A_275 = arith.cmpi sgt, %get3A_265, %gt3A_274 : vector<16xi32>
      tpu.vector_store_idx %arg9[%add3A_272], %broadcast_in_dim3A_5 masked %gt3A_275 {add = true} : memref<6288xi32, #tpu.memory_space<vmem>>[vector<16xi32>], vector<16xi32>, vector<16xi1>
      %add3A_276 = arith.addi %add3A_259, %get3A_265 : vector<16xi32>
      %get3A_277 = arith.index_cast %scan3A_92 : i32 to index
      %get3A_278 = arith.constant 176 : index
      %get3A_279 = tpu.vector_load %arg6[%get3A_277, %get3A_278] {strides = array<i32>} : memref<64x200xi32, #tpu.memory_space<vmem>>, vector<16xi32>,
      %get3A_280 = arith.index_cast %scan3A_92 : i32 to index
      %get3A_281 = arith.constant 176 : index
      %get3A_282 = tpu.vector_load %arg7[%get3A_280, %get3A_281] {strides = array<i32>} : memref<64x200xi32, #tpu.memory_space<vmem>>, vector<16xi32>,
      %shift_right_logical3A_283 = arith.constant 8 : i32
      %shift_right_logical3A_284 = vector.broadcast %shift_right_logical3A_283 : i32 to vector<16xi32>
      %shift_right_logical3A_285 = arith.shrui %get3A_279, %shift_right_logical3A_284 : vector<16xi32>
      %mul3A_286 = arith.constant 16 : i32
      %mul3A_287 = vector.broadcast %mul3A_286 : i32 to vector<16xi32>
      %mul3A_288 = arith.muli %shift_right_logical3A_285, %mul3A_287 : vector<16xi32>
      %add3A_289 = arith.addi %mul3A_288, %iota3A : vector<16xi32>
      %gt3A_290 = arith.constant 0 : i32
      %gt3A_291 = vector.broadcast %gt3A_290 : i32 to vector<16xi32>
      %gt3A_292 = arith.cmpi sgt, %get3A_282, %gt3A_291 : vector<16xi32>
      tpu.vector_store_idx %arg9[%add3A_289], %broadcast_in_dim3A_5 masked %gt3A_292 {add = true} : memref<6288xi32, #tpu.memory_space<vmem>>[vector<16xi32>], vector<16xi32>, vector<16xi1>
      %add3A_293 = arith.addi %add3A_276, %get3A_282 : vector<16xi32>
      %get3A_294 = arith.index_cast %scan3A_92 : i32 to index
      %get3A_295 = arith.constant 184 : index
      %get3A_296 = tpu.vector_load %arg6[%get3A_294, %get3A_295] {strides = array<i32>} : memref<64x200xi32, #tpu.memory_space<vmem>>, vector<16xi32>,
      %get3A_297 = arith.index_cast %scan3A_92 : i32 to index
      %get3A_298 = arith.constant 184 : index
      %get3A_299 = tpu.vector_load %arg7[%get3A_297, %get3A_298] {strides = array<i32>} : memref<64x200xi32, #tpu.memory_space<vmem>>, vector<16xi32>,
      %mul3A_300 = arith.muli %get3A_299, %convert_element_type3A : vector<16xi32>
      %shift_right_logical3A_301 = arith.constant 8 : i32
      %shift_right_logical3A_302 = vector.broadcast %shift_right_logical3A_301 : i32 to vector<16xi32>
      %shift_right_logical3A_303 = arith.shrui %get3A_296, %shift_right_logical3A_302 : vector<16xi32>
      %mul3A_304 = arith.constant 16 : i32
      %mul3A_305 = vector.broadcast %mul3A_304 : i32 to vector<16xi32>
      %mul3A_306 = arith.muli %shift_right_logical3A_303, %mul3A_305 : vector<16xi32>
      %add3A_307 = arith.addi %mul3A_306, %iota3A : vector<16xi32>
      %gt3A_308 = arith.constant 0 : i32
      %gt3A_309 = vector.broadcast %gt3A_308 : i32 to vector<16xi32>
      %gt3A_310 = arith.cmpi sgt, %mul3A_300, %gt3A_309 : vector<16xi32>
      tpu.vector_store_idx %arg9[%add3A_307], %broadcast_in_dim3A_5 masked %gt3A_310 {add = true} : memref<6288xi32, #tpu.memory_space<vmem>>[vector<16xi32>], vector<16xi32>, vector<16xi1>
      %add3A_311 = arith.addi %add3A_293, %mul3A_300 : vector<16xi32>
      %reduce_sum3A = arith.constant true
      %reduce_sum3A_312 = vector.broadcast %reduce_sum3A : i1 to vector<16xi1>
      %reduce_sum3A_313 = tpu.scan <sum>, %add3A_311 masked %reduce_sum3A_312 : vector<16xi32>, vector<16xi1> -> vector<16xi32>
      %reduce_sum3A_314 = vector.extract %reduce_sum3A_313[15] : i32 from vector<16xi32>
      %convert_element_type3A_315 = arith.sitofp %reduce_sum3A_314 : i32 to f32
      %broadcast_in_dim3A_316 = vector.broadcast %convert_element_type3A_315 : f32 to vector<16xf32>
      %max3A = arith.constant 9.99999971E-10 : f32
      %max3A_317 = vector.broadcast %max3A : f32 to vector<16xf32>
      %max3A_318 = arith.maximumf %broadcast_in_dim3A_316, %max3A_317 : vector<16xf32>
      %add3A_319 = arith.constant 0 : i32
      %add3A_320 = arith.addi %add3A_319, %scan3A_92 : i32
      %swap3A_321 = arith.index_cast %add3A_320 : i32 to index
      %swap3A_322 = arith.constant 0 : index
      %swap3A_323 = tpu.vector_load %arg15[%swap3A_321, %swap3A_322] {strides = array<i32>} : memref<128x16xf32, #tpu.memory_space<vmem>>, vector<16xf32>,
      tpu.vector_store %arg15[%swap3A_321, %swap3A_322], %max3A_318 {strides = array<i32>} : memref<128x16xf32, #tpu.memory_space<vmem>>, vector<16xf32>,
    }
    %scan3A_30 = arith.constant 64 : i32
    %add3A_31 = arith.constant 64 : i32
    %add3A_32 = arith.addi %mul3A_2, %add3A_31 : i32
    "tpu.region"() ({
      %run_scoped3A = tpu.sem_alloc : memref<!tpu.dma_semaphore, #tpu.memory_space<semaphore_mem>>
      %dma_start3A_92 = arith.constant 0 : i32
      %dma_start3A_93 = tpu.memref_slice %arg2[%add3A_32, %dma_start3A_92] : memref<4096x200xi32, #tpu.memory_space<hbm>> -> memref<64x200xi32, #tpu.memory_space<hbm>>
      %dma_start3A_94 = arith.constant 0 : i32
      %dma_start3A_95 = tpu.memref_slice %arg2[%add3A_32, %dma_start3A_94] : memref<4096x200xi32, #tpu.memory_space<hbm>> -> memref<64x200xi32, #tpu.memory_space<hbm>>
      tpu.enqueue_dma source(%dma_start3A_95 : memref<64x200xi32, #tpu.memory_space<hbm>>) target(%arg6 : memref<64x200xi32, #tpu.memory_space<vmem>>) target_semaphore(%run_scoped3A : memref<!tpu.dma_semaphore, #tpu.memory_space<semaphore_mem>>)
      %dma_wait3A_96 = arith.constant 0 : i32
      %dma_wait3A_97 = tpu.memref_slice %arg2[%add3A_32, %dma_wait3A_96] : memref<4096x200xi32, #tpu.memory_space<hbm>> -> memref<64x200xi32, #tpu.memory_space<hbm>>
      %dma_wait3A_98 = arith.constant 0 : i32
      %dma_wait3A_99 = tpu.memref_slice %arg2[%add3A_32, %dma_wait3A_98] : memref<4096x200xi32, #tpu.memory_space<hbm>> -> memref<64x200xi32, #tpu.memory_space<hbm>>
      tpu.wait_dma2 semaphore(%run_scoped3A : memref<!tpu.dma_semaphore, #tpu.memory_space<semaphore_mem>>) src(%dma_wait3A_99 : memref<64x200xi32, #tpu.memory_space<hbm>>) dst(%arg6 : memref<64x200xi32, #tpu.memory_space<vmem>>)
      tpu.yield
    }) : () -> ()
    %add3A_33 = arith.constant 64 : i32
    %add3A_34 = arith.addi %mul3A_2, %add3A_33 : i32
    "tpu.region"() ({
      %run_scoped3A = tpu.sem_alloc : memref<!tpu.dma_semaphore, #tpu.memory_space<semaphore_mem>>
      %dma_start3A_92 = arith.constant 0 : i32
      %dma_start3A_93 = tpu.memref_slice %arg3[%add3A_34, %dma_start3A_92] : memref<4096x200xi32, #tpu.memory_space<hbm>> -> memref<64x200xi32, #tpu.memory_space<hbm>>
      %dma_start3A_94 = arith.constant 0 : i32
      %dma_start3A_95 = tpu.memref_slice %arg3[%add3A_34, %dma_start3A_94] : memref<4096x200xi32, #tpu.memory_space<hbm>> -> memref<64x200xi32, #tpu.memory_space<hbm>>
      tpu.enqueue_dma source(%dma_start3A_95 : memref<64x200xi32, #tpu.memory_space<hbm>>) target(%arg7 : memref<64x200xi32, #tpu.memory_space<vmem>>) target_semaphore(%run_scoped3A : memref<!tpu.dma_semaphore, #tpu.memory_space<semaphore_mem>>)
      %dma_wait3A_96 = arith.constant 0 : i32
      %dma_wait3A_97 = tpu.memref_slice %arg3[%add3A_34, %dma_wait3A_96] : memref<4096x200xi32, #tpu.memory_space<hbm>> -> memref<64x200xi32, #tpu.memory_space<hbm>>
      %dma_wait3A_98 = arith.constant 0 : i32
      %dma_wait3A_99 = tpu.memref_slice %arg3[%add3A_34, %dma_wait3A_98] : memref<4096x200xi32, #tpu.memory_space<hbm>> -> memref<64x200xi32, #tpu.memory_space<hbm>>
      tpu.wait_dma2 semaphore(%run_scoped3A : memref<!tpu.dma_semaphore, #tpu.memory_space<semaphore_mem>>) src(%dma_wait3A_99 : memref<64x200xi32, #tpu.memory_space<hbm>>) dst(%arg7 : memref<64x200xi32, #tpu.memory_space<vmem>>)
      tpu.yield
    }) : () -> ()
    %scan3A_35 = arith.constant 0 : i32
    %scan3A_36 = arith.constant 0 : i32
    %scan3A_37 = arith.constant 64 : i32
    %scan3A_38 = arith.addi %scan3A_36, %scan3A_37 : i32
    %scan3A_39 = arith.constant 1 : i32
    scf.for %scan3A_92 = %scan3A_36 to %scan3A_38 step %scan3A_39  : i32 {
      %get3A = arith.index_cast %scan3A_92 : i32 to index
      %get3A_93 = arith.constant 0 : index
      %get3A_94 = tpu.vector_load %arg6[%get3A, %get3A_93] {strides = array<i32>} : memref<64x200xi32, #tpu.memory_space<vmem>>, vector<16xi32>,
      %get3A_95 = arith.index_cast %scan3A_92 : i32 to index
      %get3A_96 = arith.constant 0 : index
      %get3A_97 = tpu.vector_load %arg7[%get3A_95, %get3A_96] {strides = array<i32>} : memref<64x200xi32, #tpu.memory_space<vmem>>, vector<16xi32>,
      %shift_right_logical3A = arith.constant 8 : i32
      %shift_right_logical3A_98 = vector.broadcast %shift_right_logical3A : i32 to vector<16xi32>
      %shift_right_logical3A_99 = arith.shrui %get3A_94, %shift_right_logical3A_98 : vector<16xi32>
      %mul3A_100 = arith.constant 16 : i32
      %mul3A_101 = vector.broadcast %mul3A_100 : i32 to vector<16xi32>
      %mul3A_102 = arith.muli %shift_right_logical3A_99, %mul3A_101 : vector<16xi32>
      %add3A_103 = arith.addi %mul3A_102, %iota3A : vector<16xi32>
      %gt3A = arith.constant 0 : i32
      %gt3A_104 = vector.broadcast %gt3A : i32 to vector<16xi32>
      %gt3A_105 = arith.cmpi sgt, %get3A_97, %gt3A_104 : vector<16xi32>
      tpu.vector_store_idx %arg9[%add3A_103], %broadcast_in_dim3A_5 masked %gt3A_105 {add = true} : memref<6288xi32, #tpu.memory_space<vmem>>[vector<16xi32>], vector<16xi32>, vector<16xi1>
      %add3A_106 = arith.addi %broadcast_in_dim3A_7, %get3A_97 : vector<16xi32>
      %get3A_107 = arith.index_cast %scan3A_92 : i32 to index
      %get3A_108 = arith.constant 16 : index
      %get3A_109 = tpu.vector_load %arg6[%get3A_107, %get3A_108] {strides = array<i32>} : memref<64x200xi32, #tpu.memory_space<vmem>>, vector<16xi32>,
      %get3A_110 = arith.index_cast %scan3A_92 : i32 to index
      %get3A_111 = arith.constant 16 : index
      %get3A_112 = tpu.vector_load %arg7[%get3A_110, %get3A_111] {strides = array<i32>} : memref<64x200xi32, #tpu.memory_space<vmem>>, vector<16xi32>,
      %shift_right_logical3A_113 = arith.constant 8 : i32
      %shift_right_logical3A_114 = vector.broadcast %shift_right_logical3A_113 : i32 to vector<16xi32>
      %shift_right_logical3A_115 = arith.shrui %get3A_109, %shift_right_logical3A_114 : vector<16xi32>
      %mul3A_116 = arith.constant 16 : i32
      %mul3A_117 = vector.broadcast %mul3A_116 : i32 to vector<16xi32>
      %mul3A_118 = arith.muli %shift_right_logical3A_115, %mul3A_117 : vector<16xi32>
      %add3A_119 = arith.addi %mul3A_118, %iota3A : vector<16xi32>
      %gt3A_120 = arith.constant 0 : i32
      %gt3A_121 = vector.broadcast %gt3A_120 : i32 to vector<16xi32>
      %gt3A_122 = arith.cmpi sgt, %get3A_112, %gt3A_121 : vector<16xi32>
      tpu.vector_store_idx %arg9[%add3A_119], %broadcast_in_dim3A_5 masked %gt3A_122 {add = true} : memref<6288xi32, #tpu.memory_space<vmem>>[vector<16xi32>], vector<16xi32>, vector<16xi1>
      %add3A_123 = arith.addi %add3A_106, %get3A_112 : vector<16xi32>
      %get3A_124 = arith.index_cast %scan3A_92 : i32 to index
      %get3A_125 = arith.constant 32 : index
      %get3A_126 = tpu.vector_load %arg6[%get3A_124, %get3A_125] {strides = array<i32>} : memref<64x200xi32, #tpu.memory_space<vmem>>, vector<16xi32>,
      %get3A_127 = arith.index_cast %scan3A_92 : i32 to index
      %get3A_128 = arith.constant 32 : index
      %get3A_129 = tpu.vector_load %arg7[%get3A_127, %get3A_128] {strides = array<i32>} : memref<64x200xi32, #tpu.memory_space<vmem>>, vector<16xi32>,
      %shift_right_logical3A_130 = arith.constant 8 : i32
      %shift_right_logical3A_131 = vector.broadcast %shift_right_logical3A_130 : i32 to vector<16xi32>
      %shift_right_logical3A_132 = arith.shrui %get3A_126, %shift_right_logical3A_131 : vector<16xi32>
      %mul3A_133 = arith.constant 16 : i32
      %mul3A_134 = vector.broadcast %mul3A_133 : i32 to vector<16xi32>
      %mul3A_135 = arith.muli %shift_right_logical3A_132, %mul3A_134 : vector<16xi32>
      %add3A_136 = arith.addi %mul3A_135, %iota3A : vector<16xi32>
      %gt3A_137 = arith.constant 0 : i32
      %gt3A_138 = vector.broadcast %gt3A_137 : i32 to vector<16xi32>
      %gt3A_139 = arith.cmpi sgt, %get3A_129, %gt3A_138 : vector<16xi32>
      tpu.vector_store_idx %arg9[%add3A_136], %broadcast_in_dim3A_5 masked %gt3A_139 {add = true} : memref<6288xi32, #tpu.memory_space<vmem>>[vector<16xi32>], vector<16xi32>, vector<16xi1>
      %add3A_140 = arith.addi %add3A_123, %get3A_129 : vector<16xi32>
      %get3A_141 = arith.index_cast %scan3A_92 : i32 to index
      %get3A_142 = arith.constant 48 : index
      %get3A_143 = tpu.vector_load %arg6[%get3A_141, %get3A_142] {strides = array<i32>} : memref<64x200xi32, #tpu.memory_space<vmem>>, vector<16xi32>,
      %get3A_144 = arith.index_cast %scan3A_92 : i32 to index
      %get3A_145 = arith.constant 48 : index
      %get3A_146 = tpu.vector_load %arg7[%get3A_144, %get3A_145] {strides = array<i32>} : memref<64x200xi32, #tpu.memory_space<vmem>>, vector<16xi32>,
      %shift_right_logical3A_147 = arith.constant 8 : i32
      %shift_right_logical3A_148 = vector.broadcast %shift_right_logical3A_147 : i32 to vector<16xi32>
      %shift_right_logical3A_149 = arith.shrui %get3A_143, %shift_right_logical3A_148 : vector<16xi32>
      %mul3A_150 = arith.constant 16 : i32
      %mul3A_151 = vector.broadcast %mul3A_150 : i32 to vector<16xi32>
      %mul3A_152 = arith.muli %shift_right_logical3A_149, %mul3A_151 : vector<16xi32>
      %add3A_153 = arith.addi %mul3A_152, %iota3A : vector<16xi32>
      %gt3A_154 = arith.constant 0 : i32
      %gt3A_155 = vector.broadcast %gt3A_154 : i32 to vector<16xi32>
      %gt3A_156 = arith.cmpi sgt, %get3A_146, %gt3A_155 : vector<16xi32>
      tpu.vector_store_idx %arg9[%add3A_153], %broadcast_in_dim3A_5 masked %gt3A_156 {add = true} : memref<6288xi32, #tpu.memory_space<vmem>>[vector<16xi32>], vector<16xi32>, vector<16xi1>
      %add3A_157 = arith.addi %add3A_140, %get3A_146 : vector<16xi32>
      %get3A_158 = arith.index_cast %scan3A_92 : i32 to index
      %get3A_159 = arith.constant 64 : index
      %get3A_160 = tpu.vector_load %arg6[%get3A_158, %get3A_159] {strides = array<i32>} : memref<64x200xi32, #tpu.memory_space<vmem>>, vector<16xi32>,
      %get3A_161 = arith.index_cast %scan3A_92 : i32 to index
      %get3A_162 = arith.constant 64 : index
      %get3A_163 = tpu.vector_load %arg7[%get3A_161, %get3A_162] {strides = array<i32>} : memref<64x200xi32, #tpu.memory_space<vmem>>, vector<16xi32>,
      %shift_right_logical3A_164 = arith.constant 8 : i32
      %shift_right_logical3A_165 = vector.broadcast %shift_right_logical3A_164 : i32 to vector<16xi32>
      %shift_right_logical3A_166 = arith.shrui %get3A_160, %shift_right_logical3A_165 : vector<16xi32>
      %mul3A_167 = arith.constant 16 : i32
      %mul3A_168 = vector.broadcast %mul3A_167 : i32 to vector<16xi32>
      %mul3A_169 = arith.muli %shift_right_logical3A_166, %mul3A_168 : vector<16xi32>
      %add3A_170 = arith.addi %mul3A_169, %iota3A : vector<16xi32>
      %gt3A_171 = arith.constant 0 : i32
      %gt3A_172 = vector.broadcast %gt3A_171 : i32 to vector<16xi32>
      %gt3A_173 = arith.cmpi sgt, %get3A_163, %gt3A_172 : vector<16xi32>
      tpu.vector_store_idx %arg9[%add3A_170], %broadcast_in_dim3A_5 masked %gt3A_173 {add = true} : memref<6288xi32, #tpu.memory_space<vmem>>[vector<16xi32>], vector<16xi32>, vector<16xi1>
      %add3A_174 = arith.addi %add3A_157, %get3A_163 : vector<16xi32>
      %get3A_175 = arith.index_cast %scan3A_92 : i32 to index
      %get3A_176 = arith.constant 80 : index
      %get3A_177 = tpu.vector_load %arg6[%get3A_175, %get3A_176] {strides = array<i32>} : memref<64x200xi32, #tpu.memory_space<vmem>>, vector<16xi32>,
      %get3A_178 = arith.index_cast %scan3A_92 : i32 to index
      %get3A_179 = arith.constant 80 : index
      %get3A_180 = tpu.vector_load %arg7[%get3A_178, %get3A_179] {strides = array<i32>} : memref<64x200xi32, #tpu.memory_space<vmem>>, vector<16xi32>,
      %shift_right_logical3A_181 = arith.constant 8 : i32
      %shift_right_logical3A_182 = vector.broadcast %shift_right_logical3A_181 : i32 to vector<16xi32>
      %shift_right_logical3A_183 = arith.shrui %get3A_177, %shift_right_logical3A_182 : vector<16xi32>
      %mul3A_184 = arith.constant 16 : i32
      %mul3A_185 = vector.broadcast %mul3A_184 : i32 to vector<16xi32>
      %mul3A_186 = arith.muli %shift_right_logical3A_183, %mul3A_185 : vector<16xi32>
      %add3A_187 = arith.addi %mul3A_186, %iota3A : vector<16xi32>
      %gt3A_188 = arith.constant 0 : i32
      %gt3A_189 = vector.broadcast %gt3A_188 : i32 to vector<16xi32>
      %gt3A_190 = arith.cmpi sgt, %get3A_180, %gt3A_189 : vector<16xi32>
      tpu.vector_store_idx %arg9[%add3A_187], %broadcast_in_dim3A_5 masked %gt3A_190 {add = true} : memref<6288xi32, #tpu.memory_space<vmem>>[vector<16xi32>], vector<16xi32>, vector<16xi1>
      %add3A_191 = arith.addi %add3A_174, %get3A_180 : vector<16xi32>
      %get3A_192 = arith.index_cast %scan3A_92 : i32 to index
      %get3A_193 = arith.constant 96 : index
      %get3A_194 = tpu.vector_load %arg6[%get3A_192, %get3A_193] {strides = array<i32>} : memref<64x200xi32, #tpu.memory_space<vmem>>, vector<16xi32>,
      %get3A_195 = arith.index_cast %scan3A_92 : i32 to index
      %get3A_196 = arith.constant 96 : index
      %get3A_197 = tpu.vector_load %arg7[%get3A_195, %get3A_196] {strides = array<i32>} : memref<64x200xi32, #tpu.memory_space<vmem>>, vector<16xi32>,
      %shift_right_logical3A_198 = arith.constant 8 : i32
      %shift_right_logical3A_199 = vector.broadcast %shift_right_logical3A_198 : i32 to vector<16xi32>
      %shift_right_logical3A_200 = arith.shrui %get3A_194, %shift_right_logical3A_199 : vector<16xi32>
      %mul3A_201 = arith.constant 16 : i32
      %mul3A_202 = vector.broadcast %mul3A_201 : i32 to vector<16xi32>
      %mul3A_203 = arith.muli %shift_right_logical3A_200, %mul3A_202 : vector<16xi32>
      %add3A_204 = arith.addi %mul3A_203, %iota3A : vector<16xi32>
      %gt3A_205 = arith.constant 0 : i32
      %gt3A_206 = vector.broadcast %gt3A_205 : i32 to vector<16xi32>
      %gt3A_207 = arith.cmpi sgt, %get3A_197, %gt3A_206 : vector<16xi32>
      tpu.vector_store_idx %arg9[%add3A_204], %broadcast_in_dim3A_5 masked %gt3A_207 {add = true} : memref<6288xi32, #tpu.memory_space<vmem>>[vector<16xi32>], vector<16xi32>, vector<16xi1>
      %add3A_208 = arith.addi %add3A_191, %get3A_197 : vector<16xi32>
      %get3A_209 = arith.index_cast %scan3A_92 : i32 to index
      %get3A_210 = arith.constant 112 : index
      %get3A_211 = tpu.vector_load %arg6[%get3A_209, %get3A_210] {strides = array<i32>} : memref<64x200xi32, #tpu.memory_space<vmem>>, vector<16xi32>,
      %get3A_212 = arith.index_cast %scan3A_92 : i32 to index
      %get3A_213 = arith.constant 112 : index
      %get3A_214 = tpu.vector_load %arg7[%get3A_212, %get3A_213] {strides = array<i32>} : memref<64x200xi32, #tpu.memory_space<vmem>>, vector<16xi32>,
      %shift_right_logical3A_215 = arith.constant 8 : i32
      %shift_right_logical3A_216 = vector.broadcast %shift_right_logical3A_215 : i32 to vector<16xi32>
      %shift_right_logical3A_217 = arith.shrui %get3A_211, %shift_right_logical3A_216 : vector<16xi32>
      %mul3A_218 = arith.constant 16 : i32
      %mul3A_219 = vector.broadcast %mul3A_218 : i32 to vector<16xi32>
      %mul3A_220 = arith.muli %shift_right_logical3A_217, %mul3A_219 : vector<16xi32>
      %add3A_221 = arith.addi %mul3A_220, %iota3A : vector<16xi32>
      %gt3A_222 = arith.constant 0 : i32
      %gt3A_223 = vector.broadcast %gt3A_222 : i32 to vector<16xi32>
      %gt3A_224 = arith.cmpi sgt, %get3A_214, %gt3A_223 : vector<16xi32>
      tpu.vector_store_idx %arg9[%add3A_221], %broadcast_in_dim3A_5 masked %gt3A_224 {add = true} : memref<6288xi32, #tpu.memory_space<vmem>>[vector<16xi32>], vector<16xi32>, vector<16xi1>
      %add3A_225 = arith.addi %add3A_208, %get3A_214 : vector<16xi32>
      %get3A_226 = arith.index_cast %scan3A_92 : i32 to index
      %get3A_227 = arith.constant 128 : index
      %get3A_228 = tpu.vector_load %arg6[%get3A_226, %get3A_227] {strides = array<i32>} : memref<64x200xi32, #tpu.memory_space<vmem>>, vector<16xi32>,
      %get3A_229 = arith.index_cast %scan3A_92 : i32 to index
      %get3A_230 = arith.constant 128 : index
      %get3A_231 = tpu.vector_load %arg7[%get3A_229, %get3A_230] {strides = array<i32>} : memref<64x200xi32, #tpu.memory_space<vmem>>, vector<16xi32>,
      %shift_right_logical3A_232 = arith.constant 8 : i32
      %shift_right_logical3A_233 = vector.broadcast %shift_right_logical3A_232 : i32 to vector<16xi32>
      %shift_right_logical3A_234 = arith.shrui %get3A_228, %shift_right_logical3A_233 : vector<16xi32>
      %mul3A_235 = arith.constant 16 : i32
      %mul3A_236 = vector.broadcast %mul3A_235 : i32 to vector<16xi32>
      %mul3A_237 = arith.muli %shift_right_logical3A_234, %mul3A_236 : vector<16xi32>
      %add3A_238 = arith.addi %mul3A_237, %iota3A : vector<16xi32>
      %gt3A_239 = arith.constant 0 : i32
      %gt3A_240 = vector.broadcast %gt3A_239 : i32 to vector<16xi32>
      %gt3A_241 = arith.cmpi sgt, %get3A_231, %gt3A_240 : vector<16xi32>
      tpu.vector_store_idx %arg9[%add3A_238], %broadcast_in_dim3A_5 masked %gt3A_241 {add = true} : memref<6288xi32, #tpu.memory_space<vmem>>[vector<16xi32>], vector<16xi32>, vector<16xi1>
      %add3A_242 = arith.addi %add3A_225, %get3A_231 : vector<16xi32>
      %get3A_243 = arith.index_cast %scan3A_92 : i32 to index
      %get3A_244 = arith.constant 144 : index
      %get3A_245 = tpu.vector_load %arg6[%get3A_243, %get3A_244] {strides = array<i32>} : memref<64x200xi32, #tpu.memory_space<vmem>>, vector<16xi32>,
      %get3A_246 = arith.index_cast %scan3A_92 : i32 to index
      %get3A_247 = arith.constant 144 : index
      %get3A_248 = tpu.vector_load %arg7[%get3A_246, %get3A_247] {strides = array<i32>} : memref<64x200xi32, #tpu.memory_space<vmem>>, vector<16xi32>,
      %shift_right_logical3A_249 = arith.constant 8 : i32
      %shift_right_logical3A_250 = vector.broadcast %shift_right_logical3A_249 : i32 to vector<16xi32>
      %shift_right_logical3A_251 = arith.shrui %get3A_245, %shift_right_logical3A_250 : vector<16xi32>
      %mul3A_252 = arith.constant 16 : i32
      %mul3A_253 = vector.broadcast %mul3A_252 : i32 to vector<16xi32>
      %mul3A_254 = arith.muli %shift_right_logical3A_251, %mul3A_253 : vector<16xi32>
      %add3A_255 = arith.addi %mul3A_254, %iota3A : vector<16xi32>
      %gt3A_256 = arith.constant 0 : i32
      %gt3A_257 = vector.broadcast %gt3A_256 : i32 to vector<16xi32>
      %gt3A_258 = arith.cmpi sgt, %get3A_248, %gt3A_257 : vector<16xi32>
      tpu.vector_store_idx %arg9[%add3A_255], %broadcast_in_dim3A_5 masked %gt3A_258 {add = true} : memref<6288xi32, #tpu.memory_space<vmem>>[vector<16xi32>], vector<16xi32>, vector<16xi1>
      %add3A_259 = arith.addi %add3A_242, %get3A_248 : vector<16xi32>
      %get3A_260 = arith.index_cast %scan3A_92 : i32 to index
      %get3A_261 = arith.constant 160 : index
      %get3A_262 = tpu.vector_load %arg6[%get3A_260, %get3A_261] {strides = array<i32>} : memref<64x200xi32, #tpu.memory_space<vmem>>, vector<16xi32>,
      %get3A_263 = arith.index_cast %scan3A_92 : i32 to index
      %get3A_264 = arith.constant 160 : index
      %get3A_265 = tpu.vector_load %arg7[%get3A_263, %get3A_264] {strides = array<i32>} : memref<64x200xi32, #tpu.memory_space<vmem>>, vector<16xi32>,
      %shift_right_logical3A_266 = arith.constant 8 : i32
      %shift_right_logical3A_267 = vector.broadcast %shift_right_logical3A_266 : i32 to vector<16xi32>
      %shift_right_logical3A_268 = arith.shrui %get3A_262, %shift_right_logical3A_267 : vector<16xi32>
      %mul3A_269 = arith.constant 16 : i32
      %mul3A_270 = vector.broadcast %mul3A_269 : i32 to vector<16xi32>
      %mul3A_271 = arith.muli %shift_right_logical3A_268, %mul3A_270 : vector<16xi32>
      %add3A_272 = arith.addi %mul3A_271, %iota3A : vector<16xi32>
      %gt3A_273 = arith.constant 0 : i32
      %gt3A_274 = vector.broadcast %gt3A_273 : i32 to vector<16xi32>
      %gt3A_275 = arith.cmpi sgt, %get3A_265, %gt3A_274 : vector<16xi32>
      tpu.vector_store_idx %arg9[%add3A_272], %broadcast_in_dim3A_5 masked %gt3A_275 {add = true} : memref<6288xi32, #tpu.memory_space<vmem>>[vector<16xi32>], vector<16xi32>, vector<16xi1>
      %add3A_276 = arith.addi %add3A_259, %get3A_265 : vector<16xi32>
      %get3A_277 = arith.index_cast %scan3A_92 : i32 to index
      %get3A_278 = arith.constant 176 : index
      %get3A_279 = tpu.vector_load %arg6[%get3A_277, %get3A_278] {strides = array<i32>} : memref<64x200xi32, #tpu.memory_space<vmem>>, vector<16xi32>,
      %get3A_280 = arith.index_cast %scan3A_92 : i32 to index
      %get3A_281 = arith.constant 176 : index
      %get3A_282 = tpu.vector_load %arg7[%get3A_280, %get3A_281] {strides = array<i32>} : memref<64x200xi32, #tpu.memory_space<vmem>>, vector<16xi32>,
      %shift_right_logical3A_283 = arith.constant 8 : i32
      %shift_right_logical3A_284 = vector.broadcast %shift_right_logical3A_283 : i32 to vector<16xi32>
      %shift_right_logical3A_285 = arith.shrui %get3A_279, %shift_right_logical3A_284 : vector<16xi32>
      %mul3A_286 = arith.constant 16 : i32
      %mul3A_287 = vector.broadcast %mul3A_286 : i32 to vector<16xi32>
      %mul3A_288 = arith.muli %shift_right_logical3A_285, %mul3A_287 : vector<16xi32>
      %add3A_289 = arith.addi %mul3A_288, %iota3A : vector<16xi32>
      %gt3A_290 = arith.constant 0 : i32
      %gt3A_291 = vector.broadcast %gt3A_290 : i32 to vector<16xi32>
      %gt3A_292 = arith.cmpi sgt, %get3A_282, %gt3A_291 : vector<16xi32>
      tpu.vector_store_idx %arg9[%add3A_289], %broadcast_in_dim3A_5 masked %gt3A_292 {add = true} : memref<6288xi32, #tpu.memory_space<vmem>>[vector<16xi32>], vector<16xi32>, vector<16xi1>
      %add3A_293 = arith.addi %add3A_276, %get3A_282 : vector<16xi32>
      %get3A_294 = arith.index_cast %scan3A_92 : i32 to index
      %get3A_295 = arith.constant 184 : index
      %get3A_296 = tpu.vector_load %arg6[%get3A_294, %get3A_295] {strides = array<i32>} : memref<64x200xi32, #tpu.memory_space<vmem>>, vector<16xi32>,
      %get3A_297 = arith.index_cast %scan3A_92 : i32 to index
      %get3A_298 = arith.constant 184 : index
      %get3A_299 = tpu.vector_load %arg7[%get3A_297, %get3A_298] {strides = array<i32>} : memref<64x200xi32, #tpu.memory_space<vmem>>, vector<16xi32>,
      %mul3A_300 = arith.muli %get3A_299, %convert_element_type3A : vector<16xi32>
      %shift_right_logical3A_301 = arith.constant 8 : i32
      %shift_right_logical3A_302 = vector.broadcast %shift_right_logical3A_301 : i32 to vector<16xi32>
      %shift_right_logical3A_303 = arith.shrui %get3A_296, %shift_right_logical3A_302 : vector<16xi32>
      %mul3A_304 = arith.constant 16 : i32
      %mul3A_305 = vector.broadcast %mul3A_304 : i32 to vector<16xi32>
      %mul3A_306 = arith.muli %shift_right_logical3A_303, %mul3A_305 : vector<16xi32>
      %add3A_307 = arith.addi %mul3A_306, %iota3A : vector<16xi32>
      %gt3A_308 = arith.constant 0 : i32
      %gt3A_309 = vector.broadcast %gt3A_308 : i32 to vector<16xi32>
      %gt3A_310 = arith.cmpi sgt, %mul3A_300, %gt3A_309 : vector<16xi32>
      tpu.vector_store_idx %arg9[%add3A_307], %broadcast_in_dim3A_5 masked %gt3A_310 {add = true} : memref<6288xi32, #tpu.memory_space<vmem>>[vector<16xi32>], vector<16xi32>, vector<16xi1>
      %add3A_311 = arith.addi %add3A_293, %mul3A_300 : vector<16xi32>
      %reduce_sum3A = arith.constant true
      %reduce_sum3A_312 = vector.broadcast %reduce_sum3A : i1 to vector<16xi1>
      %reduce_sum3A_313 = tpu.scan <sum>, %add3A_311 masked %reduce_sum3A_312 : vector<16xi32>, vector<16xi1> -> vector<16xi32>
      %reduce_sum3A_314 = vector.extract %reduce_sum3A_313[15] : i32 from vector<16xi32>
      %convert_element_type3A_315 = arith.sitofp %reduce_sum3A_314 : i32 to f32
      %broadcast_in_dim3A_316 = vector.broadcast %convert_element_type3A_315 : f32 to vector<16xf32>
      %max3A = arith.constant 9.99999971E-10 : f32
      %max3A_317 = vector.broadcast %max3A : f32 to vector<16xf32>
      %max3A_318 = arith.maximumf %broadcast_in_dim3A_316, %max3A_317 : vector<16xf32>
      %add3A_319 = arith.constant 64 : i32
      %add3A_320 = arith.addi %add3A_319, %scan3A_92 : i32
      %swap3A_321 = arith.index_cast %add3A_320 : i32 to index
      %swap3A_322 = arith.constant 0 : index
      %swap3A_323 = tpu.vector_load %arg15[%swap3A_321, %swap3A_322] {strides = array<i32>} : memref<128x16xf32, #tpu.memory_space<vmem>>, vector<16xf32>,
      tpu.vector_store %arg15[%swap3A_321, %swap3A_322], %max3A_318 {strides = array<i32>} : memref<128x16xf32, #tpu.memory_space<vmem>>, vector<16xf32>,
    }
    %scan3A_40 = arith.constant 64 : i32
    %scan3A_41 = arith.constant 0 : i32
    %scan3A_42 = arith.constant 0 : i32
    %scan3A_43 = arith.constant 392 : i32
    %scan3A_44 = arith.addi %scan3A_42, %scan3A_43 : i32
    %scan3A_45 = arith.constant 1 : i32
    %scan3A_46 = scf.for %scan3A_92 = %scan3A_42 to %scan3A_44 step %scan3A_45 iter_args(%scan3A_93 = %scan3A_41) -> (i32)  : i32 {
      %mul3A_94 = arith.constant 16 : i32
      %mul3A_95 = arith.muli %scan3A_92, %mul3A_94 : i32
      %get3A = arith.index_cast %mul3A_95 : i32 to index
      %get3A_96 = tpu.vector_load %arg9[%get3A] {strides = array<i32>} : memref<6288xi32, #tpu.memory_space<vmem>>, vector<16xi32>,
      %broadcast_in_dim3A_97 = arith.constant true
      %broadcast_in_dim3A_98 = vector.broadcast %broadcast_in_dim3A_97 : i1 to vector<16xi1>
      %masked_cumsum3A = tpu.scan <sum>, %get3A_96 masked %broadcast_in_dim3A_98 : vector<16xi32>, vector<16xi1> -> vector<16xi32>
      %broadcast_in_dim3A_99 = vector.broadcast %scan3A_93 : i32 to vector<16xi32>
      %add3A_100 = arith.addi %broadcast_in_dim3A_99, %masked_cumsum3A : vector<16xi32>
      %sub3A = arith.subi %add3A_100, %get3A_96 : vector<16xi32>
      %mul3A_101 = arith.constant 16 : i32
      %mul3A_102 = arith.muli %scan3A_92, %mul3A_101 : i32
      %swap3A_103 = arith.index_cast %mul3A_102 : i32 to index
      %swap3A_104 = tpu.vector_load %arg10[%swap3A_103] {strides = array<i32>} : memref<6288xi32, #tpu.memory_space<vmem>>, vector<16xi32>,
      tpu.vector_store %arg10[%swap3A_103], %sub3A {strides = array<i32>} : memref<6288xi32, #tpu.memory_space<vmem>>, vector<16xi32>,
      %mul3A_105 = arith.constant 16 : i32
      %mul3A_106 = arith.muli %scan3A_92, %mul3A_105 : i32
      %swap3A_107 = arith.index_cast %mul3A_106 : i32 to index
      %swap3A_108 = tpu.vector_load %arg11[%swap3A_107] {strides = array<i32>} : memref<6288xi32, #tpu.memory_space<vmem>>, vector<16xi32>,
      tpu.vector_store %arg11[%swap3A_107], %sub3A {strides = array<i32>} : memref<6288xi32, #tpu.memory_space<vmem>>, vector<16xi32>,
      %reduce_sum3A = arith.constant true
      %reduce_sum3A_109 = vector.broadcast %reduce_sum3A : i1 to vector<16xi1>
      %reduce_sum3A_110 = tpu.scan <sum>, %get3A_96 masked %reduce_sum3A_109 : vector<16xi32>, vector<16xi1> -> vector<16xi32>
      %reduce_sum3A_111 = vector.extract %reduce_sum3A_110[15] : i32 from vector<16xi32>
      %add3A_112 = arith.addi %scan3A_93, %reduce_sum3A_111 : i32
      scf.yield %add3A_112 : i32
    }
    %scan3A_47 = arith.constant 392 : i32
    %broadcast_in_dim3A_48 = vector.broadcast %scan3A_46 : i32 to vector<16xi32>
    %swap3A = arith.constant 6272 : index
    %swap3A_49 = tpu.vector_load %arg10[%swap3A] {strides = array<i32>} : memref<6288xi32, #tpu.memory_space<vmem>>, vector<16xi32>,
    tpu.vector_store %arg10[%swap3A], %broadcast_in_dim3A_48 {strides = array<i32>} : memref<6288xi32, #tpu.memory_space<vmem>>, vector<16xi32>,
    %add3A_50 = arith.constant 0 : i32
    %add3A_51 = arith.addi %mul3A_2, %add3A_50 : i32
    "tpu.region"() ({
      %run_scoped3A = tpu.sem_alloc : memref<!tpu.dma_semaphore, #tpu.memory_space<semaphore_mem>>
      %dma_start3A_92 = arith.constant 0 : i32
      %dma_start3A_93 = tpu.memref_slice %arg2[%add3A_51, %dma_start3A_92] : memref<4096x200xi32, #tpu.memory_space<hbm>> -> memref<64x200xi32, #tpu.memory_space<hbm>>
      %dma_start3A_94 = arith.constant 0 : i32
      %dma_start3A_95 = tpu.memref_slice %arg2[%add3A_51, %dma_start3A_94] : memref<4096x200xi32, #tpu.memory_space<hbm>> -> memref<64x200xi32, #tpu.memory_space<hbm>>
      tpu.enqueue_dma source(%dma_start3A_95 : memref<64x200xi32, #tpu.memory_space<hbm>>) target(%arg6 : memref<64x200xi32, #tpu.memory_space<vmem>>) target_semaphore(%run_scoped3A : memref<!tpu.dma_semaphore, #tpu.memory_space<semaphore_mem>>)
      %dma_wait3A_96 = arith.constant 0 : i32
      %dma_wait3A_97 = tpu.memref_slice %arg2[%add3A_51, %dma_wait3A_96] : memref<4096x200xi32, #tpu.memory_space<hbm>> -> memref<64x200xi32, #tpu.memory_space<hbm>>
      %dma_wait3A_98 = arith.constant 0 : i32
      %dma_wait3A_99 = tpu.memref_slice %arg2[%add3A_51, %dma_wait3A_98] : memref<4096x200xi32, #tpu.memory_space<hbm>> -> memref<64x200xi32, #tpu.memory_space<hbm>>
      tpu.wait_dma2 semaphore(%run_scoped3A : memref<!tpu.dma_semaphore, #tpu.memory_space<semaphore_mem>>) src(%dma_wait3A_99 : memref<64x200xi32, #tpu.memory_space<hbm>>) dst(%arg6 : memref<64x200xi32, #tpu.memory_space<vmem>>)
      tpu.yield
    }) : () -> ()
    %add3A_52 = arith.constant 0 : i32
    %add3A_53 = arith.addi %mul3A_2, %add3A_52 : i32
    "tpu.region"() ({
      %run_scoped3A = tpu.sem_alloc : memref<!tpu.dma_semaphore, #tpu.memory_space<semaphore_mem>>
      %dma_start3A_92 = arith.constant 0 : i32
      %dma_start3A_93 = tpu.memref_slice %arg3[%add3A_53, %dma_start3A_92] : memref<4096x200xi32, #tpu.memory_space<hbm>> -> memref<64x200xi32, #tpu.memory_space<hbm>>
      %dma_start3A_94 = arith.constant 0 : i32
      %dma_start3A_95 = tpu.memref_slice %arg3[%add3A_53, %dma_start3A_94] : memref<4096x200xi32, #tpu.memory_space<hbm>> -> memref<64x200xi32, #tpu.memory_space<hbm>>
      tpu.enqueue_dma source(%dma_start3A_95 : memref<64x200xi32, #tpu.memory_space<hbm>>) target(%arg7 : memref<64x200xi32, #tpu.memory_space<vmem>>) target_semaphore(%run_scoped3A : memref<!tpu.dma_semaphore, #tpu.memory_space<semaphore_mem>>)
      %dma_wait3A_96 = arith.constant 0 : i32
      %dma_wait3A_97 = tpu.memref_slice %arg3[%add3A_53, %dma_wait3A_96] : memref<4096x200xi32, #tpu.memory_space<hbm>> -> memref<64x200xi32, #tpu.memory_space<hbm>>
      %dma_wait3A_98 = arith.constant 0 : i32
      %dma_wait3A_99 = tpu.memref_slice %arg3[%add3A_53, %dma_wait3A_98] : memref<4096x200xi32, #tpu.memory_space<hbm>> -> memref<64x200xi32, #tpu.memory_space<hbm>>
      tpu.wait_dma2 semaphore(%run_scoped3A : memref<!tpu.dma_semaphore, #tpu.memory_space<semaphore_mem>>) src(%dma_wait3A_99 : memref<64x200xi32, #tpu.memory_space<hbm>>) dst(%arg7 : memref<64x200xi32, #tpu.memory_space<vmem>>)
      tpu.yield
    }) : () -> ()
    %scan3A_54 = arith.constant 0 : i32
    %scan3A_55 = arith.constant 0 : i32
    %scan3A_56 = arith.constant 64 : i32
    %scan3A_57 = arith.addi %scan3A_55, %scan3A_56 : i32
    %scan3A_58 = arith.constant 1 : i32
    scf.for %scan3A_92 = %scan3A_55 to %scan3A_57 step %scan3A_58  : i32 {
      %get3A = arith.index_cast %scan3A_92 : i32 to index
      %get3A_93 = arith.constant 0 : index
      %get3A_94 = tpu.vector_load %arg6[%get3A, %get3A_93] {strides = array<i32>} : memref<64x200xi32, #tpu.memory_space<vmem>>, vector<16xi32>,
      %get3A_95 = arith.index_cast %scan3A_92 : i32 to index
      %get3A_96 = arith.constant 0 : index
      %get3A_97 = tpu.vector_load %arg7[%get3A_95, %get3A_96] {strides = array<i32>} : memref<64x200xi32, #tpu.memory_space<vmem>>, vector<16xi32>,
      %shift_right_logical3A = arith.constant 8 : i32
      %shift_right_logical3A_98 = vector.broadcast %shift_right_logical3A : i32 to vector<16xi32>
      %shift_right_logical3A_99 = arith.shrui %get3A_94, %shift_right_logical3A_98 : vector<16xi32>
      %mul3A_100 = arith.constant 16 : i32
      %mul3A_101 = vector.broadcast %mul3A_100 : i32 to vector<16xi32>
      %mul3A_102 = arith.muli %shift_right_logical3A_99, %mul3A_101 : vector<16xi32>
      %add3A_103 = arith.addi %mul3A_102, %iota3A : vector<16xi32>
      %gather3A = tpu.vector_load_idx %arg11[%add3A_103] : memref<6288xi32, #tpu.memory_space<vmem>>[vector<16xi32>], vector<16xi32>,
      %and3A = arith.constant 255 : i32
      %and3A_104 = vector.broadcast %and3A : i32 to vector<16xi32>
      %and3A_105 = arith.andi %get3A_94, %and3A_104 : vector<16xi32>
      %mul3A_106 = arith.constant 128 : i32
      %mul3A_107 = vector.broadcast %mul3A_106 : i32 to vector<16xi32>
      %mul3A_108 = arith.muli %and3A_105, %mul3A_107 : vector<16xi32>
      %add3A_109 = arith.constant 0 : i32
      %add3A_110 = arith.addi %add3A_109, %scan3A_92 : i32
      %add3A_111 = vector.broadcast %add3A_110 : i32 to vector<16xi32>
      %add3A_112 = arith.addi %mul3A_108, %add3A_111 : vector<16xi32>
      %gt3A = arith.constant 0 : i32
      %gt3A_113 = vector.broadcast %gt3A : i32 to vector<16xi32>
      %gt3A_114 = arith.cmpi sgt, %get3A_97, %gt3A_113 : vector<16xi32>
      tpu.vector_store_idx %arg8[%gather3A], %add3A_112 masked %gt3A_114 : memref<26640xi32, #tpu.memory_space<vmem>>[vector<16xi32>], vector<16xi32>, vector<16xi1>
      %gt3A_115 = arith.constant 0 : i32
      %gt3A_116 = vector.broadcast %gt3A_115 : i32 to vector<16xi32>
      %gt3A_117 = arith.cmpi sgt, %get3A_97, %gt3A_116 : vector<16xi32>
      tpu.vector_store_idx %arg11[%add3A_103], %broadcast_in_dim3A_5 masked %gt3A_117 {add = true} : memref<6288xi32, #tpu.memory_space<vmem>>[vector<16xi32>], vector<16xi32>, vector<16xi1>
      %get3A_118 = arith.index_cast %scan3A_92 : i32 to index
      %get3A_119 = arith.constant 16 : index
      %get3A_120 = tpu.vector_load %arg6[%get3A_118, %get3A_119] {strides = array<i32>} : memref<64x200xi32, #tpu.memory_space<vmem>>, vector<16xi32>,
      %get3A_121 = arith.index_cast %scan3A_92 : i32 to index
      %get3A_122 = arith.constant 16 : index
      %get3A_123 = tpu.vector_load %arg7[%get3A_121, %get3A_122] {strides = array<i32>} : memref<64x200xi32, #tpu.memory_space<vmem>>, vector<16xi32>,
      %shift_right_logical3A_124 = arith.constant 8 : i32
      %shift_right_logical3A_125 = vector.broadcast %shift_right_logical3A_124 : i32 to vector<16xi32>
      %shift_right_logical3A_126 = arith.shrui %get3A_120, %shift_right_logical3A_125 : vector<16xi32>
      %mul3A_127 = arith.constant 16 : i32
      %mul3A_128 = vector.broadcast %mul3A_127 : i32 to vector<16xi32>
      %mul3A_129 = arith.muli %shift_right_logical3A_126, %mul3A_128 : vector<16xi32>
      %add3A_130 = arith.addi %mul3A_129, %iota3A : vector<16xi32>
      %gather3A_131 = tpu.vector_load_idx %arg11[%add3A_130] : memref<6288xi32, #tpu.memory_space<vmem>>[vector<16xi32>], vector<16xi32>,
      %and3A_132 = arith.constant 255 : i32
      %and3A_133 = vector.broadcast %and3A_132 : i32 to vector<16xi32>
      %and3A_134 = arith.andi %get3A_120, %and3A_133 : vector<16xi32>
      %mul3A_135 = arith.constant 128 : i32
      %mul3A_136 = vector.broadcast %mul3A_135 : i32 to vector<16xi32>
      %mul3A_137 = arith.muli %and3A_134, %mul3A_136 : vector<16xi32>
      %add3A_138 = arith.constant 0 : i32
      %add3A_139 = arith.addi %add3A_138, %scan3A_92 : i32
      %add3A_140 = vector.broadcast %add3A_139 : i32 to vector<16xi32>
      %add3A_141 = arith.addi %mul3A_137, %add3A_140 : vector<16xi32>
      %gt3A_142 = arith.constant 0 : i32
      %gt3A_143 = vector.broadcast %gt3A_142 : i32 to vector<16xi32>
      %gt3A_144 = arith.cmpi sgt, %get3A_123, %gt3A_143 : vector<16xi32>
      tpu.vector_store_idx %arg8[%gather3A_131], %add3A_141 masked %gt3A_144 : memref<26640xi32, #tpu.memory_space<vmem>>[vector<16xi32>], vector<16xi32>, vector<16xi1>
      %gt3A_145 = arith.constant 0 : i32
      %gt3A_146 = vector.broadcast %gt3A_145 : i32 to vector<16xi32>
      %gt3A_147 = arith.cmpi sgt, %get3A_123, %gt3A_146 : vector<16xi32>
      tpu.vector_store_idx %arg11[%add3A_130], %broadcast_in_dim3A_5 masked %gt3A_147 {add = true} : memref<6288xi32, #tpu.memory_space<vmem>>[vector<16xi32>], vector<16xi32>, vector<16xi1>
      %get3A_148 = arith.index_cast %scan3A_92 : i32 to index
      %get3A_149 = arith.constant 32 : index
      %get3A_150 = tpu.vector_load %arg6[%get3A_148, %get3A_149] {strides = array<i32>} : memref<64x200xi32, #tpu.memory_space<vmem>>, vector<16xi32>,
      %get3A_151 = arith.index_cast %scan3A_92 : i32 to index
      %get3A_152 = arith.constant 32 : index
      %get3A_153 = tpu.vector_load %arg7[%get3A_151, %get3A_152] {strides = array<i32>} : memref<64x200xi32, #tpu.memory_space<vmem>>, vector<16xi32>,
      %shift_right_logical3A_154 = arith.constant 8 : i32
      %shift_right_logical3A_155 = vector.broadcast %shift_right_logical3A_154 : i32 to vector<16xi32>
      %shift_right_logical3A_156 = arith.shrui %get3A_150, %shift_right_logical3A_155 : vector<16xi32>
      %mul3A_157 = arith.constant 16 : i32
      %mul3A_158 = vector.broadcast %mul3A_157 : i32 to vector<16xi32>
      %mul3A_159 = arith.muli %shift_right_logical3A_156, %mul3A_158 : vector<16xi32>
      %add3A_160 = arith.addi %mul3A_159, %iota3A : vector<16xi32>
      %gather3A_161 = tpu.vector_load_idx %arg11[%add3A_160] : memref<6288xi32, #tpu.memory_space<vmem>>[vector<16xi32>], vector<16xi32>,
      %and3A_162 = arith.constant 255 : i32
      %and3A_163 = vector.broadcast %and3A_162 : i32 to vector<16xi32>
      %and3A_164 = arith.andi %get3A_150, %and3A_163 : vector<16xi32>
      %mul3A_165 = arith.constant 128 : i32
      %mul3A_166 = vector.broadcast %mul3A_165 : i32 to vector<16xi32>
      %mul3A_167 = arith.muli %and3A_164, %mul3A_166 : vector<16xi32>
      %add3A_168 = arith.constant 0 : i32
      %add3A_169 = arith.addi %add3A_168, %scan3A_92 : i32
      %add3A_170 = vector.broadcast %add3A_169 : i32 to vector<16xi32>
      %add3A_171 = arith.addi %mul3A_167, %add3A_170 : vector<16xi32>
      %gt3A_172 = arith.constant 0 : i32
      %gt3A_173 = vector.broadcast %gt3A_172 : i32 to vector<16xi32>
      %gt3A_174 = arith.cmpi sgt, %get3A_153, %gt3A_173 : vector<16xi32>
      tpu.vector_store_idx %arg8[%gather3A_161], %add3A_171 masked %gt3A_174 : memref<26640xi32, #tpu.memory_space<vmem>>[vector<16xi32>], vector<16xi32>, vector<16xi1>
      %gt3A_175 = arith.constant 0 : i32
      %gt3A_176 = vector.broadcast %gt3A_175 : i32 to vector<16xi32>
      %gt3A_177 = arith.cmpi sgt, %get3A_153, %gt3A_176 : vector<16xi32>
      tpu.vector_store_idx %arg11[%add3A_160], %broadcast_in_dim3A_5 masked %gt3A_177 {add = true} : memref<6288xi32, #tpu.memory_space<vmem>>[vector<16xi32>], vector<16xi32>, vector<16xi1>
      %get3A_178 = arith.index_cast %scan3A_92 : i32 to index
      %get3A_179 = arith.constant 48 : index
      %get3A_180 = tpu.vector_load %arg6[%get3A_178, %get3A_179] {strides = array<i32>} : memref<64x200xi32, #tpu.memory_space<vmem>>, vector<16xi32>,
      %get3A_181 = arith.index_cast %scan3A_92 : i32 to index
      %get3A_182 = arith.constant 48 : index
      %get3A_183 = tpu.vector_load %arg7[%get3A_181, %get3A_182] {strides = array<i32>} : memref<64x200xi32, #tpu.memory_space<vmem>>, vector<16xi32>,
      %shift_right_logical3A_184 = arith.constant 8 : i32
      %shift_right_logical3A_185 = vector.broadcast %shift_right_logical3A_184 : i32 to vector<16xi32>
      %shift_right_logical3A_186 = arith.shrui %get3A_180, %shift_right_logical3A_185 : vector<16xi32>
      %mul3A_187 = arith.constant 16 : i32
      %mul3A_188 = vector.broadcast %mul3A_187 : i32 to vector<16xi32>
      %mul3A_189 = arith.muli %shift_right_logical3A_186, %mul3A_188 : vector<16xi32>
      %add3A_190 = arith.addi %mul3A_189, %iota3A : vector<16xi32>
      %gather3A_191 = tpu.vector_load_idx %arg11[%add3A_190] : memref<6288xi32, #tpu.memory_space<vmem>>[vector<16xi32>], vector<16xi32>,
      %and3A_192 = arith.constant 255 : i32
      %and3A_193 = vector.broadcast %and3A_192 : i32 to vector<16xi32>
      %and3A_194 = arith.andi %get3A_180, %and3A_193 : vector<16xi32>
      %mul3A_195 = arith.constant 128 : i32
      %mul3A_196 = vector.broadcast %mul3A_195 : i32 to vector<16xi32>
      %mul3A_197 = arith.muli %and3A_194, %mul3A_196 : vector<16xi32>
      %add3A_198 = arith.constant 0 : i32
      %add3A_199 = arith.addi %add3A_198, %scan3A_92 : i32
      %add3A_200 = vector.broadcast %add3A_199 : i32 to vector<16xi32>
      %add3A_201 = arith.addi %mul3A_197, %add3A_200 : vector<16xi32>
      %gt3A_202 = arith.constant 0 : i32
      %gt3A_203 = vector.broadcast %gt3A_202 : i32 to vector<16xi32>
      %gt3A_204 = arith.cmpi sgt, %get3A_183, %gt3A_203 : vector<16xi32>
      tpu.vector_store_idx %arg8[%gather3A_191], %add3A_201 masked %gt3A_204 : memref<26640xi32, #tpu.memory_space<vmem>>[vector<16xi32>], vector<16xi32>, vector<16xi1>
      %gt3A_205 = arith.constant 0 : i32
      %gt3A_206 = vector.broadcast %gt3A_205 : i32 to vector<16xi32>
      %gt3A_207 = arith.cmpi sgt, %get3A_183, %gt3A_206 : vector<16xi32>
      tpu.vector_store_idx %arg11[%add3A_190], %broadcast_in_dim3A_5 masked %gt3A_207 {add = true} : memref<6288xi32, #tpu.memory_space<vmem>>[vector<16xi32>], vector<16xi32>, vector<16xi1>
      %get3A_208 = arith.index_cast %scan3A_92 : i32 to index
      %get3A_209 = arith.constant 64 : index
      %get3A_210 = tpu.vector_load %arg6[%get3A_208, %get3A_209] {strides = array<i32>} : memref<64x200xi32, #tpu.memory_space<vmem>>, vector<16xi32>,
      %get3A_211 = arith.index_cast %scan3A_92 : i32 to index
      %get3A_212 = arith.constant 64 : index
      %get3A_213 = tpu.vector_load %arg7[%get3A_211, %get3A_212] {strides = array<i32>} : memref<64x200xi32, #tpu.memory_space<vmem>>, vector<16xi32>,
      %shift_right_logical3A_214 = arith.constant 8 : i32
      %shift_right_logical3A_215 = vector.broadcast %shift_right_logical3A_214 : i32 to vector<16xi32>
      %shift_right_logical3A_216 = arith.shrui %get3A_210, %shift_right_logical3A_215 : vector<16xi32>
      %mul3A_217 = arith.constant 16 : i32
      %mul3A_218 = vector.broadcast %mul3A_217 : i32 to vector<16xi32>
      %mul3A_219 = arith.muli %shift_right_logical3A_216, %mul3A_218 : vector<16xi32>
      %add3A_220 = arith.addi %mul3A_219, %iota3A : vector<16xi32>
      %gather3A_221 = tpu.vector_load_idx %arg11[%add3A_220] : memref<6288xi32, #tpu.memory_space<vmem>>[vector<16xi32>], vector<16xi32>,
      %and3A_222 = arith.constant 255 : i32
      %and3A_223 = vector.broadcast %and3A_222 : i32 to vector<16xi32>
      %and3A_224 = arith.andi %get3A_210, %and3A_223 : vector<16xi32>
      %mul3A_225 = arith.constant 128 : i32
      %mul3A_226 = vector.broadcast %mul3A_225 : i32 to vector<16xi32>
      %mul3A_227 = arith.muli %and3A_224, %mul3A_226 : vector<16xi32>
      %add3A_228 = arith.constant 0 : i32
      %add3A_229 = arith.addi %add3A_228, %scan3A_92 : i32
      %add3A_230 = vector.broadcast %add3A_229 : i32 to vector<16xi32>
      %add3A_231 = arith.addi %mul3A_227, %add3A_230 : vector<16xi32>
      %gt3A_232 = arith.constant 0 : i32
      %gt3A_233 = vector.broadcast %gt3A_232 : i32 to vector<16xi32>
      %gt3A_234 = arith.cmpi sgt, %get3A_213, %gt3A_233 : vector<16xi32>
      tpu.vector_store_idx %arg8[%gather3A_221], %add3A_231 masked %gt3A_234 : memref<26640xi32, #tpu.memory_space<vmem>>[vector<16xi32>], vector<16xi32>, vector<16xi1>
      %gt3A_235 = arith.constant 0 : i32
      %gt3A_236 = vector.broadcast %gt3A_235 : i32 to vector<16xi32>
      %gt3A_237 = arith.cmpi sgt, %get3A_213, %gt3A_236 : vector<16xi32>
      tpu.vector_store_idx %arg11[%add3A_220], %broadcast_in_dim3A_5 masked %gt3A_237 {add = true} : memref<6288xi32, #tpu.memory_space<vmem>>[vector<16xi32>], vector<16xi32>, vector<16xi1>
      %get3A_238 = arith.index_cast %scan3A_92 : i32 to index
      %get3A_239 = arith.constant 80 : index
      %get3A_240 = tpu.vector_load %arg6[%get3A_238, %get3A_239] {strides = array<i32>} : memref<64x200xi32, #tpu.memory_space<vmem>>, vector<16xi32>,
      %get3A_241 = arith.index_cast %scan3A_92 : i32 to index
      %get3A_242 = arith.constant 80 : index
      %get3A_243 = tpu.vector_load %arg7[%get3A_241, %get3A_242] {strides = array<i32>} : memref<64x200xi32, #tpu.memory_space<vmem>>, vector<16xi32>,
      %shift_right_logical3A_244 = arith.constant 8 : i32
      %shift_right_logical3A_245 = vector.broadcast %shift_right_logical3A_244 : i32 to vector<16xi32>
      %shift_right_logical3A_246 = arith.shrui %get3A_240, %shift_right_logical3A_245 : vector<16xi32>
      %mul3A_247 = arith.constant 16 : i32
      %mul3A_248 = vector.broadcast %mul3A_247 : i32 to vector<16xi32>
      %mul3A_249 = arith.muli %shift_right_logical3A_246, %mul3A_248 : vector<16xi32>
      %add3A_250 = arith.addi %mul3A_249, %iota3A : vector<16xi32>
      %gather3A_251 = tpu.vector_load_idx %arg11[%add3A_250] : memref<6288xi32, #tpu.memory_space<vmem>>[vector<16xi32>], vector<16xi32>,
      %and3A_252 = arith.constant 255 : i32
      %and3A_253 = vector.broadcast %and3A_252 : i32 to vector<16xi32>
      %and3A_254 = arith.andi %get3A_240, %and3A_253 : vector<16xi32>
      %mul3A_255 = arith.constant 128 : i32
      %mul3A_256 = vector.broadcast %mul3A_255 : i32 to vector<16xi32>
      %mul3A_257 = arith.muli %and3A_254, %mul3A_256 : vector<16xi32>
      %add3A_258 = arith.constant 0 : i32
      %add3A_259 = arith.addi %add3A_258, %scan3A_92 : i32
      %add3A_260 = vector.broadcast %add3A_259 : i32 to vector<16xi32>
      %add3A_261 = arith.addi %mul3A_257, %add3A_260 : vector<16xi32>
      %gt3A_262 = arith.constant 0 : i32
      %gt3A_263 = vector.broadcast %gt3A_262 : i32 to vector<16xi32>
      %gt3A_264 = arith.cmpi sgt, %get3A_243, %gt3A_263 : vector<16xi32>
      tpu.vector_store_idx %arg8[%gather3A_251], %add3A_261 masked %gt3A_264 : memref<26640xi32, #tpu.memory_space<vmem>>[vector<16xi32>], vector<16xi32>, vector<16xi1>
      %gt3A_265 = arith.constant 0 : i32
      %gt3A_266 = vector.broadcast %gt3A_265 : i32 to vector<16xi32>
      %gt3A_267 = arith.cmpi sgt, %get3A_243, %gt3A_266 : vector<16xi32>
      tpu.vector_store_idx %arg11[%add3A_250], %broadcast_in_dim3A_5 masked %gt3A_267 {add = true} : memref<6288xi32, #tpu.memory_space<vmem>>[vector<16xi32>], vector<16xi32>, vector<16xi1>
      %get3A_268 = arith.index_cast %scan3A_92 : i32 to index
      %get3A_269 = arith.constant 96 : index
      %get3A_270 = tpu.vector_load %arg6[%get3A_268, %get3A_269] {strides = array<i32>} : memref<64x200xi32, #tpu.memory_space<vmem>>, vector<16xi32>,
      %get3A_271 = arith.index_cast %scan3A_92 : i32 to index
      %get3A_272 = arith.constant 96 : index
      %get3A_273 = tpu.vector_load %arg7[%get3A_271, %get3A_272] {strides = array<i32>} : memref<64x200xi32, #tpu.memory_space<vmem>>, vector<16xi32>,
      %shift_right_logical3A_274 = arith.constant 8 : i32
      %shift_right_logical3A_275 = vector.broadcast %shift_right_logical3A_274 : i32 to vector<16xi32>
      %shift_right_logical3A_276 = arith.shrui %get3A_270, %shift_right_logical3A_275 : vector<16xi32>
      %mul3A_277 = arith.constant 16 : i32
      %mul3A_278 = vector.broadcast %mul3A_277 : i32 to vector<16xi32>
      %mul3A_279 = arith.muli %shift_right_logical3A_276, %mul3A_278 : vector<16xi32>
      %add3A_280 = arith.addi %mul3A_279, %iota3A : vector<16xi32>
      %gather3A_281 = tpu.vector_load_idx %arg11[%add3A_280] : memref<6288xi32, #tpu.memory_space<vmem>>[vector<16xi32>], vector<16xi32>,
      %and3A_282 = arith.constant 255 : i32
      %and3A_283 = vector.broadcast %and3A_282 : i32 to vector<16xi32>
      %and3A_284 = arith.andi %get3A_270, %and3A_283 : vector<16xi32>
      %mul3A_285 = arith.constant 128 : i32
      %mul3A_286 = vector.broadcast %mul3A_285 : i32 to vector<16xi32>
      %mul3A_287 = arith.muli %and3A_284, %mul3A_286 : vector<16xi32>
      %add3A_288 = arith.constant 0 : i32
      %add3A_289 = arith.addi %add3A_288, %scan3A_92 : i32
      %add3A_290 = vector.broadcast %add3A_289 : i32 to vector<16xi32>
      %add3A_291 = arith.addi %mul3A_287, %add3A_290 : vector<16xi32>
      %gt3A_292 = arith.constant 0 : i32
      %gt3A_293 = vector.broadcast %gt3A_292 : i32 to vector<16xi32>
      %gt3A_294 = arith.cmpi sgt, %get3A_273, %gt3A_293 : vector<16xi32>
      tpu.vector_store_idx %arg8[%gather3A_281], %add3A_291 masked %gt3A_294 : memref<26640xi32, #tpu.memory_space<vmem>>[vector<16xi32>], vector<16xi32>, vector<16xi1>
      %gt3A_295 = arith.constant 0 : i32
      %gt3A_296 = vector.broadcast %gt3A_295 : i32 to vector<16xi32>
      %gt3A_297 = arith.cmpi sgt, %get3A_273, %gt3A_296 : vector<16xi32>
      tpu.vector_store_idx %arg11[%add3A_280], %broadcast_in_dim3A_5 masked %gt3A_297 {add = true} : memref<6288xi32, #tpu.memory_space<vmem>>[vector<16xi32>], vector<16xi32>, vector<16xi1>
      %get3A_298 = arith.index_cast %scan3A_92 : i32 to index
      %get3A_299 = arith.constant 112 : index
      %get3A_300 = tpu.vector_load %arg6[%get3A_298, %get3A_299] {strides = array<i32>} : memref<64x200xi32, #tpu.memory_space<vmem>>, vector<16xi32>,
      %get3A_301 = arith.index_cast %scan3A_92 : i32 to index
      %get3A_302 = arith.constant 112 : index
      %get3A_303 = tpu.vector_load %arg7[%get3A_301, %get3A_302] {strides = array<i32>} : memref<64x200xi32, #tpu.memory_space<vmem>>, vector<16xi32>,
      %shift_right_logical3A_304 = arith.constant 8 : i32
      %shift_right_logical3A_305 = vector.broadcast %shift_right_logical3A_304 : i32 to vector<16xi32>
      %shift_right_logical3A_306 = arith.shrui %get3A_300, %shift_right_logical3A_305 : vector<16xi32>
      %mul3A_307 = arith.constant 16 : i32
      %mul3A_308 = vector.broadcast %mul3A_307 : i32 to vector<16xi32>
      %mul3A_309 = arith.muli %shift_right_logical3A_306, %mul3A_308 : vector<16xi32>
      %add3A_310 = arith.addi %mul3A_309, %iota3A : vector<16xi32>
      %gather3A_311 = tpu.vector_load_idx %arg11[%add3A_310] : memref<6288xi32, #tpu.memory_space<vmem>>[vector<16xi32>], vector<16xi32>,
      %and3A_312 = arith.constant 255 : i32
      %and3A_313 = vector.broadcast %and3A_312 : i32 to vector<16xi32>
      %and3A_314 = arith.andi %get3A_300, %and3A_313 : vector<16xi32>
      %mul3A_315 = arith.constant 128 : i32
      %mul3A_316 = vector.broadcast %mul3A_315 : i32 to vector<16xi32>
      %mul3A_317 = arith.muli %and3A_314, %mul3A_316 : vector<16xi32>
      %add3A_318 = arith.constant 0 : i32
      %add3A_319 = arith.addi %add3A_318, %scan3A_92 : i32
      %add3A_320 = vector.broadcast %add3A_319 : i32 to vector<16xi32>
      %add3A_321 = arith.addi %mul3A_317, %add3A_320 : vector<16xi32>
      %gt3A_322 = arith.constant 0 : i32
      %gt3A_323 = vector.broadcast %gt3A_322 : i32 to vector<16xi32>
      %gt3A_324 = arith.cmpi sgt, %get3A_303, %gt3A_323 : vector<16xi32>
      tpu.vector_store_idx %arg8[%gather3A_311], %add3A_321 masked %gt3A_324 : memref<26640xi32, #tpu.memory_space<vmem>>[vector<16xi32>], vector<16xi32>, vector<16xi1>
      %gt3A_325 = arith.constant 0 : i32
      %gt3A_326 = vector.broadcast %gt3A_325 : i32 to vector<16xi32>
      %gt3A_327 = arith.cmpi sgt, %get3A_303, %gt3A_326 : vector<16xi32>
      tpu.vector_store_idx %arg11[%add3A_310], %broadcast_in_dim3A_5 masked %gt3A_327 {add = true} : memref<6288xi32, #tpu.memory_space<vmem>>[vector<16xi32>], vector<16xi32>, vector<16xi1>
      %get3A_328 = arith.index_cast %scan3A_92 : i32 to index
      %get3A_329 = arith.constant 128 : index
      %get3A_330 = tpu.vector_load %arg6[%get3A_328, %get3A_329] {strides = array<i32>} : memref<64x200xi32, #tpu.memory_space<vmem>>, vector<16xi32>,
      %get3A_331 = arith.index_cast %scan3A_92 : i32 to index
      %get3A_332 = arith.constant 128 : index
      %get3A_333 = tpu.vector_load %arg7[%get3A_331, %get3A_332] {strides = array<i32>} : memref<64x200xi32, #tpu.memory_space<vmem>>, vector<16xi32>,
      %shift_right_logical3A_334 = arith.constant 8 : i32
      %shift_right_logical3A_335 = vector.broadcast %shift_right_logical3A_334 : i32 to vector<16xi32>
      %shift_right_logical3A_336 = arith.shrui %get3A_330, %shift_right_logical3A_335 : vector<16xi32>
      %mul3A_337 = arith.constant 16 : i32
      %mul3A_338 = vector.broadcast %mul3A_337 : i32 to vector<16xi32>
      %mul3A_339 = arith.muli %shift_right_logical3A_336, %mul3A_338 : vector<16xi32>
      %add3A_340 = arith.addi %mul3A_339, %iota3A : vector<16xi32>
      %gather3A_341 = tpu.vector_load_idx %arg11[%add3A_340] : memref<6288xi32, #tpu.memory_space<vmem>>[vector<16xi32>], vector<16xi32>,
      %and3A_342 = arith.constant 255 : i32
      %and3A_343 = vector.broadcast %and3A_342 : i32 to vector<16xi32>
      %and3A_344 = arith.andi %get3A_330, %and3A_343 : vector<16xi32>
      %mul3A_345 = arith.constant 128 : i32
      %mul3A_346 = vector.broadcast %mul3A_345 : i32 to vector<16xi32>
      %mul3A_347 = arith.muli %and3A_344, %mul3A_346 : vector<16xi32>
      %add3A_348 = arith.constant 0 : i32
      %add3A_349 = arith.addi %add3A_348, %scan3A_92 : i32
      %add3A_350 = vector.broadcast %add3A_349 : i32 to vector<16xi32>
      %add3A_351 = arith.addi %mul3A_347, %add3A_350 : vector<16xi32>
      %gt3A_352 = arith.constant 0 : i32
      %gt3A_353 = vector.broadcast %gt3A_352 : i32 to vector<16xi32>
      %gt3A_354 = arith.cmpi sgt, %get3A_333, %gt3A_353 : vector<16xi32>
      tpu.vector_store_idx %arg8[%gather3A_341], %add3A_351 masked %gt3A_354 : memref<26640xi32, #tpu.memory_space<vmem>>[vector<16xi32>], vector<16xi32>, vector<16xi1>
      %gt3A_355 = arith.constant 0 : i32
      %gt3A_356 = vector.broadcast %gt3A_355 : i32 to vector<16xi32>
      %gt3A_357 = arith.cmpi sgt, %get3A_333, %gt3A_356 : vector<16xi32>
      tpu.vector_store_idx %arg11[%add3A_340], %broadcast_in_dim3A_5 masked %gt3A_357 {add = true} : memref<6288xi32, #tpu.memory_space<vmem>>[vector<16xi32>], vector<16xi32>, vector<16xi1>
      %get3A_358 = arith.index_cast %scan3A_92 : i32 to index
      %get3A_359 = arith.constant 144 : index
      %get3A_360 = tpu.vector_load %arg6[%get3A_358, %get3A_359] {strides = array<i32>} : memref<64x200xi32, #tpu.memory_space<vmem>>, vector<16xi32>,
      %get3A_361 = arith.index_cast %scan3A_92 : i32 to index
      %get3A_362 = arith.constant 144 : index
      %get3A_363 = tpu.vector_load %arg7[%get3A_361, %get3A_362] {strides = array<i32>} : memref<64x200xi32, #tpu.memory_space<vmem>>, vector<16xi32>,
      %shift_right_logical3A_364 = arith.constant 8 : i32
      %shift_right_logical3A_365 = vector.broadcast %shift_right_logical3A_364 : i32 to vector<16xi32>
      %shift_right_logical3A_366 = arith.shrui %get3A_360, %shift_right_logical3A_365 : vector<16xi32>
      %mul3A_367 = arith.constant 16 : i32
      %mul3A_368 = vector.broadcast %mul3A_367 : i32 to vector<16xi32>
      %mul3A_369 = arith.muli %shift_right_logical3A_366, %mul3A_368 : vector<16xi32>
      %add3A_370 = arith.addi %mul3A_369, %iota3A : vector<16xi32>
      %gather3A_371 = tpu.vector_load_idx %arg11[%add3A_370] : memref<6288xi32, #tpu.memory_space<vmem>>[vector<16xi32>], vector<16xi32>,
      %and3A_372 = arith.constant 255 : i32
      %and3A_373 = vector.broadcast %and3A_372 : i32 to vector<16xi32>
      %and3A_374 = arith.andi %get3A_360, %and3A_373 : vector<16xi32>
      %mul3A_375 = arith.constant 128 : i32
      %mul3A_376 = vector.broadcast %mul3A_375 : i32 to vector<16xi32>
      %mul3A_377 = arith.muli %and3A_374, %mul3A_376 : vector<16xi32>
      %add3A_378 = arith.constant 0 : i32
      %add3A_379 = arith.addi %add3A_378, %scan3A_92 : i32
      %add3A_380 = vector.broadcast %add3A_379 : i32 to vector<16xi32>
      %add3A_381 = arith.addi %mul3A_377, %add3A_380 : vector<16xi32>
      %gt3A_382 = arith.constant 0 : i32
      %gt3A_383 = vector.broadcast %gt3A_382 : i32 to vector<16xi32>
      %gt3A_384 = arith.cmpi sgt, %get3A_363, %gt3A_383 : vector<16xi32>
      tpu.vector_store_idx %arg8[%gather3A_371], %add3A_381 masked %gt3A_384 : memref<26640xi32, #tpu.memory_space<vmem>>[vector<16xi32>], vector<16xi32>, vector<16xi1>
      %gt3A_385 = arith.constant 0 : i32
      %gt3A_386 = vector.broadcast %gt3A_385 : i32 to vector<16xi32>
      %gt3A_387 = arith.cmpi sgt, %get3A_363, %gt3A_386 : vector<16xi32>
      tpu.vector_store_idx %arg11[%add3A_370], %broadcast_in_dim3A_5 masked %gt3A_387 {add = true} : memref<6288xi32, #tpu.memory_space<vmem>>[vector<16xi32>], vector<16xi32>, vector<16xi1>
      %get3A_388 = arith.index_cast %scan3A_92 : i32 to index
      %get3A_389 = arith.constant 160 : index
      %get3A_390 = tpu.vector_load %arg6[%get3A_388, %get3A_389] {strides = array<i32>} : memref<64x200xi32, #tpu.memory_space<vmem>>, vector<16xi32>,
      %get3A_391 = arith.index_cast %scan3A_92 : i32 to index
      %get3A_392 = arith.constant 160 : index
      %get3A_393 = tpu.vector_load %arg7[%get3A_391, %get3A_392] {strides = array<i32>} : memref<64x200xi32, #tpu.memory_space<vmem>>, vector<16xi32>,
      %shift_right_logical3A_394 = arith.constant 8 : i32
      %shift_right_logical3A_395 = vector.broadcast %shift_right_logical3A_394 : i32 to vector<16xi32>
      %shift_right_logical3A_396 = arith.shrui %get3A_390, %shift_right_logical3A_395 : vector<16xi32>
      %mul3A_397 = arith.constant 16 : i32
      %mul3A_398 = vector.broadcast %mul3A_397 : i32 to vector<16xi32>
      %mul3A_399 = arith.muli %shift_right_logical3A_396, %mul3A_398 : vector<16xi32>
      %add3A_400 = arith.addi %mul3A_399, %iota3A : vector<16xi32>
      %gather3A_401 = tpu.vector_load_idx %arg11[%add3A_400] : memref<6288xi32, #tpu.memory_space<vmem>>[vector<16xi32>], vector<16xi32>,
      %and3A_402 = arith.constant 255 : i32
      %and3A_403 = vector.broadcast %and3A_402 : i32 to vector<16xi32>
      %and3A_404 = arith.andi %get3A_390, %and3A_403 : vector<16xi32>
      %mul3A_405 = arith.constant 128 : i32
      %mul3A_406 = vector.broadcast %mul3A_405 : i32 to vector<16xi32>
      %mul3A_407 = arith.muli %and3A_404, %mul3A_406 : vector<16xi32>
      %add3A_408 = arith.constant 0 : i32
      %add3A_409 = arith.addi %add3A_408, %scan3A_92 : i32
      %add3A_410 = vector.broadcast %add3A_409 : i32 to vector<16xi32>
      %add3A_411 = arith.addi %mul3A_407, %add3A_410 : vector<16xi32>
      %gt3A_412 = arith.constant 0 : i32
      %gt3A_413 = vector.broadcast %gt3A_412 : i32 to vector<16xi32>
      %gt3A_414 = arith.cmpi sgt, %get3A_393, %gt3A_413 : vector<16xi32>
      tpu.vector_store_idx %arg8[%gather3A_401], %add3A_411 masked %gt3A_414 : memref<26640xi32, #tpu.memory_space<vmem>>[vector<16xi32>], vector<16xi32>, vector<16xi1>
      %gt3A_415 = arith.constant 0 : i32
      %gt3A_416 = vector.broadcast %gt3A_415 : i32 to vector<16xi32>
      %gt3A_417 = arith.cmpi sgt, %get3A_393, %gt3A_416 : vector<16xi32>
      tpu.vector_store_idx %arg11[%add3A_400], %broadcast_in_dim3A_5 masked %gt3A_417 {add = true} : memref<6288xi32, #tpu.memory_space<vmem>>[vector<16xi32>], vector<16xi32>, vector<16xi1>
      %get3A_418 = arith.index_cast %scan3A_92 : i32 to index
      %get3A_419 = arith.constant 176 : index
      %get3A_420 = tpu.vector_load %arg6[%get3A_418, %get3A_419] {strides = array<i32>} : memref<64x200xi32, #tpu.memory_space<vmem>>, vector<16xi32>,
      %get3A_421 = arith.index_cast %scan3A_92 : i32 to index
      %get3A_422 = arith.constant 176 : index
      %get3A_423 = tpu.vector_load %arg7[%get3A_421, %get3A_422] {strides = array<i32>} : memref<64x200xi32, #tpu.memory_space<vmem>>, vector<16xi32>,
      %shift_right_logical3A_424 = arith.constant 8 : i32
      %shift_right_logical3A_425 = vector.broadcast %shift_right_logical3A_424 : i32 to vector<16xi32>
      %shift_right_logical3A_426 = arith.shrui %get3A_420, %shift_right_logical3A_425 : vector<16xi32>
      %mul3A_427 = arith.constant 16 : i32
      %mul3A_428 = vector.broadcast %mul3A_427 : i32 to vector<16xi32>
      %mul3A_429 = arith.muli %shift_right_logical3A_426, %mul3A_428 : vector<16xi32>
      %add3A_430 = arith.addi %mul3A_429, %iota3A : vector<16xi32>
      %gather3A_431 = tpu.vector_load_idx %arg11[%add3A_430] : memref<6288xi32, #tpu.memory_space<vmem>>[vector<16xi32>], vector<16xi32>,
      %and3A_432 = arith.constant 255 : i32
      %and3A_433 = vector.broadcast %and3A_432 : i32 to vector<16xi32>
      %and3A_434 = arith.andi %get3A_420, %and3A_433 : vector<16xi32>
      %mul3A_435 = arith.constant 128 : i32
      %mul3A_436 = vector.broadcast %mul3A_435 : i32 to vector<16xi32>
      %mul3A_437 = arith.muli %and3A_434, %mul3A_436 : vector<16xi32>
      %add3A_438 = arith.constant 0 : i32
      %add3A_439 = arith.addi %add3A_438, %scan3A_92 : i32
      %add3A_440 = vector.broadcast %add3A_439 : i32 to vector<16xi32>
      %add3A_441 = arith.addi %mul3A_437, %add3A_440 : vector<16xi32>
      %gt3A_442 = arith.constant 0 : i32
      %gt3A_443 = vector.broadcast %gt3A_442 : i32 to vector<16xi32>
      %gt3A_444 = arith.cmpi sgt, %get3A_423, %gt3A_443 : vector<16xi32>
      tpu.vector_store_idx %arg8[%gather3A_431], %add3A_441 masked %gt3A_444 : memref<26640xi32, #tpu.memory_space<vmem>>[vector<16xi32>], vector<16xi32>, vector<16xi1>
      %gt3A_445 = arith.constant 0 : i32
      %gt3A_446 = vector.broadcast %gt3A_445 : i32 to vector<16xi32>
      %gt3A_447 = arith.cmpi sgt, %get3A_423, %gt3A_446 : vector<16xi32>
      tpu.vector_store_idx %arg11[%add3A_430], %broadcast_in_dim3A_5 masked %gt3A_447 {add = true} : memref<6288xi32, #tpu.memory_space<vmem>>[vector<16xi32>], vector<16xi32>, vector<16xi1>
      %get3A_448 = arith.index_cast %scan3A_92 : i32 to index
      %get3A_449 = arith.constant 184 : index
      %get3A_450 = tpu.vector_load %arg6[%get3A_448, %get3A_449] {strides = array<i32>} : memref<64x200xi32, #tpu.memory_space<vmem>>, vector<16xi32>,
      %get3A_451 = arith.index_cast %scan3A_92 : i32 to index
      %get3A_452 = arith.constant 184 : index
      %get3A_453 = tpu.vector_load %arg7[%get3A_451, %get3A_452] {strides = array<i32>} : memref<64x200xi32, #tpu.memory_space<vmem>>, vector<16xi32>,
      %mul3A_454 = arith.muli %get3A_453, %convert_element_type3A : vector<16xi32>
      %shift_right_logical3A_455 = arith.constant 8 : i32
      %shift_right_logical3A_456 = vector.broadcast %shift_right_logical3A_455 : i32 to vector<16xi32>
      %shift_right_logical3A_457 = arith.shrui %get3A_450, %shift_right_logical3A_456 : vector<16xi32>
      %mul3A_458 = arith.constant 16 : i32
      %mul3A_459 = vector.broadcast %mul3A_458 : i32 to vector<16xi32>
      %mul3A_460 = arith.muli %shift_right_logical3A_457, %mul3A_459 : vector<16xi32>
      %add3A_461 = arith.addi %mul3A_460, %iota3A : vector<16xi32>
      %gather3A_462 = tpu.vector_load_idx %arg11[%add3A_461] : memref<6288xi32, #tpu.memory_space<vmem>>[vector<16xi32>], vector<16xi32>,
      %and3A_463 = arith.constant 255 : i32
      %and3A_464 = vector.broadcast %and3A_463 : i32 to vector<16xi32>
      %and3A_465 = arith.andi %get3A_450, %and3A_464 : vector<16xi32>
      %mul3A_466 = arith.constant 128 : i32
      %mul3A_467 = vector.broadcast %mul3A_466 : i32 to vector<16xi32>
      %mul3A_468 = arith.muli %and3A_465, %mul3A_467 : vector<16xi32>
      %add3A_469 = arith.constant 0 : i32
      %add3A_470 = arith.addi %add3A_469, %scan3A_92 : i32
      %add3A_471 = vector.broadcast %add3A_470 : i32 to vector<16xi32>
      %add3A_472 = arith.addi %mul3A_468, %add3A_471 : vector<16xi32>
      %gt3A_473 = arith.constant 0 : i32
      %gt3A_474 = vector.broadcast %gt3A_473 : i32 to vector<16xi32>
      %gt3A_475 = arith.cmpi sgt, %mul3A_454, %gt3A_474 : vector<16xi32>
      tpu.vector_store_idx %arg8[%gather3A_462], %add3A_472 masked %gt3A_475 : memref<26640xi32, #tpu.memory_space<vmem>>[vector<16xi32>], vector<16xi32>, vector<16xi1>
      %gt3A_476 = arith.constant 0 : i32
      %gt3A_477 = vector.broadcast %gt3A_476 : i32 to vector<16xi32>
      %gt3A_478 = arith.cmpi sgt, %mul3A_454, %gt3A_477 : vector<16xi32>
      tpu.vector_store_idx %arg11[%add3A_461], %broadcast_in_dim3A_5 masked %gt3A_478 {add = true} : memref<6288xi32, #tpu.memory_space<vmem>>[vector<16xi32>], vector<16xi32>, vector<16xi1>
    }
    %scan3A_59 = arith.constant 64 : i32
    %add3A_60 = arith.constant 64 : i32
    %add3A_61 = arith.addi %mul3A_2, %add3A_60 : i32
    "tpu.region"() ({
      %run_scoped3A = tpu.sem_alloc : memref<!tpu.dma_semaphore, #tpu.memory_space<semaphore_mem>>
      %dma_start3A_92 = arith.constant 0 : i32
      %dma_start3A_93 = tpu.memref_slice %arg2[%add3A_61, %dma_start3A_92] : memref<4096x200xi32, #tpu.memory_space<hbm>> -> memref<64x200xi32, #tpu.memory_space<hbm>>
      %dma_start3A_94 = arith.constant 0 : i32
      %dma_start3A_95 = tpu.memref_slice %arg2[%add3A_61, %dma_start3A_94] : memref<4096x200xi32, #tpu.memory_space<hbm>> -> memref<64x200xi32, #tpu.memory_space<hbm>>
      tpu.enqueue_dma source(%dma_start3A_95 : memref<64x200xi32, #tpu.memory_space<hbm>>) target(%arg6 : memref<64x200xi32, #tpu.memory_space<vmem>>) target_semaphore(%run_scoped3A : memref<!tpu.dma_semaphore, #tpu.memory_space<semaphore_mem>>)
      %dma_wait3A_96 = arith.constant 0 : i32
      %dma_wait3A_97 = tpu.memref_slice %arg2[%add3A_61, %dma_wait3A_96] : memref<4096x200xi32, #tpu.memory_space<hbm>> -> memref<64x200xi32, #tpu.memory_space<hbm>>
      %dma_wait3A_98 = arith.constant 0 : i32
      %dma_wait3A_99 = tpu.memref_slice %arg2[%add3A_61, %dma_wait3A_98] : memref<4096x200xi32, #tpu.memory_space<hbm>> -> memref<64x200xi32, #tpu.memory_space<hbm>>
      tpu.wait_dma2 semaphore(%run_scoped3A : memref<!tpu.dma_semaphore, #tpu.memory_space<semaphore_mem>>) src(%dma_wait3A_99 : memref<64x200xi32, #tpu.memory_space<hbm>>) dst(%arg6 : memref<64x200xi32, #tpu.memory_space<vmem>>)
      tpu.yield
    }) : () -> ()
    %add3A_62 = arith.constant 64 : i32
    %add3A_63 = arith.addi %mul3A_2, %add3A_62 : i32
    "tpu.region"() ({
      %run_scoped3A = tpu.sem_alloc : memref<!tpu.dma_semaphore, #tpu.memory_space<semaphore_mem>>
      %dma_start3A_92 = arith.constant 0 : i32
      %dma_start3A_93 = tpu.memref_slice %arg3[%add3A_63, %dma_start3A_92] : memref<4096x200xi32, #tpu.memory_space<hbm>> -> memref<64x200xi32, #tpu.memory_space<hbm>>
      %dma_start3A_94 = arith.constant 0 : i32
      %dma_start3A_95 = tpu.memref_slice %arg3[%add3A_63, %dma_start3A_94] : memref<4096x200xi32, #tpu.memory_space<hbm>> -> memref<64x200xi32, #tpu.memory_space<hbm>>
      tpu.enqueue_dma source(%dma_start3A_95 : memref<64x200xi32, #tpu.memory_space<hbm>>) target(%arg7 : memref<64x200xi32, #tpu.memory_space<vmem>>) target_semaphore(%run_scoped3A : memref<!tpu.dma_semaphore, #tpu.memory_space<semaphore_mem>>)
      %dma_wait3A_96 = arith.constant 0 : i32
      %dma_wait3A_97 = tpu.memref_slice %arg3[%add3A_63, %dma_wait3A_96] : memref<4096x200xi32, #tpu.memory_space<hbm>> -> memref<64x200xi32, #tpu.memory_space<hbm>>
      %dma_wait3A_98 = arith.constant 0 : i32
      %dma_wait3A_99 = tpu.memref_slice %arg3[%add3A_63, %dma_wait3A_98] : memref<4096x200xi32, #tpu.memory_space<hbm>> -> memref<64x200xi32, #tpu.memory_space<hbm>>
      tpu.wait_dma2 semaphore(%run_scoped3A : memref<!tpu.dma_semaphore, #tpu.memory_space<semaphore_mem>>) src(%dma_wait3A_99 : memref<64x200xi32, #tpu.memory_space<hbm>>) dst(%arg7 : memref<64x200xi32, #tpu.memory_space<vmem>>)
      tpu.yield
    }) : () -> ()
    %scan3A_64 = arith.constant 0 : i32
    %scan3A_65 = arith.constant 0 : i32
    %scan3A_66 = arith.constant 64 : i32
    %scan3A_67 = arith.addi %scan3A_65, %scan3A_66 : i32
    %scan3A_68 = arith.constant 1 : i32
    scf.for %scan3A_92 = %scan3A_65 to %scan3A_67 step %scan3A_68  : i32 {
      %get3A = arith.index_cast %scan3A_92 : i32 to index
      %get3A_93 = arith.constant 0 : index
      %get3A_94 = tpu.vector_load %arg6[%get3A, %get3A_93] {strides = array<i32>} : memref<64x200xi32, #tpu.memory_space<vmem>>, vector<16xi32>,
      %get3A_95 = arith.index_cast %scan3A_92 : i32 to index
      %get3A_96 = arith.constant 0 : index
      %get3A_97 = tpu.vector_load %arg7[%get3A_95, %get3A_96] {strides = array<i32>} : memref<64x200xi32, #tpu.memory_space<vmem>>, vector<16xi32>,
      %shift_right_logical3A = arith.constant 8 : i32
      %shift_right_logical3A_98 = vector.broadcast %shift_right_logical3A : i32 to vector<16xi32>
      %shift_right_logical3A_99 = arith.shrui %get3A_94, %shift_right_logical3A_98 : vector<16xi32>
      %mul3A_100 = arith.constant 16 : i32
      %mul3A_101 = vector.broadcast %mul3A_100 : i32 to vector<16xi32>
      %mul3A_102 = arith.muli %shift_right_logical3A_99, %mul3A_101 : vector<16xi32>
      %add3A_103 = arith.addi %mul3A_102, %iota3A : vector<16xi32>
      %gather3A = tpu.vector_load_idx %arg11[%add3A_103] : memref<6288xi32, #tpu.memory_space<vmem>>[vector<16xi32>], vector<16xi32>,
      %and3A = arith.constant 255 : i32
      %and3A_104 = vector.broadcast %and3A : i32 to vector<16xi32>
      %and3A_105 = arith.andi %get3A_94, %and3A_104 : vector<16xi32>
      %mul3A_106 = arith.constant 128 : i32
      %mul3A_107 = vector.broadcast %mul3A_106 : i32 to vector<16xi32>
      %mul3A_108 = arith.muli %and3A_105, %mul3A_107 : vector<16xi32>
      %add3A_109 = arith.constant 64 : i32
      %add3A_110 = arith.addi %add3A_109, %scan3A_92 : i32
      %add3A_111 = vector.broadcast %add3A_110 : i32 to vector<16xi32>
      %add3A_112 = arith.addi %mul3A_108, %add3A_111 : vector<16xi32>
      %gt3A = arith.constant 0 : i32
      %gt3A_113 = vector.broadcast %gt3A : i32 to vector<16xi32>
      %gt3A_114 = arith.cmpi sgt, %get3A_97, %gt3A_113 : vector<16xi32>
      tpu.vector_store_idx %arg8[%gather3A], %add3A_112 masked %gt3A_114 : memref<26640xi32, #tpu.memory_space<vmem>>[vector<16xi32>], vector<16xi32>, vector<16xi1>
      %gt3A_115 = arith.constant 0 : i32
      %gt3A_116 = vector.broadcast %gt3A_115 : i32 to vector<16xi32>
      %gt3A_117 = arith.cmpi sgt, %get3A_97, %gt3A_116 : vector<16xi32>
      tpu.vector_store_idx %arg11[%add3A_103], %broadcast_in_dim3A_5 masked %gt3A_117 {add = true} : memref<6288xi32, #tpu.memory_space<vmem>>[vector<16xi32>], vector<16xi32>, vector<16xi1>
      %get3A_118 = arith.index_cast %scan3A_92 : i32 to index
      %get3A_119 = arith.constant 16 : index
      %get3A_120 = tpu.vector_load %arg6[%get3A_118, %get3A_119] {strides = array<i32>} : memref<64x200xi32, #tpu.memory_space<vmem>>, vector<16xi32>,
      %get3A_121 = arith.index_cast %scan3A_92 : i32 to index
      %get3A_122 = arith.constant 16 : index
      %get3A_123 = tpu.vector_load %arg7[%get3A_121, %get3A_122] {strides = array<i32>} : memref<64x200xi32, #tpu.memory_space<vmem>>, vector<16xi32>,
      %shift_right_logical3A_124 = arith.constant 8 : i32
      %shift_right_logical3A_125 = vector.broadcast %shift_right_logical3A_124 : i32 to vector<16xi32>
      %shift_right_logical3A_126 = arith.shrui %get3A_120, %shift_right_logical3A_125 : vector<16xi32>
      %mul3A_127 = arith.constant 16 : i32
      %mul3A_128 = vector.broadcast %mul3A_127 : i32 to vector<16xi32>
      %mul3A_129 = arith.muli %shift_right_logical3A_126, %mul3A_128 : vector<16xi32>
      %add3A_130 = arith.addi %mul3A_129, %iota3A : vector<16xi32>
      %gather3A_131 = tpu.vector_load_idx %arg11[%add3A_130] : memref<6288xi32, #tpu.memory_space<vmem>>[vector<16xi32>], vector<16xi32>,
      %and3A_132 = arith.constant 255 : i32
      %and3A_133 = vector.broadcast %and3A_132 : i32 to vector<16xi32>
      %and3A_134 = arith.andi %get3A_120, %and3A_133 : vector<16xi32>
      %mul3A_135 = arith.constant 128 : i32
      %mul3A_136 = vector.broadcast %mul3A_135 : i32 to vector<16xi32>
      %mul3A_137 = arith.muli %and3A_134, %mul3A_136 : vector<16xi32>
      %add3A_138 = arith.constant 64 : i32
      %add3A_139 = arith.addi %add3A_138, %scan3A_92 : i32
      %add3A_140 = vector.broadcast %add3A_139 : i32 to vector<16xi32>
      %add3A_141 = arith.addi %mul3A_137, %add3A_140 : vector<16xi32>
      %gt3A_142 = arith.constant 0 : i32
      %gt3A_143 = vector.broadcast %gt3A_142 : i32 to vector<16xi32>
      %gt3A_144 = arith.cmpi sgt, %get3A_123, %gt3A_143 : vector<16xi32>
      tpu.vector_store_idx %arg8[%gather3A_131], %add3A_141 masked %gt3A_144 : memref<26640xi32, #tpu.memory_space<vmem>>[vector<16xi32>], vector<16xi32>, vector<16xi1>
      %gt3A_145 = arith.constant 0 : i32
      %gt3A_146 = vector.broadcast %gt3A_145 : i32 to vector<16xi32>
      %gt3A_147 = arith.cmpi sgt, %get3A_123, %gt3A_146 : vector<16xi32>
      tpu.vector_store_idx %arg11[%add3A_130], %broadcast_in_dim3A_5 masked %gt3A_147 {add = true} : memref<6288xi32, #tpu.memory_space<vmem>>[vector<16xi32>], vector<16xi32>, vector<16xi1>
      %get3A_148 = arith.index_cast %scan3A_92 : i32 to index
      %get3A_149 = arith.constant 32 : index
      %get3A_150 = tpu.vector_load %arg6[%get3A_148, %get3A_149] {strides = array<i32>} : memref<64x200xi32, #tpu.memory_space<vmem>>, vector<16xi32>,
      %get3A_151 = arith.index_cast %scan3A_92 : i32 to index
      %get3A_152 = arith.constant 32 : index
      %get3A_153 = tpu.vector_load %arg7[%get3A_151, %get3A_152] {strides = array<i32>} : memref<64x200xi32, #tpu.memory_space<vmem>>, vector<16xi32>,
      %shift_right_logical3A_154 = arith.constant 8 : i32
      %shift_right_logical3A_155 = vector.broadcast %shift_right_logical3A_154 : i32 to vector<16xi32>
      %shift_right_logical3A_156 = arith.shrui %get3A_150, %shift_right_logical3A_155 : vector<16xi32>
      %mul3A_157 = arith.constant 16 : i32
      %mul3A_158 = vector.broadcast %mul3A_157 : i32 to vector<16xi32>
      %mul3A_159 = arith.muli %shift_right_logical3A_156, %mul3A_158 : vector<16xi32>
      %add3A_160 = arith.addi %mul3A_159, %iota3A : vector<16xi32>
      %gather3A_161 = tpu.vector_load_idx %arg11[%add3A_160] : memref<6288xi32, #tpu.memory_space<vmem>>[vector<16xi32>], vector<16xi32>,
      %and3A_162 = arith.constant 255 : i32
      %and3A_163 = vector.broadcast %and3A_162 : i32 to vector<16xi32>
      %and3A_164 = arith.andi %get3A_150, %and3A_163 : vector<16xi32>
      %mul3A_165 = arith.constant 128 : i32
      %mul3A_166 = vector.broadcast %mul3A_165 : i32 to vector<16xi32>
      %mul3A_167 = arith.muli %and3A_164, %mul3A_166 : vector<16xi32>
      %add3A_168 = arith.constant 64 : i32
      %add3A_169 = arith.addi %add3A_168, %scan3A_92 : i32
      %add3A_170 = vector.broadcast %add3A_169 : i32 to vector<16xi32>
      %add3A_171 = arith.addi %mul3A_167, %add3A_170 : vector<16xi32>
      %gt3A_172 = arith.constant 0 : i32
      %gt3A_173 = vector.broadcast %gt3A_172 : i32 to vector<16xi32>
      %gt3A_174 = arith.cmpi sgt, %get3A_153, %gt3A_173 : vector<16xi32>
      tpu.vector_store_idx %arg8[%gather3A_161], %add3A_171 masked %gt3A_174 : memref<26640xi32, #tpu.memory_space<vmem>>[vector<16xi32>], vector<16xi32>, vector<16xi1>
      %gt3A_175 = arith.constant 0 : i32
      %gt3A_176 = vector.broadcast %gt3A_175 : i32 to vector<16xi32>
      %gt3A_177 = arith.cmpi sgt, %get3A_153, %gt3A_176 : vector<16xi32>
      tpu.vector_store_idx %arg11[%add3A_160], %broadcast_in_dim3A_5 masked %gt3A_177 {add = true} : memref<6288xi32, #tpu.memory_space<vmem>>[vector<16xi32>], vector<16xi32>, vector<16xi1>
      %get3A_178 = arith.index_cast %scan3A_92 : i32 to index
      %get3A_179 = arith.constant 48 : index
      %get3A_180 = tpu.vector_load %arg6[%get3A_178, %get3A_179] {strides = array<i32>} : memref<64x200xi32, #tpu.memory_space<vmem>>, vector<16xi32>,
      %get3A_181 = arith.index_cast %scan3A_92 : i32 to index
      %get3A_182 = arith.constant 48 : index
      %get3A_183 = tpu.vector_load %arg7[%get3A_181, %get3A_182] {strides = array<i32>} : memref<64x200xi32, #tpu.memory_space<vmem>>, vector<16xi32>,
      %shift_right_logical3A_184 = arith.constant 8 : i32
      %shift_right_logical3A_185 = vector.broadcast %shift_right_logical3A_184 : i32 to vector<16xi32>
      %shift_right_logical3A_186 = arith.shrui %get3A_180, %shift_right_logical3A_185 : vector<16xi32>
      %mul3A_187 = arith.constant 16 : i32
      %mul3A_188 = vector.broadcast %mul3A_187 : i32 to vector<16xi32>
      %mul3A_189 = arith.muli %shift_right_logical3A_186, %mul3A_188 : vector<16xi32>
      %add3A_190 = arith.addi %mul3A_189, %iota3A : vector<16xi32>
      %gather3A_191 = tpu.vector_load_idx %arg11[%add3A_190] : memref<6288xi32, #tpu.memory_space<vmem>>[vector<16xi32>], vector<16xi32>,
      %and3A_192 = arith.constant 255 : i32
      %and3A_193 = vector.broadcast %and3A_192 : i32 to vector<16xi32>
      %and3A_194 = arith.andi %get3A_180, %and3A_193 : vector<16xi32>
      %mul3A_195 = arith.constant 128 : i32
      %mul3A_196 = vector.broadcast %mul3A_195 : i32 to vector<16xi32>
      %mul3A_197 = arith.muli %and3A_194, %mul3A_196 : vector<16xi32>
      %add3A_198 = arith.constant 64 : i32
      %add3A_199 = arith.addi %add3A_198, %scan3A_92 : i32
      %add3A_200 = vector.broadcast %add3A_199 : i32 to vector<16xi32>
      %add3A_201 = arith.addi %mul3A_197, %add3A_200 : vector<16xi32>
      %gt3A_202 = arith.constant 0 : i32
      %gt3A_203 = vector.broadcast %gt3A_202 : i32 to vector<16xi32>
      %gt3A_204 = arith.cmpi sgt, %get3A_183, %gt3A_203 : vector<16xi32>
      tpu.vector_store_idx %arg8[%gather3A_191], %add3A_201 masked %gt3A_204 : memref<26640xi32, #tpu.memory_space<vmem>>[vector<16xi32>], vector<16xi32>, vector<16xi1>
      %gt3A_205 = arith.constant 0 : i32
      %gt3A_206 = vector.broadcast %gt3A_205 : i32 to vector<16xi32>
      %gt3A_207 = arith.cmpi sgt, %get3A_183, %gt3A_206 : vector<16xi32>
      tpu.vector_store_idx %arg11[%add3A_190], %broadcast_in_dim3A_5 masked %gt3A_207 {add = true} : memref<6288xi32, #tpu.memory_space<vmem>>[vector<16xi32>], vector<16xi32>, vector<16xi1>
      %get3A_208 = arith.index_cast %scan3A_92 : i32 to index
      %get3A_209 = arith.constant 64 : index
      %get3A_210 = tpu.vector_load %arg6[%get3A_208, %get3A_209] {strides = array<i32>} : memref<64x200xi32, #tpu.memory_space<vmem>>, vector<16xi32>,
      %get3A_211 = arith.index_cast %scan3A_92 : i32 to index
      %get3A_212 = arith.constant 64 : index
      %get3A_213 = tpu.vector_load %arg7[%get3A_211, %get3A_212] {strides = array<i32>} : memref<64x200xi32, #tpu.memory_space<vmem>>, vector<16xi32>,
      %shift_right_logical3A_214 = arith.constant 8 : i32
      %shift_right_logical3A_215 = vector.broadcast %shift_right_logical3A_214 : i32 to vector<16xi32>
      %shift_right_logical3A_216 = arith.shrui %get3A_210, %shift_right_logical3A_215 : vector<16xi32>
      %mul3A_217 = arith.constant 16 : i32
      %mul3A_218 = vector.broadcast %mul3A_217 : i32 to vector<16xi32>
      %mul3A_219 = arith.muli %shift_right_logical3A_216, %mul3A_218 : vector<16xi32>
      %add3A_220 = arith.addi %mul3A_219, %iota3A : vector<16xi32>
      %gather3A_221 = tpu.vector_load_idx %arg11[%add3A_220] : memref<6288xi32, #tpu.memory_space<vmem>>[vector<16xi32>], vector<16xi32>,
      %and3A_222 = arith.constant 255 : i32
      %and3A_223 = vector.broadcast %and3A_222 : i32 to vector<16xi32>
      %and3A_224 = arith.andi %get3A_210, %and3A_223 : vector<16xi32>
      %mul3A_225 = arith.constant 128 : i32
      %mul3A_226 = vector.broadcast %mul3A_225 : i32 to vector<16xi32>
      %mul3A_227 = arith.muli %and3A_224, %mul3A_226 : vector<16xi32>
      %add3A_228 = arith.constant 64 : i32
      %add3A_229 = arith.addi %add3A_228, %scan3A_92 : i32
      %add3A_230 = vector.broadcast %add3A_229 : i32 to vector<16xi32>
      %add3A_231 = arith.addi %mul3A_227, %add3A_230 : vector<16xi32>
      %gt3A_232 = arith.constant 0 : i32
      %gt3A_233 = vector.broadcast %gt3A_232 : i32 to vector<16xi32>
      %gt3A_234 = arith.cmpi sgt, %get3A_213, %gt3A_233 : vector<16xi32>
      tpu.vector_store_idx %arg8[%gather3A_221], %add3A_231 masked %gt3A_234 : memref<26640xi32, #tpu.memory_space<vmem>>[vector<16xi32>], vector<16xi32>, vector<16xi1>
      %gt3A_235 = arith.constant 0 : i32
      %gt3A_236 = vector.broadcast %gt3A_235 : i32 to vector<16xi32>
      %gt3A_237 = arith.cmpi sgt, %get3A_213, %gt3A_236 : vector<16xi32>
      tpu.vector_store_idx %arg11[%add3A_220], %broadcast_in_dim3A_5 masked %gt3A_237 {add = true} : memref<6288xi32, #tpu.memory_space<vmem>>[vector<16xi32>], vector<16xi32>, vector<16xi1>
      %get3A_238 = arith.index_cast %scan3A_92 : i32 to index
      %get3A_239 = arith.constant 80 : index
      %get3A_240 = tpu.vector_load %arg6[%get3A_238, %get3A_239] {strides = array<i32>} : memref<64x200xi32, #tpu.memory_space<vmem>>, vector<16xi32>,
      %get3A_241 = arith.index_cast %scan3A_92 : i32 to index
      %get3A_242 = arith.constant 80 : index
      %get3A_243 = tpu.vector_load %arg7[%get3A_241, %get3A_242] {strides = array<i32>} : memref<64x200xi32, #tpu.memory_space<vmem>>, vector<16xi32>,
      %shift_right_logical3A_244 = arith.constant 8 : i32
      %shift_right_logical3A_245 = vector.broadcast %shift_right_logical3A_244 : i32 to vector<16xi32>
      %shift_right_logical3A_246 = arith.shrui %get3A_240, %shift_right_logical3A_245 : vector<16xi32>
      %mul3A_247 = arith.constant 16 : i32
      %mul3A_248 = vector.broadcast %mul3A_247 : i32 to vector<16xi32>
      %mul3A_249 = arith.muli %shift_right_logical3A_246, %mul3A_248 : vector<16xi32>
      %add3A_250 = arith.addi %mul3A_249, %iota3A : vector<16xi32>
      %gather3A_251 = tpu.vector_load_idx %arg11[%add3A_250] : memref<6288xi32, #tpu.memory_space<vmem>>[vector<16xi32>], vector<16xi32>,
      %and3A_252 = arith.constant 255 : i32
      %and3A_253 = vector.broadcast %and3A_252 : i32 to vector<16xi32>
      %and3A_254 = arith.andi %get3A_240, %and3A_253 : vector<16xi32>
      %mul3A_255 = arith.constant 128 : i32
      %mul3A_256 = vector.broadcast %mul3A_255 : i32 to vector<16xi32>
      %mul3A_257 = arith.muli %and3A_254, %mul3A_256 : vector<16xi32>
      %add3A_258 = arith.constant 64 : i32
      %add3A_259 = arith.addi %add3A_258, %scan3A_92 : i32
      %add3A_260 = vector.broadcast %add3A_259 : i32 to vector<16xi32>
      %add3A_261 = arith.addi %mul3A_257, %add3A_260 : vector<16xi32>
      %gt3A_262 = arith.constant 0 : i32
      %gt3A_263 = vector.broadcast %gt3A_262 : i32 to vector<16xi32>
      %gt3A_264 = arith.cmpi sgt, %get3A_243, %gt3A_263 : vector<16xi32>
      tpu.vector_store_idx %arg8[%gather3A_251], %add3A_261 masked %gt3A_264 : memref<26640xi32, #tpu.memory_space<vmem>>[vector<16xi32>], vector<16xi32>, vector<16xi1>
      %gt3A_265 = arith.constant 0 : i32
      %gt3A_266 = vector.broadcast %gt3A_265 : i32 to vector<16xi32>
      %gt3A_267 = arith.cmpi sgt, %get3A_243, %gt3A_266 : vector<16xi32>
      tpu.vector_store_idx %arg11[%add3A_250], %broadcast_in_dim3A_5 masked %gt3A_267 {add = true} : memref<6288xi32, #tpu.memory_space<vmem>>[vector<16xi32>], vector<16xi32>, vector<16xi1>
      %get3A_268 = arith.index_cast %scan3A_92 : i32 to index
      %get3A_269 = arith.constant 96 : index
      %get3A_270 = tpu.vector_load %arg6[%get3A_268, %get3A_269] {strides = array<i32>} : memref<64x200xi32, #tpu.memory_space<vmem>>, vector<16xi32>,
      %get3A_271 = arith.index_cast %scan3A_92 : i32 to index
      %get3A_272 = arith.constant 96 : index
      %get3A_273 = tpu.vector_load %arg7[%get3A_271, %get3A_272] {strides = array<i32>} : memref<64x200xi32, #tpu.memory_space<vmem>>, vector<16xi32>,
      %shift_right_logical3A_274 = arith.constant 8 : i32
      %shift_right_logical3A_275 = vector.broadcast %shift_right_logical3A_274 : i32 to vector<16xi32>
      %shift_right_logical3A_276 = arith.shrui %get3A_270, %shift_right_logical3A_275 : vector<16xi32>
      %mul3A_277 = arith.constant 16 : i32
      %mul3A_278 = vector.broadcast %mul3A_277 : i32 to vector<16xi32>
      %mul3A_279 = arith.muli %shift_right_logical3A_276, %mul3A_278 : vector<16xi32>
      %add3A_280 = arith.addi %mul3A_279, %iota3A : vector<16xi32>
      %gather3A_281 = tpu.vector_load_idx %arg11[%add3A_280] : memref<6288xi32, #tpu.memory_space<vmem>>[vector<16xi32>], vector<16xi32>,
      %and3A_282 = arith.constant 255 : i32
      %and3A_283 = vector.broadcast %and3A_282 : i32 to vector<16xi32>
      %and3A_284 = arith.andi %get3A_270, %and3A_283 : vector<16xi32>
      %mul3A_285 = arith.constant 128 : i32
      %mul3A_286 = vector.broadcast %mul3A_285 : i32 to vector<16xi32>
      %mul3A_287 = arith.muli %and3A_284, %mul3A_286 : vector<16xi32>
      %add3A_288 = arith.constant 64 : i32
      %add3A_289 = arith.addi %add3A_288, %scan3A_92 : i32
      %add3A_290 = vector.broadcast %add3A_289 : i32 to vector<16xi32>
      %add3A_291 = arith.addi %mul3A_287, %add3A_290 : vector<16xi32>
      %gt3A_292 = arith.constant 0 : i32
      %gt3A_293 = vector.broadcast %gt3A_292 : i32 to vector<16xi32>
      %gt3A_294 = arith.cmpi sgt, %get3A_273, %gt3A_293 : vector<16xi32>
      tpu.vector_store_idx %arg8[%gather3A_281], %add3A_291 masked %gt3A_294 : memref<26640xi32, #tpu.memory_space<vmem>>[vector<16xi32>], vector<16xi32>, vector<16xi1>
      %gt3A_295 = arith.constant 0 : i32
      %gt3A_296 = vector.broadcast %gt3A_295 : i32 to vector<16xi32>
      %gt3A_297 = arith.cmpi sgt, %get3A_273, %gt3A_296 : vector<16xi32>
      tpu.vector_store_idx %arg11[%add3A_280], %broadcast_in_dim3A_5 masked %gt3A_297 {add = true} : memref<6288xi32, #tpu.memory_space<vmem>>[vector<16xi32>], vector<16xi32>, vector<16xi1>
      %get3A_298 = arith.index_cast %scan3A_92 : i32 to index
      %get3A_299 = arith.constant 112 : index
      %get3A_300 = tpu.vector_load %arg6[%get3A_298, %get3A_299] {strides = array<i32>} : memref<64x200xi32, #tpu.memory_space<vmem>>, vector<16xi32>,
      %get3A_301 = arith.index_cast %scan3A_92 : i32 to index
      %get3A_302 = arith.constant 112 : index
      %get3A_303 = tpu.vector_load %arg7[%get3A_301, %get3A_302] {strides = array<i32>} : memref<64x200xi32, #tpu.memory_space<vmem>>, vector<16xi32>,
      %shift_right_logical3A_304 = arith.constant 8 : i32
      %shift_right_logical3A_305 = vector.broadcast %shift_right_logical3A_304 : i32 to vector<16xi32>
      %shift_right_logical3A_306 = arith.shrui %get3A_300, %shift_right_logical3A_305 : vector<16xi32>
      %mul3A_307 = arith.constant 16 : i32
      %mul3A_308 = vector.broadcast %mul3A_307 : i32 to vector<16xi32>
      %mul3A_309 = arith.muli %shift_right_logical3A_306, %mul3A_308 : vector<16xi32>
      %add3A_310 = arith.addi %mul3A_309, %iota3A : vector<16xi32>
      %gather3A_311 = tpu.vector_load_idx %arg11[%add3A_310] : memref<6288xi32, #tpu.memory_space<vmem>>[vector<16xi32>], vector<16xi32>,
      %and3A_312 = arith.constant 255 : i32
      %and3A_313 = vector.broadcast %and3A_312 : i32 to vector<16xi32>
      %and3A_314 = arith.andi %get3A_300, %and3A_313 : vector<16xi32>
      %mul3A_315 = arith.constant 128 : i32
      %mul3A_316 = vector.broadcast %mul3A_315 : i32 to vector<16xi32>
      %mul3A_317 = arith.muli %and3A_314, %mul3A_316 : vector<16xi32>
      %add3A_318 = arith.constant 64 : i32
      %add3A_319 = arith.addi %add3A_318, %scan3A_92 : i32
      %add3A_320 = vector.broadcast %add3A_319 : i32 to vector<16xi32>
      %add3A_321 = arith.addi %mul3A_317, %add3A_320 : vector<16xi32>
      %gt3A_322 = arith.constant 0 : i32
      %gt3A_323 = vector.broadcast %gt3A_322 : i32 to vector<16xi32>
      %gt3A_324 = arith.cmpi sgt, %get3A_303, %gt3A_323 : vector<16xi32>
      tpu.vector_store_idx %arg8[%gather3A_311], %add3A_321 masked %gt3A_324 : memref<26640xi32, #tpu.memory_space<vmem>>[vector<16xi32>], vector<16xi32>, vector<16xi1>
      %gt3A_325 = arith.constant 0 : i32
      %gt3A_326 = vector.broadcast %gt3A_325 : i32 to vector<16xi32>
      %gt3A_327 = arith.cmpi sgt, %get3A_303, %gt3A_326 : vector<16xi32>
      tpu.vector_store_idx %arg11[%add3A_310], %broadcast_in_dim3A_5 masked %gt3A_327 {add = true} : memref<6288xi32, #tpu.memory_space<vmem>>[vector<16xi32>], vector<16xi32>, vector<16xi1>
      %get3A_328 = arith.index_cast %scan3A_92 : i32 to index
      %get3A_329 = arith.constant 128 : index
      %get3A_330 = tpu.vector_load %arg6[%get3A_328, %get3A_329] {strides = array<i32>} : memref<64x200xi32, #tpu.memory_space<vmem>>, vector<16xi32>,
      %get3A_331 = arith.index_cast %scan3A_92 : i32 to index
      %get3A_332 = arith.constant 128 : index
      %get3A_333 = tpu.vector_load %arg7[%get3A_331, %get3A_332] {strides = array<i32>} : memref<64x200xi32, #tpu.memory_space<vmem>>, vector<16xi32>,
      %shift_right_logical3A_334 = arith.constant 8 : i32
      %shift_right_logical3A_335 = vector.broadcast %shift_right_logical3A_334 : i32 to vector<16xi32>
      %shift_right_logical3A_336 = arith.shrui %get3A_330, %shift_right_logical3A_335 : vector<16xi32>
      %mul3A_337 = arith.constant 16 : i32
      %mul3A_338 = vector.broadcast %mul3A_337 : i32 to vector<16xi32>
      %mul3A_339 = arith.muli %shift_right_logical3A_336, %mul3A_338 : vector<16xi32>
      %add3A_340 = arith.addi %mul3A_339, %iota3A : vector<16xi32>
      %gather3A_341 = tpu.vector_load_idx %arg11[%add3A_340] : memref<6288xi32, #tpu.memory_space<vmem>>[vector<16xi32>], vector<16xi32>,
      %and3A_342 = arith.constant 255 : i32
      %and3A_343 = vector.broadcast %and3A_342 : i32 to vector<16xi32>
      %and3A_344 = arith.andi %get3A_330, %and3A_343 : vector<16xi32>
      %mul3A_345 = arith.constant 128 : i32
      %mul3A_346 = vector.broadcast %mul3A_345 : i32 to vector<16xi32>
      %mul3A_347 = arith.muli %and3A_344, %mul3A_346 : vector<16xi32>
      %add3A_348 = arith.constant 64 : i32
      %add3A_349 = arith.addi %add3A_348, %scan3A_92 : i32
      %add3A_350 = vector.broadcast %add3A_349 : i32 to vector<16xi32>
      %add3A_351 = arith.addi %mul3A_347, %add3A_350 : vector<16xi32>
      %gt3A_352 = arith.constant 0 : i32
      %gt3A_353 = vector.broadcast %gt3A_352 : i32 to vector<16xi32>
      %gt3A_354 = arith.cmpi sgt, %get3A_333, %gt3A_353 : vector<16xi32>
      tpu.vector_store_idx %arg8[%gather3A_341], %add3A_351 masked %gt3A_354 : memref<26640xi32, #tpu.memory_space<vmem>>[vector<16xi32>], vector<16xi32>, vector<16xi1>
      %gt3A_355 = arith.constant 0 : i32
      %gt3A_356 = vector.broadcast %gt3A_355 : i32 to vector<16xi32>
      %gt3A_357 = arith.cmpi sgt, %get3A_333, %gt3A_356 : vector<16xi32>
      tpu.vector_store_idx %arg11[%add3A_340], %broadcast_in_dim3A_5 masked %gt3A_357 {add = true} : memref<6288xi32, #tpu.memory_space<vmem>>[vector<16xi32>], vector<16xi32>, vector<16xi1>
      %get3A_358 = arith.index_cast %scan3A_92 : i32 to index
      %get3A_359 = arith.constant 144 : index
      %get3A_360 = tpu.vector_load %arg6[%get3A_358, %get3A_359] {strides = array<i32>} : memref<64x200xi32, #tpu.memory_space<vmem>>, vector<16xi32>,
      %get3A_361 = arith.index_cast %scan3A_92 : i32 to index
      %get3A_362 = arith.constant 144 : index
      %get3A_363 = tpu.vector_load %arg7[%get3A_361, %get3A_362] {strides = array<i32>} : memref<64x200xi32, #tpu.memory_space<vmem>>, vector<16xi32>,
      %shift_right_logical3A_364 = arith.constant 8 : i32
      %shift_right_logical3A_365 = vector.broadcast %shift_right_logical3A_364 : i32 to vector<16xi32>
      %shift_right_logical3A_366 = arith.shrui %get3A_360, %shift_right_logical3A_365 : vector<16xi32>
      %mul3A_367 = arith.constant 16 : i32
      %mul3A_368 = vector.broadcast %mul3A_367 : i32 to vector<16xi32>
      %mul3A_369 = arith.muli %shift_right_logical3A_366, %mul3A_368 : vector<16xi32>
      %add3A_370 = arith.addi %mul3A_369, %iota3A : vector<16xi32>
      %gather3A_371 = tpu.vector_load_idx %arg11[%add3A_370] : memref<6288xi32, #tpu.memory_space<vmem>>[vector<16xi32>], vector<16xi32>,
      %and3A_372 = arith.constant 255 : i32
      %and3A_373 = vector.broadcast %and3A_372 : i32 to vector<16xi32>
      %and3A_374 = arith.andi %get3A_360, %and3A_373 : vector<16xi32>
      %mul3A_375 = arith.constant 128 : i32
      %mul3A_376 = vector.broadcast %mul3A_375 : i32 to vector<16xi32>
      %mul3A_377 = arith.muli %and3A_374, %mul3A_376 : vector<16xi32>
      %add3A_378 = arith.constant 64 : i32
      %add3A_379 = arith.addi %add3A_378, %scan3A_92 : i32
      %add3A_380 = vector.broadcast %add3A_379 : i32 to vector<16xi32>
      %add3A_381 = arith.addi %mul3A_377, %add3A_380 : vector<16xi32>
      %gt3A_382 = arith.constant 0 : i32
      %gt3A_383 = vector.broadcast %gt3A_382 : i32 to vector<16xi32>
      %gt3A_384 = arith.cmpi sgt, %get3A_363, %gt3A_383 : vector<16xi32>
      tpu.vector_store_idx %arg8[%gather3A_371], %add3A_381 masked %gt3A_384 : memref<26640xi32, #tpu.memory_space<vmem>>[vector<16xi32>], vector<16xi32>, vector<16xi1>
      %gt3A_385 = arith.constant 0 : i32
      %gt3A_386 = vector.broadcast %gt3A_385 : i32 to vector<16xi32>
      %gt3A_387 = arith.cmpi sgt, %get3A_363, %gt3A_386 : vector<16xi32>
      tpu.vector_store_idx %arg11[%add3A_370], %broadcast_in_dim3A_5 masked %gt3A_387 {add = true} : memref<6288xi32, #tpu.memory_space<vmem>>[vector<16xi32>], vector<16xi32>, vector<16xi1>
      %get3A_388 = arith.index_cast %scan3A_92 : i32 to index
      %get3A_389 = arith.constant 160 : index
      %get3A_390 = tpu.vector_load %arg6[%get3A_388, %get3A_389] {strides = array<i32>} : memref<64x200xi32, #tpu.memory_space<vmem>>, vector<16xi32>,
      %get3A_391 = arith.index_cast %scan3A_92 : i32 to index
      %get3A_392 = arith.constant 160 : index
      %get3A_393 = tpu.vector_load %arg7[%get3A_391, %get3A_392] {strides = array<i32>} : memref<64x200xi32, #tpu.memory_space<vmem>>, vector<16xi32>,
      %shift_right_logical3A_394 = arith.constant 8 : i32
      %shift_right_logical3A_395 = vector.broadcast %shift_right_logical3A_394 : i32 to vector<16xi32>
      %shift_right_logical3A_396 = arith.shrui %get3A_390, %shift_right_logical3A_395 : vector<16xi32>
      %mul3A_397 = arith.constant 16 : i32
      %mul3A_398 = vector.broadcast %mul3A_397 : i32 to vector<16xi32>
      %mul3A_399 = arith.muli %shift_right_logical3A_396, %mul3A_398 : vector<16xi32>
      %add3A_400 = arith.addi %mul3A_399, %iota3A : vector<16xi32>
      %gather3A_401 = tpu.vector_load_idx %arg11[%add3A_400] : memref<6288xi32, #tpu.memory_space<vmem>>[vector<16xi32>], vector<16xi32>,
      %and3A_402 = arith.constant 255 : i32
      %and3A_403 = vector.broadcast %and3A_402 : i32 to vector<16xi32>
      %and3A_404 = arith.andi %get3A_390, %and3A_403 : vector<16xi32>
      %mul3A_405 = arith.constant 128 : i32
      %mul3A_406 = vector.broadcast %mul3A_405 : i32 to vector<16xi32>
      %mul3A_407 = arith.muli %and3A_404, %mul3A_406 : vector<16xi32>
      %add3A_408 = arith.constant 64 : i32
      %add3A_409 = arith.addi %add3A_408, %scan3A_92 : i32
      %add3A_410 = vector.broadcast %add3A_409 : i32 to vector<16xi32>
      %add3A_411 = arith.addi %mul3A_407, %add3A_410 : vector<16xi32>
      %gt3A_412 = arith.constant 0 : i32
      %gt3A_413 = vector.broadcast %gt3A_412 : i32 to vector<16xi32>
      %gt3A_414 = arith.cmpi sgt, %get3A_393, %gt3A_413 : vector<16xi32>
      tpu.vector_store_idx %arg8[%gather3A_401], %add3A_411 masked %gt3A_414 : memref<26640xi32, #tpu.memory_space<vmem>>[vector<16xi32>], vector<16xi32>, vector<16xi1>
      %gt3A_415 = arith.constant 0 : i32
      %gt3A_416 = vector.broadcast %gt3A_415 : i32 to vector<16xi32>
      %gt3A_417 = arith.cmpi sgt, %get3A_393, %gt3A_416 : vector<16xi32>
      tpu.vector_store_idx %arg11[%add3A_400], %broadcast_in_dim3A_5 masked %gt3A_417 {add = true} : memref<6288xi32, #tpu.memory_space<vmem>>[vector<16xi32>], vector<16xi32>, vector<16xi1>
      %get3A_418 = arith.index_cast %scan3A_92 : i32 to index
      %get3A_419 = arith.constant 176 : index
      %get3A_420 = tpu.vector_load %arg6[%get3A_418, %get3A_419] {strides = array<i32>} : memref<64x200xi32, #tpu.memory_space<vmem>>, vector<16xi32>,
      %get3A_421 = arith.index_cast %scan3A_92 : i32 to index
      %get3A_422 = arith.constant 176 : index
      %get3A_423 = tpu.vector_load %arg7[%get3A_421, %get3A_422] {strides = array<i32>} : memref<64x200xi32, #tpu.memory_space<vmem>>, vector<16xi32>,
      %shift_right_logical3A_424 = arith.constant 8 : i32
      %shift_right_logical3A_425 = vector.broadcast %shift_right_logical3A_424 : i32 to vector<16xi32>
      %shift_right_logical3A_426 = arith.shrui %get3A_420, %shift_right_logical3A_425 : vector<16xi32>
      %mul3A_427 = arith.constant 16 : i32
      %mul3A_428 = vector.broadcast %mul3A_427 : i32 to vector<16xi32>
      %mul3A_429 = arith.muli %shift_right_logical3A_426, %mul3A_428 : vector<16xi32>
      %add3A_430 = arith.addi %mul3A_429, %iota3A : vector<16xi32>
      %gather3A_431 = tpu.vector_load_idx %arg11[%add3A_430] : memref<6288xi32, #tpu.memory_space<vmem>>[vector<16xi32>], vector<16xi32>,
      %and3A_432 = arith.constant 255 : i32
      %and3A_433 = vector.broadcast %and3A_432 : i32 to vector<16xi32>
      %and3A_434 = arith.andi %get3A_420, %and3A_433 : vector<16xi32>
      %mul3A_435 = arith.constant 128 : i32
      %mul3A_436 = vector.broadcast %mul3A_435 : i32 to vector<16xi32>
      %mul3A_437 = arith.muli %and3A_434, %mul3A_436 : vector<16xi32>
      %add3A_438 = arith.constant 64 : i32
      %add3A_439 = arith.addi %add3A_438, %scan3A_92 : i32
      %add3A_440 = vector.broadcast %add3A_439 : i32 to vector<16xi32>
      %add3A_441 = arith.addi %mul3A_437, %add3A_440 : vector<16xi32>
      %gt3A_442 = arith.constant 0 : i32
      %gt3A_443 = vector.broadcast %gt3A_442 : i32 to vector<16xi32>
      %gt3A_444 = arith.cmpi sgt, %get3A_423, %gt3A_443 : vector<16xi32>
      tpu.vector_store_idx %arg8[%gather3A_431], %add3A_441 masked %gt3A_444 : memref<26640xi32, #tpu.memory_space<vmem>>[vector<16xi32>], vector<16xi32>, vector<16xi1>
      %gt3A_445 = arith.constant 0 : i32
      %gt3A_446 = vector.broadcast %gt3A_445 : i32 to vector<16xi32>
      %gt3A_447 = arith.cmpi sgt, %get3A_423, %gt3A_446 : vector<16xi32>
      tpu.vector_store_idx %arg11[%add3A_430], %broadcast_in_dim3A_5 masked %gt3A_447 {add = true} : memref<6288xi32, #tpu.memory_space<vmem>>[vector<16xi32>], vector<16xi32>, vector<16xi1>
      %get3A_448 = arith.index_cast %scan3A_92 : i32 to index
      %get3A_449 = arith.constant 184 : index
      %get3A_450 = tpu.vector_load %arg6[%get3A_448, %get3A_449] {strides = array<i32>} : memref<64x200xi32, #tpu.memory_space<vmem>>, vector<16xi32>,
      %get3A_451 = arith.index_cast %scan3A_92 : i32 to index
      %get3A_452 = arith.constant 184 : index
      %get3A_453 = tpu.vector_load %arg7[%get3A_451, %get3A_452] {strides = array<i32>} : memref<64x200xi32, #tpu.memory_space<vmem>>, vector<16xi32>,
      %mul3A_454 = arith.muli %get3A_453, %convert_element_type3A : vector<16xi32>
      %shift_right_logical3A_455 = arith.constant 8 : i32
      %shift_right_logical3A_456 = vector.broadcast %shift_right_logical3A_455 : i32 to vector<16xi32>
      %shift_right_logical3A_457 = arith.shrui %get3A_450, %shift_right_logical3A_456 : vector<16xi32>
      %mul3A_458 = arith.constant 16 : i32
      %mul3A_459 = vector.broadcast %mul3A_458 : i32 to vector<16xi32>
      %mul3A_460 = arith.muli %shift_right_logical3A_457, %mul3A_459 : vector<16xi32>
      %add3A_461 = arith.addi %mul3A_460, %iota3A : vector<16xi32>
      %gather3A_462 = tpu.vector_load_idx %arg11[%add3A_461] : memref<6288xi32, #tpu.memory_space<vmem>>[vector<16xi32>], vector<16xi32>,
      %and3A_463 = arith.constant 255 : i32
      %and3A_464 = vector.broadcast %and3A_463 : i32 to vector<16xi32>
      %and3A_465 = arith.andi %get3A_450, %and3A_464 : vector<16xi32>
      %mul3A_466 = arith.constant 128 : i32
      %mul3A_467 = vector.broadcast %mul3A_466 : i32 to vector<16xi32>
      %mul3A_468 = arith.muli %and3A_465, %mul3A_467 : vector<16xi32>
      %add3A_469 = arith.constant 64 : i32
      %add3A_470 = arith.addi %add3A_469, %scan3A_92 : i32
      %add3A_471 = vector.broadcast %add3A_470 : i32 to vector<16xi32>
      %add3A_472 = arith.addi %mul3A_468, %add3A_471 : vector<16xi32>
      %gt3A_473 = arith.constant 0 : i32
      %gt3A_474 = vector.broadcast %gt3A_473 : i32 to vector<16xi32>
      %gt3A_475 = arith.cmpi sgt, %mul3A_454, %gt3A_474 : vector<16xi32>
      tpu.vector_store_idx %arg8[%gather3A_462], %add3A_472 masked %gt3A_475 : memref<26640xi32, #tpu.memory_space<vmem>>[vector<16xi32>], vector<16xi32>, vector<16xi1>
      %gt3A_476 = arith.constant 0 : i32
      %gt3A_477 = vector.broadcast %gt3A_476 : i32 to vector<16xi32>
      %gt3A_478 = arith.cmpi sgt, %mul3A_454, %gt3A_477 : vector<16xi32>
      tpu.vector_store_idx %arg11[%add3A_461], %broadcast_in_dim3A_5 masked %gt3A_478 {add = true} : memref<6288xi32, #tpu.memory_space<vmem>>[vector<16xi32>], vector<16xi32>, vector<16xi1>
    }
    %scan3A_69 = arith.constant 64 : i32
    %dma_start3A = arith.constant 0 : i32
    %dma_start3A_70 = arith.constant 0 : i32
    %dma_start3A_71 = tpu.memref_slice %arg4[%dma_start3A, %dma_start3A_70] : memref<100352x64xf32, #tpu.memory_space<hbm>> -> memref<256x64xf32, #tpu.memory_space<hbm>>
    %dma_start3A_72 = arith.constant 0 : i32
    %dma_start3A_73 = arith.constant 0 : i32
    %dma_start3A_74 = tpu.memref_slice %arg4[%dma_start3A_72, %dma_start3A_73] : memref<100352x64xf32, #tpu.memory_space<hbm>> -> memref<256x64xf32, #tpu.memory_space<hbm>>
    tpu.enqueue_dma source(%dma_start3A_74 : memref<256x64xf32, #tpu.memory_space<hbm>>) target(%arg12 : memref<256x64xf32, #tpu.memory_space<vmem>>) target_semaphore(%arg16 : memref<!tpu.dma_semaphore, #tpu.memory_space<semaphore_mem>>)
    %scan3A_75 = arith.constant 0 : i32
    %scan3A_76 = arith.constant 0 : i32
    %scan3A_77 = arith.constant 196 : i32
    %scan3A_78 = arith.addi %scan3A_76, %scan3A_77 : i32
    %scan3A_79 = arith.constant 1 : i32
    scf.for %scan3A_92 = %scan3A_76 to %scan3A_78 step %scan3A_79  : i32 {
      %mul3A_93 = arith.constant 2 : i32
      %mul3A_94 = arith.muli %scan3A_92, %mul3A_93 : i32
      %add3A_95 = arith.constant 1 : i32
      %add3A_96 = arith.addi %mul3A_94, %add3A_95 : i32
      %mul3A_97 = arith.constant 256 : i32
      %mul3A_98 = arith.muli %add3A_96, %mul3A_97 : i32
      %dma_start3A_99 = arith.constant 0 : i32
      %dma_start3A_100 = tpu.memref_slice %arg4[%mul3A_98, %dma_start3A_99] : memref<100352x64xf32, #tpu.memory_space<hbm>> -> memref<256x64xf32, #tpu.memory_space<hbm>>
      %dma_start3A_101 = arith.constant 0 : i32
      %dma_start3A_102 = tpu.memref_slice %arg4[%mul3A_98, %dma_start3A_101] : memref<100352x64xf32, #tpu.memory_space<hbm>> -> memref<256x64xf32, #tpu.memory_space<hbm>>
      tpu.enqueue_dma source(%dma_start3A_102 : memref<256x64xf32, #tpu.memory_space<hbm>>) target(%arg13 : memref<256x64xf32, #tpu.memory_space<vmem>>) target_semaphore(%arg17 : memref<!tpu.dma_semaphore, #tpu.memory_space<semaphore_mem>>)
      %mul3A_103 = arith.constant 256 : i32
      %mul3A_104 = arith.muli %mul3A_94, %mul3A_103 : i32
      %dma_wait3A_105 = arith.constant 0 : i32
      %dma_wait3A_106 = tpu.memref_slice %arg4[%mul3A_104, %dma_wait3A_105] : memref<100352x64xf32, #tpu.memory_space<hbm>> -> memref<256x64xf32, #tpu.memory_space<hbm>>
      %dma_wait3A_107 = arith.constant 0 : i32
      %dma_wait3A_108 = tpu.memref_slice %arg4[%mul3A_104, %dma_wait3A_107] : memref<100352x64xf32, #tpu.memory_space<hbm>> -> memref<256x64xf32, #tpu.memory_space<hbm>>
      tpu.wait_dma2 semaphore(%arg16 : memref<!tpu.dma_semaphore, #tpu.memory_space<semaphore_mem>>) src(%dma_wait3A_108 : memref<256x64xf32, #tpu.memory_space<hbm>>) dst(%arg12 : memref<256x64xf32, #tpu.memory_space<vmem>>)
      %mul3A_109 = arith.constant 16 : i32
      %mul3A_110 = arith.muli %mul3A_94, %mul3A_109 : i32
      %get3A = arith.index_cast %mul3A_110 : i32 to index
      %get3A_111 = tpu.vector_load %arg10[%get3A] {strides = array<i32>} : memref<6288xi32, #tpu.memory_space<vmem>>, vector<16xi32>,
      %slice3A = vector.extract_strided_slice %get3A_111 {offsets = [0], sizes = [1], strides = [1]} : vector<16xi32> to vector<1xi32>
      %squeeze3A = vector.extract %slice3A[0] : i32 from vector<1xi32>
      %add3A_112 = arith.constant 1 : i32
      %add3A_113 = arith.addi %mul3A_94, %add3A_112 : i32
      %mul3A_114 = arith.constant 16 : i32
      %mul3A_115 = arith.muli %add3A_113, %mul3A_114 : i32
      %get3A_116 = arith.index_cast %mul3A_115 : i32 to index
      %get3A_117 = tpu.vector_load %arg10[%get3A_116] {strides = array<i32>} : memref<6288xi32, #tpu.memory_space<vmem>>, vector<16xi32>,
      %slice3A_118 = vector.extract_strided_slice %get3A_117 {offsets = [0], sizes = [1], strides = [1]} : vector<16xi32> to vector<1xi32>
      %squeeze3A_119 = vector.extract %slice3A_118[0] : i32 from vector<1xi32>
      %while3A = arith.constant 0 : i32
      %while3A_120 = arith.subi %squeeze3A_119, %squeeze3A : i32
      %while3A_121 = arith.addi %squeeze3A, %while3A_120 : i32
      %while3A_122 = arith.constant 1 : i32
      %while3A_123 = arith.divsi %while3A_120, %while3A_122 : i32
      %while3A_124 = arith.muli %while3A_123, %while3A_122 : i32
      %while3A_125 = arith.addi %squeeze3A, %while3A_124 : i32
      %while3A_126 = arith.constant 1 : i32
      scf.for %while3A_166 = %squeeze3A to %while3A_125 step %while3A_126  : i32 {
        %get3A_167 = arith.index_cast %while3A_166 : i32 to index
        %get3A_168 = tpu.vector_load %arg8[%get3A_167] {strides = array<i32>} : memref<26640xi32, #tpu.memory_space<vmem>>, vector<16xi32>,
        %slice3A_169 = vector.extract_strided_slice %get3A_168 {offsets = [0], sizes = [1], strides = [1]} : vector<16xi32> to vector<1xi32>
        %squeeze3A_170 = vector.extract %slice3A_169[0] : i32 from vector<1xi32>
        %and3A = arith.constant 127 : i32
        %and3A_171 = arith.andi %squeeze3A_170, %and3A : i32
        %shift_right_logical3A = arith.constant 7 : i32
        %shift_right_logical3A_172 = arith.shrui %squeeze3A_170, %shift_right_logical3A : i32
        %get3A_173 = arith.index_cast %shift_right_logical3A_172 : i32 to index
        %get3A_174 = arith.constant 0 : index
        %get3A_175 = tpu.vector_load %arg12[%get3A_173, %get3A_174] {strides = array<i32>} : memref<256x64xf32, #tpu.memory_space<vmem>>, vector<16xf32>,
        %swap3A_176 = arith.index_cast %and3A_171 : i32 to index
        %swap3A_177 = arith.constant 0 : index
        %swap3A_178 = tpu.vector_load %arg14[%swap3A_176, %swap3A_177] {strides = array<i32>} : memref<128x64xf32, #tpu.memory_space<vmem>>, vector<16xf32>,
        tpu.vector_store %arg14[%swap3A_176, %swap3A_177], %get3A_175 {add = true, strides = array<i32>} : memref<128x64xf32, #tpu.memory_space<vmem>>, vector<16xf32>,
        %get3A_179 = arith.index_cast %shift_right_logical3A_172 : i32 to index
        %get3A_180 = arith.constant 16 : index
        %get3A_181 = tpu.vector_load %arg12[%get3A_179, %get3A_180] {strides = array<i32>} : memref<256x64xf32, #tpu.memory_space<vmem>>, vector<16xf32>,
        %swap3A_182 = arith.index_cast %and3A_171 : i32 to index
        %swap3A_183 = arith.constant 16 : index
        %swap3A_184 = tpu.vector_load %arg14[%swap3A_182, %swap3A_183] {strides = array<i32>} : memref<128x64xf32, #tpu.memory_space<vmem>>, vector<16xf32>,
        tpu.vector_store %arg14[%swap3A_182, %swap3A_183], %get3A_181 {add = true, strides = array<i32>} : memref<128x64xf32, #tpu.memory_space<vmem>>, vector<16xf32>,
        %get3A_185 = arith.index_cast %shift_right_logical3A_172 : i32 to index
        %get3A_186 = arith.constant 32 : index
        %get3A_187 = tpu.vector_load %arg12[%get3A_185, %get3A_186] {strides = array<i32>} : memref<256x64xf32, #tpu.memory_space<vmem>>, vector<16xf32>,
        %swap3A_188 = arith.index_cast %and3A_171 : i32 to index
        %swap3A_189 = arith.constant 32 : index
        %swap3A_190 = tpu.vector_load %arg14[%swap3A_188, %swap3A_189] {strides = array<i32>} : memref<128x64xf32, #tpu.memory_space<vmem>>, vector<16xf32>,
        tpu.vector_store %arg14[%swap3A_188, %swap3A_189], %get3A_187 {add = true, strides = array<i32>} : memref<128x64xf32, #tpu.memory_space<vmem>>, vector<16xf32>,
        %get3A_191 = arith.index_cast %shift_right_logical3A_172 : i32 to index
        %get3A_192 = arith.constant 48 : index
        %get3A_193 = tpu.vector_load %arg12[%get3A_191, %get3A_192] {strides = array<i32>} : memref<256x64xf32, #tpu.memory_space<vmem>>, vector<16xf32>,
        %swap3A_194 = arith.index_cast %and3A_171 : i32 to index
        %swap3A_195 = arith.constant 48 : index
        %swap3A_196 = tpu.vector_load %arg14[%swap3A_194, %swap3A_195] {strides = array<i32>} : memref<128x64xf32, #tpu.memory_space<vmem>>, vector<16xf32>,
        tpu.vector_store %arg14[%swap3A_194, %swap3A_195], %get3A_193 {add = true, strides = array<i32>} : memref<128x64xf32, #tpu.memory_space<vmem>>, vector<16xf32>,
      }
      %while3A_127 = arith.constant 1 : i32
      scf.for %while3A_166 = %while3A_125 to %while3A_121 step %while3A_127  : i32 {
        %get3A_167 = arith.index_cast %while3A_166 : i32 to index
        %get3A_168 = tpu.vector_load %arg8[%get3A_167] {strides = array<i32>} : memref<26640xi32, #tpu.memory_space<vmem>>, vector<16xi32>,
        %slice3A_169 = vector.extract_strided_slice %get3A_168 {offsets = [0], sizes = [1], strides = [1]} : vector<16xi32> to vector<1xi32>
        %squeeze3A_170 = vector.extract %slice3A_169[0] : i32 from vector<1xi32>
        %and3A = arith.constant 127 : i32
        %and3A_171 = arith.andi %squeeze3A_170, %and3A : i32
        %shift_right_logical3A = arith.constant 7 : i32
        %shift_right_logical3A_172 = arith.shrui %squeeze3A_170, %shift_right_logical3A : i32
        %get3A_173 = arith.index_cast %shift_right_logical3A_172 : i32 to index
        %get3A_174 = arith.constant 0 : index
        %get3A_175 = tpu.vector_load %arg12[%get3A_173, %get3A_174] {strides = array<i32>} : memref<256x64xf32, #tpu.memory_space<vmem>>, vector<16xf32>,
        %swap3A_176 = arith.index_cast %and3A_171 : i32 to index
        %swap3A_177 = arith.constant 0 : index
        %swap3A_178 = tpu.vector_load %arg14[%swap3A_176, %swap3A_177] {strides = array<i32>} : memref<128x64xf32, #tpu.memory_space<vmem>>, vector<16xf32>,
        tpu.vector_store %arg14[%swap3A_176, %swap3A_177], %get3A_175 {add = true, strides = array<i32>} : memref<128x64xf32, #tpu.memory_space<vmem>>, vector<16xf32>,
        %get3A_179 = arith.index_cast %shift_right_logical3A_172 : i32 to index
        %get3A_180 = arith.constant 16 : index
        %get3A_181 = tpu.vector_load %arg12[%get3A_179, %get3A_180] {strides = array<i32>} : memref<256x64xf32, #tpu.memory_space<vmem>>, vector<16xf32>,
        %swap3A_182 = arith.index_cast %and3A_171 : i32 to index
        %swap3A_183 = arith.constant 16 : index
        %swap3A_184 = tpu.vector_load %arg14[%swap3A_182, %swap3A_183] {strides = array<i32>} : memref<128x64xf32, #tpu.memory_space<vmem>>, vector<16xf32>,
        tpu.vector_store %arg14[%swap3A_182, %swap3A_183], %get3A_181 {add = true, strides = array<i32>} : memref<128x64xf32, #tpu.memory_space<vmem>>, vector<16xf32>,
        %get3A_185 = arith.index_cast %shift_right_logical3A_172 : i32 to index
        %get3A_186 = arith.constant 32 : index
        %get3A_187 = tpu.vector_load %arg12[%get3A_185, %get3A_186] {strides = array<i32>} : memref<256x64xf32, #tpu.memory_space<vmem>>, vector<16xf32>,
        %swap3A_188 = arith.index_cast %and3A_171 : i32 to index
        %swap3A_189 = arith.constant 32 : index
        %swap3A_190 = tpu.vector_load %arg14[%swap3A_188, %swap3A_189] {strides = array<i32>} : memref<128x64xf32, #tpu.memory_space<vmem>>, vector<16xf32>,
        tpu.vector_store %arg14[%swap3A_188, %swap3A_189], %get3A_187 {add = true, strides = array<i32>} : memref<128x64xf32, #tpu.memory_space<vmem>>, vector<16xf32>,
        %get3A_191 = arith.index_cast %shift_right_logical3A_172 : i32 to index
        %get3A_192 = arith.constant 48 : index
        %get3A_193 = tpu.vector_load %arg12[%get3A_191, %get3A_192] {strides = array<i32>} : memref<256x64xf32, #tpu.memory_space<vmem>>, vector<16xf32>,
        %swap3A_194 = arith.index_cast %and3A_171 : i32 to index
        %swap3A_195 = arith.constant 48 : index
        %swap3A_196 = tpu.vector_load %arg14[%swap3A_194, %swap3A_195] {strides = array<i32>} : memref<128x64xf32, #tpu.memory_space<vmem>>, vector<16xf32>,
        tpu.vector_store %arg14[%swap3A_194, %swap3A_195], %get3A_193 {add = true, strides = array<i32>} : memref<128x64xf32, #tpu.memory_space<vmem>>, vector<16xf32>,
      }
      %add3A_128 = arith.constant 2 : i32
      %add3A_129 = arith.addi %mul3A_94, %add3A_128 : i32
      %min3A = arith.constant 391 : i32
      %min3A_130 = arith.minsi %add3A_129, %min3A : i32
      %mul3A_131 = arith.constant 256 : i32
      %mul3A_132 = arith.muli %min3A_130, %mul3A_131 : i32
      %dma_start3A_133 = arith.constant 0 : i32
      %dma_start3A_134 = tpu.memref_slice %arg4[%mul3A_132, %dma_start3A_133] : memref<100352x64xf32, #tpu.memory_space<hbm>> -> memref<256x64xf32, #tpu.memory_space<hbm>>
      %dma_start3A_135 = arith.constant 0 : i32
      %dma_start3A_136 = tpu.memref_slice %arg4[%mul3A_132, %dma_start3A_135] : memref<100352x64xf32, #tpu.memory_space<hbm>> -> memref<256x64xf32, #tpu.memory_space<hbm>>
      tpu.enqueue_dma source(%dma_start3A_136 : memref<256x64xf32, #tpu.memory_space<hbm>>) target(%arg12 : memref<256x64xf32, #tpu.memory_space<vmem>>) target_semaphore(%arg16 : memref<!tpu.dma_semaphore, #tpu.memory_space<semaphore_mem>>)
      %mul3A_137 = arith.constant 256 : i32
      %mul3A_138 = arith.muli %add3A_96, %mul3A_137 : i32
      %dma_wait3A_139 = arith.constant 0 : i32
      %dma_wait3A_140 = tpu.memref_slice %arg4[%mul3A_138, %dma_wait3A_139] : memref<100352x64xf32, #tpu.memory_space<hbm>> -> memref<256x64xf32, #tpu.memory_space<hbm>>
      %dma_wait3A_141 = arith.constant 0 : i32
      %dma_wait3A_142 = tpu.memref_slice %arg4[%mul3A_138, %dma_wait3A_141] : memref<100352x64xf32, #tpu.memory_space<hbm>> -> memref<256x64xf32, #tpu.memory_space<hbm>>
      tpu.wait_dma2 semaphore(%arg17 : memref<!tpu.dma_semaphore, #tpu.memory_space<semaphore_mem>>) src(%dma_wait3A_142 : memref<256x64xf32, #tpu.memory_space<hbm>>) dst(%arg13 : memref<256x64xf32, #tpu.memory_space<vmem>>)
      %mul3A_143 = arith.constant 16 : i32
      %mul3A_144 = arith.muli %add3A_96, %mul3A_143 : i32
      %get3A_145 = arith.index_cast %mul3A_144 : i32 to index
      %get3A_146 = tpu.vector_load %arg10[%get3A_145] {strides = array<i32>} : memref<6288xi32, #tpu.memory_space<vmem>>, vector<16xi32>,
      %slice3A_147 = vector.extract_strided_slice %get3A_146 {offsets = [0], sizes = [1], strides = [1]} : vector<16xi32> to vector<1xi32>
      %squeeze3A_148 = vector.extract %slice3A_147[0] : i32 from vector<1xi32>
      %add3A_149 = arith.constant 1 : i32
      %add3A_150 = arith.addi %add3A_96, %add3A_149 : i32
      %mul3A_151 = arith.constant 16 : i32
      %mul3A_152 = arith.muli %add3A_150, %mul3A_151 : i32
      %get3A_153 = arith.index_cast %mul3A_152 : i32 to index
      %get3A_154 = tpu.vector_load %arg10[%get3A_153] {strides = array<i32>} : memref<6288xi32, #tpu.memory_space<vmem>>, vector<16xi32>,
      %slice3A_155 = vector.extract_strided_slice %get3A_154 {offsets = [0], sizes = [1], strides = [1]} : vector<16xi32> to vector<1xi32>
      %squeeze3A_156 = vector.extract %slice3A_155[0] : i32 from vector<1xi32>
      %while3A_157 = arith.constant 0 : i32
      %while3A_158 = arith.subi %squeeze3A_156, %squeeze3A_148 : i32
      %while3A_159 = arith.addi %squeeze3A_148, %while3A_158 : i32
      %while3A_160 = arith.constant 1 : i32
      %while3A_161 = arith.divsi %while3A_158, %while3A_160 : i32
      %while3A_162 = arith.muli %while3A_161, %while3A_160 : i32
      %while3A_163 = arith.addi %squeeze3A_148, %while3A_162 : i32
      %while3A_164 = arith.constant 1 : i32
      scf.for %while3A_166 = %squeeze3A_148 to %while3A_163 step %while3A_164  : i32 {
        %get3A_167 = arith.index_cast %while3A_166 : i32 to index
        %get3A_168 = tpu.vector_load %arg8[%get3A_167] {strides = array<i32>} : memref<26640xi32, #tpu.memory_space<vmem>>, vector<16xi32>,
        %slice3A_169 = vector.extract_strided_slice %get3A_168 {offsets = [0], sizes = [1], strides = [1]} : vector<16xi32> to vector<1xi32>
        %squeeze3A_170 = vector.extract %slice3A_169[0] : i32 from vector<1xi32>
        %and3A = arith.constant 127 : i32
        %and3A_171 = arith.andi %squeeze3A_170, %and3A : i32
        %shift_right_logical3A = arith.constant 7 : i32
        %shift_right_logical3A_172 = arith.shrui %squeeze3A_170, %shift_right_logical3A : i32
        %get3A_173 = arith.index_cast %shift_right_logical3A_172 : i32 to index
        %get3A_174 = arith.constant 0 : index
        %get3A_175 = tpu.vector_load %arg13[%get3A_173, %get3A_174] {strides = array<i32>} : memref<256x64xf32, #tpu.memory_space<vmem>>, vector<16xf32>,
        %swap3A_176 = arith.index_cast %and3A_171 : i32 to index
        %swap3A_177 = arith.constant 0 : index
        %swap3A_178 = tpu.vector_load %arg14[%swap3A_176, %swap3A_177] {strides = array<i32>} : memref<128x64xf32, #tpu.memory_space<vmem>>, vector<16xf32>,
        tpu.vector_store %arg14[%swap3A_176, %swap3A_177], %get3A_175 {add = true, strides = array<i32>} : memref<128x64xf32, #tpu.memory_space<vmem>>, vector<16xf32>,
        %get3A_179 = arith.index_cast %shift_right_logical3A_172 : i32 to index
        %get3A_180 = arith.constant 16 : index
        %get3A_181 = tpu.vector_load %arg13[%get3A_179, %get3A_180] {strides = array<i32>} : memref<256x64xf32, #tpu.memory_space<vmem>>, vector<16xf32>,
        %swap3A_182 = arith.index_cast %and3A_171 : i32 to index
        %swap3A_183 = arith.constant 16 : index
        %swap3A_184 = tpu.vector_load %arg14[%swap3A_182, %swap3A_183] {strides = array<i32>} : memref<128x64xf32, #tpu.memory_space<vmem>>, vector<16xf32>,
        tpu.vector_store %arg14[%swap3A_182, %swap3A_183], %get3A_181 {add = true, strides = array<i32>} : memref<128x64xf32, #tpu.memory_space<vmem>>, vector<16xf32>,
        %get3A_185 = arith.index_cast %shift_right_logical3A_172 : i32 to index
        %get3A_186 = arith.constant 32 : index
        %get3A_187 = tpu.vector_load %arg13[%get3A_185, %get3A_186] {strides = array<i32>} : memref<256x64xf32, #tpu.memory_space<vmem>>, vector<16xf32>,
        %swap3A_188 = arith.index_cast %and3A_171 : i32 to index
        %swap3A_189 = arith.constant 32 : index
        %swap3A_190 = tpu.vector_load %arg14[%swap3A_188, %swap3A_189] {strides = array<i32>} : memref<128x64xf32, #tpu.memory_space<vmem>>, vector<16xf32>,
        tpu.vector_store %arg14[%swap3A_188, %swap3A_189], %get3A_187 {add = true, strides = array<i32>} : memref<128x64xf32, #tpu.memory_space<vmem>>, vector<16xf32>,
        %get3A_191 = arith.index_cast %shift_right_logical3A_172 : i32 to index
        %get3A_192 = arith.constant 48 : index
        %get3A_193 = tpu.vector_load %arg13[%get3A_191, %get3A_192] {strides = array<i32>} : memref<256x64xf32, #tpu.memory_space<vmem>>, vector<16xf32>,
        %swap3A_194 = arith.index_cast %and3A_171 : i32 to index
        %swap3A_195 = arith.constant 48 : index
        %swap3A_196 = tpu.vector_load %arg14[%swap3A_194, %swap3A_195] {strides = array<i32>} : memref<128x64xf32, #tpu.memory_space<vmem>>, vector<16xf32>,
        tpu.vector_store %arg14[%swap3A_194, %swap3A_195], %get3A_193 {add = true, strides = array<i32>} : memref<128x64xf32, #tpu.memory_space<vmem>>, vector<16xf32>,
      }
      %while3A_165 = arith.constant 1 : i32
      scf.for %while3A_166 = %while3A_163 to %while3A_159 step %while3A_165  : i32 {
        %get3A_167 = arith.index_cast %while3A_166 : i32 to index
        %get3A_168 = tpu.vector_load %arg8[%get3A_167] {strides = array<i32>} : memref<26640xi32, #tpu.memory_space<vmem>>, vector<16xi32>,
        %slice3A_169 = vector.extract_strided_slice %get3A_168 {offsets = [0], sizes = [1], strides = [1]} : vector<16xi32> to vector<1xi32>
        %squeeze3A_170 = vector.extract %slice3A_169[0] : i32 from vector<1xi32>
        %and3A = arith.constant 127 : i32
        %and3A_171 = arith.andi %squeeze3A_170, %and3A : i32
        %shift_right_logical3A = arith.constant 7 : i32
        %shift_right_logical3A_172 = arith.shrui %squeeze3A_170, %shift_right_logical3A : i32
        %get3A_173 = arith.index_cast %shift_right_logical3A_172 : i32 to index
        %get3A_174 = arith.constant 0 : index
        %get3A_175 = tpu.vector_load %arg13[%get3A_173, %get3A_174] {strides = array<i32>} : memref<256x64xf32, #tpu.memory_space<vmem>>, vector<16xf32>,
        %swap3A_176 = arith.index_cast %and3A_171 : i32 to index
        %swap3A_177 = arith.constant 0 : index
        %swap3A_178 = tpu.vector_load %arg14[%swap3A_176, %swap3A_177] {strides = array<i32>} : memref<128x64xf32, #tpu.memory_space<vmem>>, vector<16xf32>,
        tpu.vector_store %arg14[%swap3A_176, %swap3A_177], %get3A_175 {add = true, strides = array<i32>} : memref<128x64xf32, #tpu.memory_space<vmem>>, vector<16xf32>,
        %get3A_179 = arith.index_cast %shift_right_logical3A_172 : i32 to index
        %get3A_180 = arith.constant 16 : index
        %get3A_181 = tpu.vector_load %arg13[%get3A_179, %get3A_180] {strides = array<i32>} : memref<256x64xf32, #tpu.memory_space<vmem>>, vector<16xf32>,
        %swap3A_182 = arith.index_cast %and3A_171 : i32 to index
        %swap3A_183 = arith.constant 16 : index
        %swap3A_184 = tpu.vector_load %arg14[%swap3A_182, %swap3A_183] {strides = array<i32>} : memref<128x64xf32, #tpu.memory_space<vmem>>, vector<16xf32>,
        tpu.vector_store %arg14[%swap3A_182, %swap3A_183], %get3A_181 {add = true, strides = array<i32>} : memref<128x64xf32, #tpu.memory_space<vmem>>, vector<16xf32>,
        %get3A_185 = arith.index_cast %shift_right_logical3A_172 : i32 to index
        %get3A_186 = arith.constant 32 : index
        %get3A_187 = tpu.vector_load %arg13[%get3A_185, %get3A_186] {strides = array<i32>} : memref<256x64xf32, #tpu.memory_space<vmem>>, vector<16xf32>,
        %swap3A_188 = arith.index_cast %and3A_171 : i32 to index
        %swap3A_189 = arith.constant 32 : index
        %swap3A_190 = tpu.vector_load %arg14[%swap3A_188, %swap3A_189] {strides = array<i32>} : memref<128x64xf32, #tpu.memory_space<vmem>>, vector<16xf32>,
        tpu.vector_store %arg14[%swap3A_188, %swap3A_189], %get3A_187 {add = true, strides = array<i32>} : memref<128x64xf32, #tpu.memory_space<vmem>>, vector<16xf32>,
        %get3A_191 = arith.index_cast %shift_right_logical3A_172 : i32 to index
        %get3A_192 = arith.constant 48 : index
        %get3A_193 = tpu.vector_load %arg13[%get3A_191, %get3A_192] {strides = array<i32>} : memref<256x64xf32, #tpu.memory_space<vmem>>, vector<16xf32>,
        %swap3A_194 = arith.index_cast %and3A_171 : i32 to index
        %swap3A_195 = arith.constant 48 : index
        %swap3A_196 = tpu.vector_load %arg14[%swap3A_194, %swap3A_195] {strides = array<i32>} : memref<128x64xf32, #tpu.memory_space<vmem>>, vector<16xf32>,
        tpu.vector_store %arg14[%swap3A_194, %swap3A_195], %get3A_193 {add = true, strides = array<i32>} : memref<128x64xf32, #tpu.memory_space<vmem>>, vector<16xf32>,
      }
    }
    %scan3A_80 = arith.constant 196 : i32
    %dma_wait3A = arith.constant 100096 : i32
    %dma_wait3A_81 = arith.constant 0 : i32
    %dma_wait3A_82 = tpu.memref_slice %arg4[%dma_wait3A, %dma_wait3A_81] : memref<100352x64xf32, #tpu.memory_space<hbm>> -> memref<256x64xf32, #tpu.memory_space<hbm>>
    %dma_wait3A_83 = arith.constant 100096 : i32
    %dma_wait3A_84 = arith.constant 0 : i32
    %dma_wait3A_85 = tpu.memref_slice %arg4[%dma_wait3A_83, %dma_wait3A_84] : memref<100352x64xf32, #tpu.memory_space<hbm>> -> memref<256x64xf32, #tpu.memory_space<hbm>>
    tpu.wait_dma2 semaphore(%arg16 : memref<!tpu.dma_semaphore, #tpu.memory_space<semaphore_mem>>) src(%dma_wait3A_85 : memref<256x64xf32, #tpu.memory_space<hbm>>) dst(%arg12 : memref<256x64xf32, #tpu.memory_space<vmem>>)
    %scan3A_86 = arith.constant 0 : i32
    %scan3A_87 = arith.constant 0 : i32
    %scan3A_88 = arith.constant 128 : i32
    %scan3A_89 = arith.addi %scan3A_87, %scan3A_88 : i32
    %scan3A_90 = arith.constant 1 : i32
    scf.for %scan3A_92 = %scan3A_87 to %scan3A_89 step %scan3A_90  : i32 {
      %get3A = arith.index_cast %scan3A_92 : i32 to index
      %get3A_93 = arith.constant 0 : index
      %get3A_94 = tpu.vector_load %arg15[%get3A, %get3A_93] {strides = array<i32>} : memref<128x16xf32, #tpu.memory_space<vmem>>, vector<16xf32>,
      %get3A_95 = arith.index_cast %scan3A_92 : i32 to index
      %get3A_96 = arith.constant 0 : index
      %get3A_97 = tpu.vector_load %arg14[%get3A_95, %get3A_96] {strides = array<i32>} : memref<128x64xf32, #tpu.memory_space<vmem>>, vector<16xf32>,
      %div3A = arith.divf %get3A_97, %get3A_94 : vector<16xf32>
      %swap3A_98 = arith.index_cast %scan3A_92 : i32 to index
      %swap3A_99 = arith.constant 0 : index
      %swap3A_100 = tpu.vector_load %arg14[%swap3A_98, %swap3A_99] {strides = array<i32>} : memref<128x64xf32, #tpu.memory_space<vmem>>, vector<16xf32>,
      tpu.vector_store %arg14[%swap3A_98, %swap3A_99], %div3A {strides = array<i32>} : memref<128x64xf32, #tpu.memory_space<vmem>>, vector<16xf32>,
      %get3A_101 = arith.index_cast %scan3A_92 : i32 to index
      %get3A_102 = arith.constant 16 : index
      %get3A_103 = tpu.vector_load %arg14[%get3A_101, %get3A_102] {strides = array<i32>} : memref<128x64xf32, #tpu.memory_space<vmem>>, vector<16xf32>,
      %div3A_104 = arith.divf %get3A_103, %get3A_94 : vector<16xf32>
      %swap3A_105 = arith.index_cast %scan3A_92 : i32 to index
      %swap3A_106 = arith.constant 16 : index
      %swap3A_107 = tpu.vector_load %arg14[%swap3A_105, %swap3A_106] {strides = array<i32>} : memref<128x64xf32, #tpu.memory_space<vmem>>, vector<16xf32>,
      tpu.vector_store %arg14[%swap3A_105, %swap3A_106], %div3A_104 {strides = array<i32>} : memref<128x64xf32, #tpu.memory_space<vmem>>, vector<16xf32>,
      %get3A_108 = arith.index_cast %scan3A_92 : i32 to index
      %get3A_109 = arith.constant 32 : index
      %get3A_110 = tpu.vector_load %arg14[%get3A_108, %get3A_109] {strides = array<i32>} : memref<128x64xf32, #tpu.memory_space<vmem>>, vector<16xf32>,
      %div3A_111 = arith.divf %get3A_110, %get3A_94 : vector<16xf32>
      %swap3A_112 = arith.index_cast %scan3A_92 : i32 to index
      %swap3A_113 = arith.constant 32 : index
      %swap3A_114 = tpu.vector_load %arg14[%swap3A_112, %swap3A_113] {strides = array<i32>} : memref<128x64xf32, #tpu.memory_space<vmem>>, vector<16xf32>,
      tpu.vector_store %arg14[%swap3A_112, %swap3A_113], %div3A_111 {strides = array<i32>} : memref<128x64xf32, #tpu.memory_space<vmem>>, vector<16xf32>,
      %get3A_115 = arith.index_cast %scan3A_92 : i32 to index
      %get3A_116 = arith.constant 48 : index
      %get3A_117 = tpu.vector_load %arg14[%get3A_115, %get3A_116] {strides = array<i32>} : memref<128x64xf32, #tpu.memory_space<vmem>>, vector<16xf32>,
      %div3A_118 = arith.divf %get3A_117, %get3A_94 : vector<16xf32>
      %swap3A_119 = arith.index_cast %scan3A_92 : i32 to index
      %swap3A_120 = arith.constant 48 : index
      %swap3A_121 = tpu.vector_load %arg14[%swap3A_119, %swap3A_120] {strides = array<i32>} : memref<128x64xf32, #tpu.memory_space<vmem>>, vector<16xf32>,
      tpu.vector_store %arg14[%swap3A_119, %swap3A_120], %div3A_118 {strides = array<i32>} : memref<128x64xf32, #tpu.memory_space<vmem>>, vector<16xf32>,
    }
    %scan3A_91 = arith.constant 128 : i32
    "tpu.region"() ({
      %run_scoped3A = tpu.sem_alloc : memref<!tpu.dma_semaphore, #tpu.memory_space<semaphore_mem>>
      %dma_start3A_92 = arith.constant 0 : i32
      %dma_start3A_93 = tpu.memref_slice %arg5[%mul3A_2, %dma_start3A_92] : memref<4096x64xf32, #tpu.memory_space<hbm>> -> memref<128x64xf32, #tpu.memory_space<hbm>>
      %dma_start3A_94 = arith.constant 0 : i32
      %dma_start3A_95 = tpu.memref_slice %arg5[%mul3A_2, %dma_start3A_94] : memref<4096x64xf32, #tpu.memory_space<hbm>> -> memref<128x64xf32, #tpu.memory_space<hbm>>
      tpu.enqueue_dma source(%arg14 : memref<128x64xf32, #tpu.memory_space<vmem>>) target(%dma_start3A_95 : memref<128x64xf32, #tpu.memory_space<hbm>>) target_semaphore(%run_scoped3A : memref<!tpu.dma_semaphore, #tpu.memory_space<semaphore_mem>>)
      %dma_wait3A_96 = arith.constant 0 : i32
      %dma_wait3A_97 = tpu.memref_slice %arg5[%mul3A_2, %dma_wait3A_96] : memref<4096x64xf32, #tpu.memory_space<hbm>> -> memref<128x64xf32, #tpu.memory_space<hbm>>
      %dma_wait3A_98 = arith.constant 0 : i32
      %dma_wait3A_99 = tpu.memref_slice %arg5[%mul3A_2, %dma_wait3A_98] : memref<4096x64xf32, #tpu.memory_space<hbm>> -> memref<128x64xf32, #tpu.memory_space<hbm>>
      tpu.wait_dma2 semaphore(%run_scoped3A : memref<!tpu.dma_semaphore, #tpu.memory_space<semaphore_mem>>) src(%arg14 : memref<128x64xf32, #tpu.memory_space<vmem>>) dst(%dma_wait3A_99 : memref<128x64xf32, #tpu.memory_space<hbm>>)
      tpu.yield
    }) : () -> ()
    return
  }
}

</mosaic_0001>

<sc_bundles>
// kernel: _run.3.cloned.1.call-start
scs
__scs_entry_jumppad:
0x0: {  	(pc) =	sbr.rel $0x88, $3  }
0x1: {  	(tag) =	ssettag $0x0;
	lr =	simm.s32 $0x1  }
0x2: {  	[smem:$0x3F9E] =	sst lr;
	_ =	strace $0xD0000000  }
0x3: {  	_ = 	snop  }
0x4: {  	_ = 	snop  }
0x5: {  	_ = 	snop  }
0x6: {  	_ = 	snop  }
0x7: {  	_ = 	snop  }
__scs_overlays_trampoline_lowered:
0x8: {  	[smem:$0x3FAD] =	sst s0  }
0x9: {  	[smem:$0x3FAE] =	sst s1  }
0xa: {  	[smem:$0x3FAF] =	sst s2  }
0xb: {  	[smem:$0x3FB0] =	sst s3  }
0xc: {  	[smem:$0x3FB1] =	sst s4  }
0xd: {  	[smem:$0x3FB2] =	sst s5  }
0xe: {  	[smem:$0x3FB3] =	sst s6  }
0xf: {  	[smem:$0x3FB4] =	sst s7  }
0x10: {  	[smem:$0x3FB5] =	sst s8  }
0x11: {  	[smem:$0x3FB6] =	sst s9;
	s0 =	simm.s32 @!p0 $0x0  }
0x12: {  	s1 =	sld [smem:$0x3F9C];
	s0 =	simm.s32 @p0 $0x1  }
0x13: {  	[smem:$0x3FB7] =	sst s0;
	s0 =	simm.s32 @!p1 $0x0  }
0x14: {  	s2 =	sld [smem:$0x3F9B];
	s0 =	simm.s32 @p1 $0x1  }
0x15: {  	[smem:$0x3FB8] =	sst s0;
	s0 =	simm.s32 @!p2 $0x0  }
0x16: {  	s3 =	sld [smem:$0x3FDB];
	s0 =	simm.s32 @p2 $0x1  }
0x17: {  	s4 =	simm.s32 $0x1BF5;
	[smem:$0x3FBA] =	sst s0  }
0x18: {  	s0 =	sld [smem:$0x3F9D];
	_ =	swait.ge [sflag:s4], $0x0  }
0x19: {  	s7 =	sld [smem:$0x3F9E]  }
0x1a: {  	s8 =	sadd.s32 $0xFFFFE003, lr  }
0x1b: {  	s9 =	sadd.s32 $0xFFFFFEF7, lr;
	s5 =	simm.s32 $0xFFFFFFFF;
	p2 =	slt.u32 s8, $0xFFFFF086  }
0x1c: {  	p1 =	slt.u32 s9, $0xF7A;
	s5 =	simm.s32 @!p2 $0x0  }
0x1d: {  	s5 =	simm.s32 @p1 $0x1;
	p0 =	seq.s32 s7, s2  }
0x1e: {  	s7 =	smul.u32 @!p0 $0xF7A, s2;
	p2 =	seq.s32 @!p0 s5, $0x0  }
0x1f: {  	s9 =	smul.u32 $0xF7A, s1;
	s8 =	simm.s32 @!p0 $0x1BF5;
	p2 =	por !p2, p0  }
0x20: {  	[sflag:s8] =	ssyncset.s32 @!p0 $0xFFFFF086;
	s6 =	sadd.s32 @!p0 s3, s7;
	s7 =	simm.s32 @!p0 $0x108  }
0x21: {  	s3 =	sadd.s32 s3, s9;
	s6 =	sadd.s32 @!p0 $0x88, s6;
	s7 =	simm.s32 @p2 $0x1082  }
0x22: {  	[simem:s7], [sflag:s8] =	dma.local @!p0 [hbm:s6], $0xF7A  }
0x23: {  	s9 =	sor.u32 $0xD0000000, s2;
	s6 =	simm.s32 $0x108;
	_ =	swait.ge @!p0 [sflag:s8], $0x0  }
0x24: {  	s3 =	sadd.s32 $0x88, s3;
	s6 =	simm.s32 @!p1 $0x1082;
	[sflag:s4] =	ssyncset.s32 $0xFFFFF086  }
0x25: {  	[simem:s6], [sflag:s4] =	dma.local [hbm:s3], $0xF7A  }
0x26: {  	[smem:$0x3F9E] =	sst s1;
	(tag) =	ssettag s2;
	_ =	strace s9  }
0x27: {  	s1 =	sld [smem:$0x3FAE]  }
0x28: {  	s2 =	sld [smem:$0x3FAF]  }
0x29: {  	s4 =	sld [smem:$0x3FB1]  }
0x2a: {  	p0 =	seq.s32 s5, $0x0;
	s5 =	sld [smem:$0x3FB2]  }
0x2b: {  	s6 =	sld [smem:$0x3FB3]  }
0x2c: {  	s7 =	sld [smem:$0x3FB4]  }
0x2d: {  	s3 =	simm.s32 $0x108;
	s8 =	sld [smem:$0x3FB5]  }
0x2e: {  	s3 =	simm.s32 @!p0 $0x1082;
	s9 =	sld [smem:$0x3FB6]  }
0x2f: {  	lr =	sadd.s32 s0, s3;
	s0 =	sld [smem:$0x3FAD]  }
0x30: {  	s3 =	sld [smem:$0x3FB0]  }
0x31: {  	[smem:$0x3FB9] =	sst s10  }
0x32: {  	s10 =	sld [smem:$0x3FB7];
	_ =	sdelay $0x3  }
0x33: {  	p0 =	seq.s32 s10, $0x1;
	s10 =	sld [smem:$0x3FB9];
	_ =	sdelay $0x3  }
0x34: {  	[smem:$0x3FB9] =	sst s10  }
0x35: {  	s10 =	sld [smem:$0x3FB8];
	_ =	sdelay $0x3  }
0x36: {  	p1 =	seq.s32 s10, $0x1;
	s10 =	sld [smem:$0x3FB9];
	_ =	sdelay $0x3  }
0x37: {  	[smem:$0x3FB9] =	sst s10  }
0x38: {  	s10 =	sld [smem:$0x3FBA]  }
0x39: {  	_ = 	snop;
	(pc) =	sbr.ind lr, $3  }
0x3a: {  	_ = 	snop  }
0x3b: {  	_ = 	snop  }
0x3c: {  	p2 =	seq.s32 s10, $0x1;
	s10 =	sld [smem:$0x3FB9]  }
0x3d: {  	_ =	shalt  }
0x3e: {  	_ =	shalt  }
0x3f: {  	_ =	shalt  }
0x40: {  	_ =	shalt  }
0x41: {  	_ =	shalt  }
0x42: {  	_ =	shalt  }
0x43: {  	_ =	shalt  }
0x44: {  	_ =	shalt  }
0x45: {  	_ =	shalt  }
0x46: {  	_ =	shalt  }
0x47: {  	_ =	shalt  }
0x48: {  	_ =	shalt  }
0x49: {  	_ =	shalt  }
0x4a: {  	_ =	shalt  }
0x4b: {  	_ =	shalt  }
0x4c: {  	_ =	shalt  }
0x4d: {  	_ =	shalt  }
0x4e: {  	_ =	shalt  }
0x4f: {  	_ =	shalt  }
0x50: {  	_ =	shalt  }
0x51: {  	_ =	shalt  }
0x52: {  	_ =	shalt  }
0x53: {  	_ =	shalt  }
0x54: {  	_ =	shalt  }
0x55: {  	_ =	shalt  }
0x56: {  	_ =	shalt  }
0x57: {  	_ =	shalt  }
0x58: {  	_ =	shalt  }
0x59: {  	_ =	shalt  }
0x5a: {  	_ =	shalt  }
0x5b: {  	_ =	shalt  }
0x5c: {  	_ =	shalt  }
0x5d: {  	_ =	shalt  }
0x5e: {  	_ =	shalt  }
0x5f: {  	_ =	shalt  }
0x60: {  	_ =	shalt  }
0x61: {  	_ =	shalt  }
0x62: {  	_ =	shalt  }
0x63: {  	_ =	shalt  }
0x64: {  	_ =	shalt  }
0x65: {  	_ =	shalt  }
0x66: {  	_ =	shalt  }
0x67: {  	_ =	shalt  }
0x68: {  	_ =	shalt  }
0x69: {  	_ =	shalt  }
0x6a: {  	_ =	shalt  }
0x6b: {  	_ =	shalt  }
0x6c: {  	_ =	shalt  }
0x6d: {  	_ =	shalt  }
0x6e: {  	_ =	shalt  }
0x6f: {  	_ =	shalt  }
0x70: {  	_ =	shalt  }
0x71: {  	_ =	shalt  }
0x72: {  	_ =	shalt  }
0x73: {  	_ =	shalt  }
0x74: {  	_ =	shalt  }
0x75: {  	_ =	shalt  }
0x76: {  	_ =	shalt  }
0x77: {  	_ =	shalt  }
0x78: {  	_ =	shalt  }
0x79: {  	_ =	shalt  }
0x7a: {  	_ =	shalt  }
0x7b: {  	_ =	shalt  }
0x7c: {  	_ =	shalt  }
0x7d: {  	_ =	shalt  }
0x7e: {  	_ =	shalt  }
0x7f: {  	_ =	shalt  }
0x80: {  	_ =	shalt  }
0x81: {  	_ =	shalt  }
0x82: {  	_ =	shalt  }
0x83: {  	_ =	shalt  }
0x84: {  	_ =	shalt  }
0x85: {  	_ =	shalt  }
0x86: {  	_ =	shalt  }
0x87: {  	_ =	shalt  }
.Lfunc_end0:
.L_simem_size_0:
called_computation_lowered:
.L_overlay_start_0:
0x88: {  	s2 =	sld [smem:$0x3FD9]  }
0x89: {  	s3 =	sld [smem:$0x3FFE];
	_ =	sdelay $0x1  }
0x8a: {  	s1 =	srdreg.scid  }
0x8b: {  	s0 =	sand.u32 $0x1, s1  }
0x8c: {  	s17 =	sshll.u32 s0, $0xA;
	s2 =	sadd.s32 s3, s2  }
0x8d: {  	s2 =	sadd.s32 s2, s17  }
0x8e: {  	[smem:$0x3FC5] =	sst s2  }
0x8f: {  	_ = 	snop  }
0x90: {  	s2 =	sld [smem:$0x3FD0];
	(tm) =	ssettm $0x1  }
0x91: {  	s18 =	sld [smem:$0x3FFB];
	_ =	sdelay $0x3  }
0x92: {  	_ =	strace s18  }
0x93: {  	s3 =	sld [smem:$0x3FFC];
	_ =	sdelay $0x3  }
0x94: {  	_ =	strace s3  }
0x95: {  	s3 =	sld [smem:$0x3FFD];
	_ =	sdelay $0x3  }
0x96: {  	_ =	strace s3  }
0x97: {  	_ =	strace $0x8FFFFFFF  }
0x98: {  	s19 =	sld [smem:$0x3FDB];
	_ =	sdelay $0x1  }
0x99: {  	s4 =	simm.s32 $_scs_section_size  }
0x9a: {  	s5 =	simm.s32 $_size__tile_overlayer_lowered;
	s6 =	simm.s32 $_tile_overlayer_lowered  }
0x9b: {  	s22 =	simm.s32 $0x1BFF;
	s21 =	sshll.u32 s6, $0x1;
	s3 =	sadd.s32 s4, s19  }
0x9c: {  	s7 =	simm.s32 $0x0;
	s20 =	sshll.u32 s5, $0x1;
	s5 =	sadd.s32 s21, s3  }
0x9d: {  	[timem:s7], [sflag:s22] =	dma.local [hbm:s5], s20  }
0x9e: {  	_ =	swait.ge [sflag:s22], s20  }
0x9f: {  	s4 =	ssub.s32 $0x0, s20;
	[sflag:s22] =	ssyncset.done $0x0  }
0xa0: {  	[sflag:s22] =	ssyncadd.s32 s4;
	_ =	sdelay $0x1  }
0xa1: {  	s23 =	simm.s32 $0x1B8B  }
0xa2: {  	_ =	swait.ge [sflag:s23], $0x1  }
0xa3: {  	[sflag:s23] =	ssyncset.done $0x0  }
0xa4: {  	s25 =	simm.s32 $0x1B8E;
	s24 =	sld [smem:$0x3FFE];
	[sflag:s23] =	ssyncadd.s32 $0xFFFFFFFF  }
0xa5: {  	s26 =	simm.s32 $execute0_lowered;
	[smem:$0x3FD2] =	sst s25  }
0xa6: {  	s5 =	sshll.u32 s26, $0x1;
	_ =	strace $0x80000046;
	[dreg:$0x1] =	wrdreg $0xFFFFFFFF  }
0xa7: {  	s28 =	simm.s32 $_size_execute0_lowered;
	s3 =	sadd.s32 s3, s5;
	[dreg:$0x0] =	wrdreg $0x0  }
0xa8: {  	s5 =	sshll.u32 s28, $0x1;
	[dreg:$0x2] =	wrdreg s3  }
0xa9: {  	[dreg:$0x3] =	wrdreg s5  }
0xaa: {  	[dreg:$0x4] =	wrdreg $0xC0  }
0xab: {  	_ =	task [dreg:s7], $0x5FFFF  }
0xac: {  	[dreg:$0x1] =	wrdreg $0xFFFFFFFF  }
0xad: {  	[dreg:$0x0] =	wrdreg $0x60  }
0xae: {  	[dreg:$0x2] =	wrdreg s24  }
0xaf: {  	[dreg:$0x3] =	wrdreg s2  }
0xb0: {  	[dreg:$0x4] =	wrdreg $0x9  }
0xb1: {  	_ =	task.clear_ibuf [dreg:s7], $0x5FFFF;
	_ =	strace $0x90000046  }
0xb2: {  	s29 =	simm.s32 $0x9;
	_ =	strace $0x80000048  }
0xb3: {  	_ =	swait.ge [sflag:s29], $0x1  }
0xb4: {  	[sflag:s29] =	ssyncadd.s32 $0xFFFFFFFF  }
0xb5: {  	_ =	strace $0x90000048  }
0xb6: {  	_ =	sfence  }
0xb7: {  	s30 =	sld [smem:$0x0];
	_ =	sdelay $0x2  }
0xb8: {  	s31 =	sshll.u32 s1, $0xD;
	s1 =	sshrl.u32 s1, $0x2  }
0xb9: {  	s3 =	sand.u32 $0x4000, s31;
	s1 =	sadd.s32 s1, s30  }
0xba: {  	s0 =	sor.u32 s3, s0;
	s1 =	sshll.u32 s1, $0x11  }
0xbb: {  	s0 =	sor.u32 s1, s0  }
0xbc: {  	s0 =	sadd.s32 $0x8F2B, s0  }
0xbd: {  	[sflag:s0] =	ssyncadd.remote.s32 $0x1  }
0xbe: {  	_ =	sfence.sel $0xFFFF  }
0xbf: {  	[dreg:$0x0] =	wrdreg $0xFFFFFFFF;
	(pc) =	sbr.abs _section_cstart, $3  }
0xc0: {  	[dreg:$0x1] =	wrdreg $0xFFFFFFFF  }
0xc1: {  	_ =	task.clear_ibuf [dreg:s7], $0x2FFFF;
	_ =	strace $0x9FFFFFFF  }
0xc2: {  	(tm) =	ssettm $0x7FFFFFFF  }
0xc3: {  	_ =	shalt  }
tec
execute0_lowered:
.L_overlay_start_1:
0x0: {  	(tag) =	ssettag $0x1  }
0x1: {  	s3 =	rddreg [dreg:$0x0]  }
0x2: {  	s8 =	rddreg [dreg:$0x1]  }
0x3: {  	s2 =	srdreg.scid;
	s0 =	rddreg [dreg:$0x2]  }
0x4: {  	s1 =	stileid.u32;
	s13 =	simm.s32 $0xFD30;
	s14 =	simm.s32 $0x6400  }
0x5: {  	s15 =	simm.s32 $0x115C0;
	s16 =	simm.s32 $0x155C0;
	s17 =	simm.s32 $0x1  }
0x6: {  	s18 =	simm.s32 $0x2;
	s19 =	simm.s32 $0x195C0;
	s20 =	simm.s32 $0x0  }
0x7: {  	s4 =	sand.u32 $0x1, s2;
	s2 =	simm.s32 $0x0;
	s5 =	sshll.u32 s1, $0x8  }
0x8: {  	s7 =	sadd.s32 $0xDD800, s3;
	s10 =	sadd.s32 $0xC4800, s3;
	s6 =	sshll.u32 s4, $0x7  }
0x9: {  	s3 =	sadd.s32 $0x800, s3;
	[smem:$0x7FF] =	sst s2;
	s6 =	sor.u32 s6, s5  }
0xa: {  	s4 =	ssub.s32 $0x2, s4;
	_ =	strace $0x80000047;
	s9 =	smul.u32 $0xC8, s6  }
0xb: {  	s11 =	sshrl.u32 s4, $0x1;
	s5 =	smul.u32 $0x19, s6;
	s12 =	sshll.u32 s6, $0x3  }
0xc: {  	s11 =	ssub.s32 s4, s11;
	s8 =	sadd.s32 s8, s12;
	s9 =	sshrl.u32 s9, $0x3  }
0xd: {  	v0 =	vlaneseq.u32;
	s12 =	simm.s32 $0xCC10;
	s4 =	sadd.s32 s7, s5;
	s9 =	sadd.s32 $0x640, s9  }
0xe: {  	v1 =	vimm.s32 $0x0;
	v4 =	vshrl.u32 v0, $0x3;
	s5 =	sadd.s32 s10, s5;
	s6 =	sadd.s32 s7, s9;
	s7 =	sadd.s32 s10, s9  }
0xf: {  	v2 =	vimm.f32 $0.0e+00;
	v3 =	vimm.s32 $0x1;
	v4 =	vmul.u32 $0xFFFFFFFF, v4;
	s9 =	smax.u32 s11, $0x1;
	s10 =	simm.s32 $0x3;
	s11 =	simm.s32 $0x3200  }
.LBB2_1:
0x10: {  	s21 =	simm.s32 $0x0  }
.LBB2_2:
0x11: {  	p0 =	sne.s32 s21, $0x6200  }
.Ltmp0:
0x12: {  	_ = 	snop;
	(pc) =	sbr.rel @p0 .LBB2_2-.Ltmp0, $3  }
0x13: {  	_ =	sdelay $0x1  }
0x14: {  	s22 =	sshra.s32 s21, $0x2  }
0x15: {  	s21 =	sadd.s32 $0x40, s21;
	[tilespmem:s22+$0xCC10] =	vst v1  }
0x16: {  	s22 =	simm.s32 $0x100;
	s21 =	simm.s32 $0x0  }
.LBB2_4:
0x17: {  	p0 =	sne.s32 s22, $0x7F00;
	[tilespmem:s21+$0x195F0] =	vst v2;
	s23 =	smov.u32 s22;
	s22 =	sadd.s32 $0x100, s22  }
.Ltmp1:
0x18: {  	[tilespmem:s21+$0x195E0] =	vst v2;
	(pc) =	sbr.rel @p0 .LBB2_4-.Ltmp1, $3  }
0x19: {  	[tilespmem:s21+$0x195C0] =	vst v2  }
0x1a: {  	[tilespmem:s21+$0x195D0] =	vst v2;
	_ =	sdelay $0x1  }
0x1b: {  	s21 =	sshra.s32 s23, $0x2  }
0x1c: {  	[tilespmem:s21+$0x195F0] =	vst v2  }
0x1d: {  	[tilespmem:s21+$0x195E0] =	vst v2  }
0x1e: {  	[tilespmem:s21+$0x195C0] =	vst v2  }
0x1f: {  	[tilespmem:s21+$0x195D0] =	vst v2;
	s21 =	simm.s32 $0x0  }
0x20: {  	[tilespmem:s21], [sflag:$0x3] =	stream.linear.gather [hbm4b:s4+s21], $0x3200, $0x38;
	[tilespmem:$0x1BDC0] =	vst v63  }
0x21: {  	_ =	swait.ge [sflag:s10], $0x3200  }
0x22: {  	[sflag:s10] =	ssyncset.done $0x0  }
0x23: {  	[sflag:s10] =	ssyncadd.s32 $0xFFFFCE00  }
0x24: {  	[tilespmem:s11], [sflag:$0x3] =	stream.linear.gather [hbm4b:s5+s21], $0x3200, $0x38;
	[tilespmem:$0x1BDC0] =	vst v63  }
0x25: {  	_ =	swait.ge [sflag:s10], $0x3200  }
0x26: {  	[sflag:s10] =	ssyncset.done $0x0  }
0x27: {  	s22 =	simm.s32 $0x1B5C0;
	[sflag:s10] =	ssyncadd.s32 $0xFFFFCE00  }
.LBB2_6:
0x28: {  	s23 =	sshra.s32 s21, $0x2  }
0x29: {  	v5 =	vld [tilespmem:s23+$0x0]  }
0x2a: {  	v6 =	vld [tilespmem:s23+$0x3200];
	_ =	sdelay $0x3  }
0x2b: {  	v5 =	vshrl.u32 v5, $0x4  }
0x2c: {  	vm0 =	vgt.s32 v6, $0x0;
	v5 =	vand.u32 $0xFFFFFF0, v5  }
0x2d: {  	v5 =	vor.u32 v0, v5;
	_ =	sdelay $0x4  }
0x2e: {  	[tilespmem:v5+s12+$0x0] =	vst.idx.add.s32.msk vm0, v3  }
0x2f: {  	v5 =	vld [tilespmem:s23+$0x10]  }
0x30: {  	v7 =	vld [tilespmem:s23+$0x3210];
	_ =	sdelay $0x3  }
0x31: {  	v5 =	vshrl.u32 v5, $0x4  }
0x32: {  	vm4 =	vgt.s32 v7, $0x0;
	v5 =	vand.u32 $0xFFFFFF0, v5  }
0x33: {  	v5 =	vor.u32 v0, v5;
	_ =	sdelay $0x4  }
0x34: {  	[tilespmem:v5+s12+$0x0] =	vst.idx.add.s32.msk vm4, v3  }
0x35: {  	v5 =	vld [tilespmem:s23+$0x20]  }
0x36: {  	v8 =	vld [tilespmem:s23+$0x3220];
	_ =	sdelay $0x3  }
0x37: {  	v5 =	vshrl.u32 v5, $0x4  }
0x38: {  	vm5 =	vgt.s32 v8, $0x0;
	v5 =	vand.u32 $0xFFFFFF0, v5  }
0x39: {  	v5 =	vor.u32 v0, v5;
	_ =	sdelay $0x4  }
0x3a: {  	[tilespmem:v5+s12+$0x0] =	vst.idx.add.s32.msk vm5, v3  }
0x3b: {  	v5 =	vld [tilespmem:s23+$0x30]  }
0x3c: {  	v9 =	vld [tilespmem:s23+$0x3230];
	_ =	sdelay $0x3  }
0x3d: {  	v5 =	vshrl.u32 v5, $0x4  }
0x3e: {  	vm6 =	vgt.s32 v9, $0x0;
	v5 =	vand.u32 $0xFFFFFF0, v5  }
0x3f: {  	v5 =	vor.u32 v0, v5;
	_ =	sdelay $0x4  }
0x40: {  	[tilespmem:v5+s12+$0x0] =	vst.idx.add.s32.msk vm6, v3  }
0x41: {  	v5 =	vld [tilespmem:s23+$0x40]  }
0x42: {  	v10 =	vld [tilespmem:s23+$0x3240];
	_ =	sdelay $0x3  }
0x43: {  	v5 =	vshrl.u32 v5, $0x4  }
0x44: {  	vm7 =	vgt.s32 v10, $0x0;
	v5 =	vand.u32 $0xFFFFFF0, v5  }
0x45: {  	v5 =	vor.u32 v0, v5;
	_ =	sdelay $0x4  }
0x46: {  	[tilespmem:v5+s12+$0x0] =	vst.idx.add.s32.msk vm7, v3  }
0x47: {  	v5 =	vld [tilespmem:s23+$0x50]  }
0x48: {  	v11 =	vld [tilespmem:s23+$0x3250];
	_ =	sdelay $0x3  }
0x49: {  	v5 =	vshrl.u32 v5, $0x4  }
0x4a: {  	vm8 =	vgt.s32 v11, $0x0;
	v5 =	vand.u32 $0xFFFFFF0, v5  }
0x4b: {  	v5 =	vor.u32 v0, v5;
	_ =	sdelay $0x4  }
0x4c: {  	[tilespmem:v5+s12+$0x0] =	vst.idx.add.s32.msk vm8, v3  }
0x4d: {  	v5 =	vld [tilespmem:s23+$0x60]  }
0x4e: {  	v12 =	vld [tilespmem:s23+$0x3260];
	_ =	sdelay $0x3  }
0x4f: {  	v5 =	vshrl.u32 v5, $0x4  }
0x50: {  	vm9 =	vgt.s32 v12, $0x0;
	v5 =	vand.u32 $0xFFFFFF0, v5  }
0x51: {  	v5 =	vor.u32 v0, v5;
	_ =	sdelay $0x4  }
0x52: {  	[tilespmem:v5+s12+$0x0] =	vst.idx.add.s32.msk vm9, v3  }
0x53: {  	v5 =	vld [tilespmem:s23+$0x70]  }
0x54: {  	v13 =	vld [tilespmem:s23+$0x3270];
	_ =	sdelay $0x3  }
0x55: {  	v5 =	vshrl.u32 v5, $0x4  }
0x56: {  	vm10 =	vgt.s32 v13, $0x0;
	v5 =	vand.u32 $0xFFFFFF0, v5  }
0x57: {  	v5 =	vor.u32 v0, v5;
	_ =	sdelay $0x4  }
0x58: {  	[tilespmem:v5+s12+$0x0] =	vst.idx.add.s32.msk vm10, v3  }
0x59: {  	v5 =	vld [tilespmem:s23+$0x80]  }
0x5a: {  	v14 =	vld [tilespmem:s23+$0x3280];
	_ =	sdelay $0x3  }
0x5b: {  	v5 =	vshrl.u32 v5, $0x4  }
0x5c: {  	vm11 =	vgt.s32 v14, $0x0;
	v5 =	vand.u32 $0xFFFFFF0, v5  }
0x5d: {  	v5 =	vor.u32 v0, v5;
	_ =	sdelay $0x4  }
0x5e: {  	[tilespmem:v5+s12+$0x0] =	vst.idx.add.s32.msk vm11, v3  }
0x5f: {  	v5 =	vld [tilespmem:s23+$0x90]  }
0x60: {  	v15 =	vld [tilespmem:s23+$0x3290];
	_ =	sdelay $0x3  }
0x61: {  	v5 =	vshrl.u32 v5, $0x4  }
0x62: {  	vm12 =	vgt.s32 v15, $0x0;
	v5 =	vand.u32 $0xFFFFFF0, v5  }
0x63: {  	v5 =	vor.u32 v0, v5;
	_ =	sdelay $0x4  }
0x64: {  	[tilespmem:v5+s12+$0x0] =	vst.idx.add.s32.msk vm12, v3  }
0x65: {  	v5 =	vld [tilespmem:s23+$0xA0]  }
0x66: {  	v16 =	vld [tilespmem:s23+$0x32A0];
	_ =	sdelay $0x3  }
0x67: {  	v5 =	vshrl.u32 v5, $0x4  }
0x68: {  	vm13 =	vgt.s32 v16, $0x0;
	v5 =	vand.u32 $0xFFFFFF0, v5  }
0x69: {  	v5 =	vor.u32 v0, v5;
	_ =	sdelay $0x4  }
0x6a: {  	[tilespmem:v5+s12+$0x0] =	vst.idx.add.s32.msk vm13, v3  }
0x6b: {  	v5 =	vld [tilespmem:s23+$0xB0]  }
0x6c: {  	v17 =	vld [tilespmem:s23+$0x32B0];
	_ =	sdelay $0x3  }
0x6d: {  	v5 =	vshrl.u32 v5, $0x4  }
0x6e: {  	vm14 =	vgt.s32 v17, $0x0;
	v5 =	vand.u32 $0xFFFFFF0, v5  }
0x6f: {  	v5 =	vor.u32 v0, v5  }
0x70: {  	v6 =	vadd.s32 v6, v7  }
0x71: {  	v6 =	vadd.s32 v8, v6  }
0x72: {  	v6 =	vadd.s32 v9, v6  }
0x73: {  	v6 =	vadd.s32 v10, v6  }
0x74: {  	v6 =	vadd.s32 v11, v6;
	[tilespmem:v5+s12+$0x0] =	vst.idx.add.s32.msk vm14, v3  }
0x75: {  	v5 =	vadd.s32 v12, v6;
	v6 =	vld [tilespmem:s23+$0x32B8]  }
0x76: {  	v5 =	vadd.s32 v13, v5  }
0x77: {  	v5 =	vadd.s32 v14, v5  }
0x78: {  	v5 =	vadd.s32 v15, v5  }
0x79: {  	v5 =	vadd.s32 v16, v5  }
0x7a: {  	v5 =	vadd.s32 v17, v5;
	v6 =	vand.u32 v4, v6  }
0x7b: {  	v5 =	vadd.s32 v6, v5  }
0x7c: {  	(xrf0) =	vadd.scan.msk.s32 $0xffff, v5;
	_ =	sdelay $0x5  }
0x7d: {  	v5, _, _ =	vpop (xrf0)  }
0x7e: {  	(v2sf) =	vpush v5, $0xF;
	_ =	sdelay $0x8  }
0x7f: {  	v5 =	vld [tilespmem:s23+$0xB8];
	_ =	sdelay $0x4  }
0x80: {  	v5 =	vshrl.u32 v5, $0x4  }
0x81: {  	vm15 =	vgt.s32 v6, $0x0;
	v5 =	vand.u32 $0xFFFFFF0, v5;
	s31 =	spop (v2sf)  }
0x82: {  	v5 =	vor.u32 v0, v5;
	s23 =	scvt.s32.f32 s31  }
0x83: {  	p0 =	sne.s32 s21, $0xC4E0  }
.Ltmp2:
0x84: {  	v6 =	vmov s23;
	(pc) =	sbr.rel @p0 .LBB2_6-.Ltmp2, $4  }
0x85: {  	v6 =	vmax.f32 v6, $9.999999710e-10  }
0x86: {  	v6 =	vbroadcast v6, $0x0  }
0x87: {  	[tilespmem:v5+s12+$0x0] =	vst.idx.add.s32.msk vm15, v3  }
0x88: {  	s21 =	sadd.s32 $0x320, s21;
	[tilespmem:s22+$0x0] =	vst v6;
	s22 =	sadd.s32 $0x10, s22  }
0x89: {  	s21 =	simm.s32 $0x0  }
0x8a: {  	[tilespmem:s21], [sflag:$0x3] =	stream.linear.gather [hbm4b:s6+s21], $0x3200, $0x38;
	[tilespmem:$0x1BDC0] =	vst v63  }
0x8b: {  	_ =	swait.ge [sflag:s10], $0x3200  }
0x8c: {  	[sflag:s10] =	ssyncset.done $0x0  }
0x8d: {  	[sflag:s10] =	ssyncadd.s32 $0xFFFFCE00  }
0x8e: {  	[tilespmem:s11], [sflag:$0x3] =	stream.linear.gather [hbm4b:s7+s21], $0x3200, $0x38;
	[tilespmem:$0x1BDC0] =	vst v63  }
0x8f: {  	_ =	swait.ge [sflag:s10], $0x3200  }
0x90: {  	[sflag:s10] =	ssyncset.done $0x0  }
0x91: {  	s22 =	simm.s32 $0x1B9C0;
	s23 =	simm.s32 $0x0;
	[sflag:s10] =	ssyncadd.s32 $0xFFFFCE00  }
.LBB2_8:
0x92: {  	s24 =	sshra.s32 s23, $0x2  }
0x93: {  	v5 =	vld [tilespmem:s24+$0x0]  }
0x94: {  	v6 =	vld [tilespmem:s24+$0x3200];
	_ =	sdelay $0x3  }
0x95: {  	v5 =	vshrl.u32 v5, $0x4  }
0x96: {  	vm0 =	vgt.s32 v6, $0x0;
	v5 =	vand.u32 $0xFFFFFF0, v5  }
0x97: {  	v5 =	vor.u32 v0, v5;
	_ =	sdelay $0x4  }
0x98: {  	[tilespmem:v5+s12+$0x0] =	vst.idx.add.s32.msk vm0, v3  }
0x99: {  	v5 =	vld [tilespmem:s24+$0x10]  }
0x9a: {  	v7 =	vld [tilespmem:s24+$0x3210];
	_ =	sdelay $0x3  }
0x9b: {  	v5 =	vshrl.u32 v5, $0x4  }
0x9c: {  	vm4 =	vgt.s32 v7, $0x0;
	v5 =	vand.u32 $0xFFFFFF0, v5  }
0x9d: {  	v5 =	vor.u32 v0, v5;
	_ =	sdelay $0x4  }
0x9e: {  	[tilespmem:v5+s12+$0x0] =	vst.idx.add.s32.msk vm4, v3  }
0x9f: {  	v5 =	vld [tilespmem:s24+$0x20]  }
0xa0: {  	v8 =	vld [tilespmem:s24+$0x3220];
	_ =	sdelay $0x3  }
0xa1: {  	v5 =	vshrl.u32 v5, $0x4  }
0xa2: {  	vm5 =	vgt.s32 v8, $0x0;
	v5 =	vand.u32 $0xFFFFFF0, v5  }
0xa3: {  	v5 =	vor.u32 v0, v5;
	_ =	sdelay $0x4  }
0xa4: {  	[tilespmem:v5+s12+$0x0] =	vst.idx.add.s32.msk vm5, v3  }
0xa5: {  	v5 =	vld [tilespmem:s24+$0x30]  }
0xa6: {  	v9 =	vld [tilespmem:s24+$0x3230];
	_ =	sdelay $0x3  }
0xa7: {  	v5 =	vshrl.u32 v5, $0x4  }
0xa8: {  	vm6 =	vgt.s32 v9, $0x0;
	v5 =	vand.u32 $0xFFFFFF0, v5  }
0xa9: {  	v5 =	vor.u32 v0, v5;
	_ =	sdelay $0x4  }
0xaa: {  	[tilespmem:v5+s12+$0x0] =	vst.idx.add.s32.msk vm6, v3  }
0xab: {  	v5 =	vld [tilespmem:s24+$0x40]  }
0xac: {  	v10 =	vld [tilespmem:s24+$0x3240];
	_ =	sdelay $0x3  }
0xad: {  	v5 =	vshrl.u32 v5, $0x4  }
0xae: {  	vm7 =	vgt.s32 v10, $0x0;
	v5 =	vand.u32 $0xFFFFFF0, v5  }
0xaf: {  	v5 =	vor.u32 v0, v5;
	_ =	sdelay $0x4  }
0xb0: {  	[tilespmem:v5+s12+$0x0] =	vst.idx.add.s32.msk vm7, v3  }
0xb1: {  	v5 =	vld [tilespmem:s24+$0x50]  }
0xb2: {  	v11 =	vld [tilespmem:s24+$0x3250];
	_ =	sdelay $0x3  }
0xb3: {  	v5 =	vshrl.u32 v5, $0x4  }
0xb4: {  	vm8 =	vgt.s32 v11, $0x0;
	v5 =	vand.u32 $0xFFFFFF0, v5  }
0xb5: {  	v5 =	vor.u32 v0, v5;
	_ =	sdelay $0x4  }
0xb6: {  	[tilespmem:v5+s12+$0x0] =	vst.idx.add.s32.msk vm8, v3  }
0xb7: {  	v5 =	vld [tilespmem:s24+$0x60]  }
0xb8: {  	v12 =	vld [tilespmem:s24+$0x3260];
	_ =	sdelay $0x3  }
0xb9: {  	v5 =	vshrl.u32 v5, $0x4  }
0xba: {  	vm9 =	vgt.s32 v12, $0x0;
	v5 =	vand.u32 $0xFFFFFF0, v5  }
0xbb: {  	v5 =	vor.u32 v0, v5;
	_ =	sdelay $0x4  }
0xbc: {  	[tilespmem:v5+s12+$0x0] =	vst.idx.add.s32.msk vm9, v3  }
0xbd: {  	v5 =	vld [tilespmem:s24+$0x70]  }
0xbe: {  	v13 =	vld [tilespmem:s24+$0x3270];
	_ =	sdelay $0x3  }
0xbf: {  	v5 =	vshrl.u32 v5, $0x4  }
0xc0: {  	vm10 =	vgt.s32 v13, $0x0;
	v5 =	vand.u32 $0xFFFFFF0, v5  }
0xc1: {  	v5 =	vor.u32 v0, v5;
	_ =	sdelay $0x4  }
0xc2: {  	[tilespmem:v5+s12+$0x0] =	vst.idx.add.s32.msk vm10, v3  }
0xc3: {  	v5 =	vld [tilespmem:s24+$0x80]  }
0xc4: {  	v14 =	vld [tilespmem:s24+$0x3280];
	_ =	sdelay $0x3  }
0xc5: {  	v5 =	vshrl.u32 v5, $0x4  }
0xc6: {  	vm11 =	vgt.s32 v14, $0x0;
	v5 =	vand.u32 $0xFFFFFF0, v5  }
0xc7: {  	v5 =	vor.u32 v0, v5;
	_ =	sdelay $0x4  }
0xc8: {  	[tilespmem:v5+s12+$0x0] =	vst.idx.add.s32.msk vm11, v3  }
0xc9: {  	v5 =	vld [tilespmem:s24+$0x90]  }
0xca: {  	v15 =	vld [tilespmem:s24+$0x3290];
	_ =	sdelay $0x3  }
0xcb: {  	v5 =	vshrl.u32 v5, $0x4  }
0xcc: {  	vm12 =	vgt.s32 v15, $0x0;
	v5 =	vand.u32 $0xFFFFFF0, v5  }
0xcd: {  	v5 =	vor.u32 v0, v5;
	_ =	sdelay $0x4  }
0xce: {  	[tilespmem:v5+s12+$0x0] =	vst.idx.add.s32.msk vm12, v3  }
0xcf: {  	v5 =	vld [tilespmem:s24+$0xA0]  }
0xd0: {  	v16 =	vld [tilespmem:s24+$0x32A0];
	_ =	sdelay $0x3  }
0xd1: {  	v5 =	vshrl.u32 v5, $0x4  }
0xd2: {  	vm13 =	vgt.s32 v16, $0x0;
	v5 =	vand.u32 $0xFFFFFF0, v5  }
0xd3: {  	v5 =	vor.u32 v0, v5;
	_ =	sdelay $0x4  }
0xd4: {  	[tilespmem:v5+s12+$0x0] =	vst.idx.add.s32.msk vm13, v3  }
0xd5: {  	v5 =	vld [tilespmem:s24+$0xB0]  }
0xd6: {  	v17 =	vld [tilespmem:s24+$0x32B0];
	_ =	sdelay $0x3  }
0xd7: {  	v5 =	vshrl.u32 v5, $0x4  }
0xd8: {  	vm14 =	vgt.s32 v17, $0x0;
	v5 =	vand.u32 $0xFFFFFF0, v5  }
0xd9: {  	v5 =	vor.u32 v0, v5  }
0xda: {  	v6 =	vadd.s32 v6, v7  }
0xdb: {  	v6 =	vadd.s32 v8, v6  }
0xdc: {  	v6 =	vadd.s32 v9, v6  }
0xdd: {  	v6 =	vadd.s32 v10, v6  }
0xde: {  	v6 =	vadd.s32 v11, v6;
	[tilespmem:v5+s12+$0x0] =	vst.idx.add.s32.msk vm14, v3  }
0xdf: {  	v5 =	vadd.s32 v12, v6;
	v6 =	vld [tilespmem:s24+$0x32B8]  }
0xe0: {  	v5 =	vadd.s32 v13, v5  }
0xe1: {  	v5 =	vadd.s32 v14, v5  }
0xe2: {  	v5 =	vadd.s32 v15, v5  }
0xe3: {  	v5 =	vadd.s32 v16, v5  }
0xe4: {  	v5 =	vadd.s32 v17, v5;
	v6 =	vand.u32 v4, v6  }
0xe5: {  	v5 =	vadd.s32 v6, v5  }
0xe6: {  	(xrf0) =	vadd.scan.msk.s32 $0xffff, v5;
	_ =	sdelay $0x5  }
0xe7: {  	v5, _, _ =	vpop (xrf0)  }
0xe8: {  	(v2sf) =	vpush v5, $0xF;
	_ =	sdelay $0x8  }
0xe9: {  	v5 =	vld [tilespmem:s24+$0xB8];
	_ =	sdelay $0x4  }
0xea: {  	v5 =	vshrl.u32 v5, $0x4  }
0xeb: {  	vm15 =	vgt.s32 v6, $0x0;
	v5 =	vand.u32 $0xFFFFFF0, v5;
	s31 =	spop (v2sf)  }
0xec: {  	v5 =	vor.u32 v0, v5;
	s24 =	scvt.s32.f32 s31  }
0xed: {  	p0 =	sne.s32 s23, $0xC4E0  }
.Ltmp3:
0xee: {  	v6 =	vmov s24;
	(pc) =	sbr.rel @p0 .LBB2_8-.Ltmp3, $4  }
0xef: {  	v6 =	vmax.f32 v6, $9.999999710e-10  }
0xf0: {  	v6 =	vbroadcast v6, $0x0  }
0xf1: {  	[tilespmem:v5+s12+$0x0] =	vst.idx.add.s32.msk vm15, v3  }
0xf2: {  	s23 =	sadd.s32 $0x320, s23;
	[tilespmem:s22+$0x0] =	vst v6;
	s22 =	sadd.s32 $0x10, s22  }
0xf3: {  	s25 =	simm.s32 $0x0  }
0xf4: {  	s23 =	simm.s32 $0x10;
	v7 =	vld [tilespmem:s25+$0xCC10]  }
0xf5: {  	v6 =	vld [tilespmem:s23+$0xCC10];
	_ =	sdelay $0x3  }
0xf6: {  	(xrf0) =	vadd.scan.msk.s32 $0xffff, v7  }
0xf7: {  	(xrf0) =	vadd.scan.msk.s32 $0xffff, v6;
	_ =	sdelay $0x4  }
0xf8: {  	s22 =	simm.s32 $0x20;
	v10, _, _ =	vpop (xrf0)  }
0xf9: {  	v8 =	vld [tilespmem:s22+$0xCC10];
	(v2sf) =	vpush v10, $0xF;
	v9, _, _ =	vpop (xrf0)  }
0xfa: {  	(v2sf) =	vpush v9, $0xF;
	_ =	sdelay $0x3  }
0xfb: {  	s24 =	simm.s32 $0x30;
	(xrf0) =	vadd.scan.msk.s32 $0xffff, v8  }
0xfc: {  	v5 =	vld [tilespmem:s24+$0xCC10];
	_ =	sdelay $0x3  }
0xfd: {  	s26 =	simm.s32 $0x100  }
.LBB2_10:
0xfe: {  	s28 =	sshra.s32 s26, $0x2;
	p0 =	sne.s32 s26, $0x61C0;
	s26 =	sadd.s32 $0x40, s26;
	(xrf0) =	vadd.scan.msk.s32 $0xffff, v5;
	v11, _, _ =	vpop (xrf0);
	v12 =	vsub.s32 s21, v7;
	v7 =	vmov v6;
	v6 =	vmov v8  }
.Ltmp4:
0xff: {  	v8 =	vmovc v5;
	(v2sf) =	vpush v11, $0xF;
	v12 =	vadd.s32 v10, v12;
	v10 =	vmovc v9;
	v9 =	vmov v11;
	v5 =	vld [tilespmem:s28+$0xCC10];
	(pc) =	sbr.rel @p0 .LBB2_10-.Ltmp4, $4  }
0x100: {  	[tilespmem:s25+$0xE4A0] =	vst v12  }
0x101: {  	[tilespmem:s25+$0xFD30] =	vst v12;
	s25 =	smov.u32 s23;
	s23 =	smov.u32 s22;
	s22 =	smov.u32 s24  }
0x102: {  	s24 =	smov.u32 s28;
	s29 =	spop (v2sf)  }
0x103: {  	s21 =	sadd.s32 s21, s29  }
0x104: {  	(xrf0) =	vadd.scan.msk.s32 $0xffff, v5;
	_ =	sdelay $0x2  }
0x105: {  	v11, _, _ =	vpop (xrf0)  }
0x106: {  	(v2sf) =	vpush v11, $0xF;
	_ =	sdelay $0x1  }
0x107: {  	v12, _, _ =	vpop (xrf0)  }
0x108: {  	(v2sf) =	vpush v12, $0xF;
	_ =	sdelay $0x7  }
0x109: {  	s26 =	spop (v2sf);
	v7 =	vsub.s32 s21, v7  }
0x10a: {  	v7 =	vadd.s32 v10, v7;
	s28 =	sadd.s32 s21, s26  }
0x10b: {  	[tilespmem:s25+$0xE4A0] =	vst v7;
	v6 =	vsub.s32 s28, v6;
	s29 =	spop (v2sf)  }
0x10c: {  	[tilespmem:s25+$0xFD30] =	vst v7;
	v6 =	vadd.s32 v9, v6;
	s21 =	sadd.s32 s28, s29  }
0x10d: {  	[tilespmem:s23+$0xE4A0] =	vst v6;
	v7 =	vsub.s32 s21, v8;
	s30 =	spop (v2sf)  }
0x10e: {  	[tilespmem:s23+$0xFD30] =	vst v6;
	v6 =	vadd.s32 v11, v7;
	s21 =	sadd.s32 s21, s30  }
0x10f: {  	[tilespmem:s22+$0xE4A0] =	vst v6;
	v5 =	vsub.s32 s21, v5  }
0x110: {  	[tilespmem:s22+$0xFD30] =	vst v6;
	v5 =	vadd.s32 v12, v5;
	s31 =	spop (v2sf)  }
0x111: {  	[tilespmem:s24+$0xE4A0] =	vst v5;
	s21 =	sadd.s32 s21, s31  }
0x112: {  	[tilespmem:s24+$0xFD30] =	vst v5;
	v5 =	vmov s21  }
0x113: {  	s21 =	simm.s32 $0x0;
	[tilespmem:$0xFD20] =	vst v5  }
0x114: {  	[tilespmem:s21], [sflag:$0x3] =	stream.linear.gather [hbm4b:s4+s21], $0x3200, $0x38;
	[tilespmem:$0x1BDC0] =	vst v63  }
0x115: {  	_ =	swait.ge [sflag:s10], $0x3200  }
0x116: {  	[sflag:s10] =	ssyncset.done $0x0  }
0x117: {  	[sflag:s10] =	ssyncadd.s32 $0xFFFFCE00  }
0x118: {  	[tilespmem:s11], [sflag:$0x3] =	stream.linear.gather [hbm4b:s5+s21], $0x3200, $0x38;
	[tilespmem:$0x1BDC0] =	vst v63  }
0x119: {  	_ =	swait.ge [sflag:s10], $0x3200  }
0x11a: {  	[sflag:s10] =	ssyncset.done $0x0  }
0x11b: {  	s23 =	simm.s32 $0x60;
	s22 =	simm.s32 $0x3260;
	[sflag:s10] =	ssyncadd.s32 $0xFFFFCE00  }
.LBB2_12:
0x11c: {  	v5 =	vld [tilespmem:s23+$0xFFFFFFA0];
	_ =	sdelay $0x4  }
0x11d: {  	v6 =	vshrl.u32 v5, $0x4  }
0x11e: {  	v6 =	vand.u32 $0xFFFFFF0, v6  }
0x11f: {  	v6 =	vor.u32 v0, v6;
	_ =	sdelay $0x1  }
0x120: {  	v7 =	vld [tilespmem:s22+$0xFFFFFFA0];
	_ =	sdelay $0x2  }
0x121: {  	v8 =	vld.idx.msk [tilespmem:v6+s13+$0x0], $0xffff;
	_ =	sdelay $0x1  }
0x122: {  	vm0 =	vgt.s32 v7, $0x0;
	_ =	sdelay $0x2  }
0x123: {  	v5 =	vshll.u32 v5, $0x7  }
0x124: {  	v5 =	vand.u32 $0x7F80, v5  }
0x125: {  	v5 =	vor.u32 s21, v5  }
0x126: {  	[tilespmem:v8+s14+$0x0] =	vst.idx.msk vm0, v5  }
0x127: {  	[tilespmem:v6+s13+$0x0] =	vst.idx.add.s32.msk vm0, v3  }
0x128: {  	v5 =	vld [tilespmem:s23+$0xFFFFFFB0];
	_ =	sdelay $0x4  }
0x129: {  	v6 =	vshrl.u32 v5, $0x4  }
0x12a: {  	v6 =	vand.u32 $0xFFFFFF0, v6  }
0x12b: {  	v6 =	vor.u32 v0, v6;
	_ =	sdelay $0x1  }
0x12c: {  	v7 =	vld [tilespmem:s22+$0xFFFFFFB0];
	_ =	sdelay $0x2  }
0x12d: {  	v8 =	vld.idx.msk [tilespmem:v6+s13+$0x0], $0xffff;
	_ =	sdelay $0x1  }
0x12e: {  	vm4 =	vgt.s32 v7, $0x0;
	_ =	sdelay $0x2  }
0x12f: {  	v5 =	vshll.u32 v5, $0x7  }
0x130: {  	v5 =	vand.u32 $0x7F80, v5  }
0x131: {  	v5 =	vor.u32 s21, v5  }
0x132: {  	[tilespmem:v8+s14+$0x0] =	vst.idx.msk vm4, v5  }
0x133: {  	[tilespmem:v6+s13+$0x0] =	vst.idx.add.s32.msk vm4, v3  }
0x134: {  	v5 =	vld [tilespmem:s23+$0xFFFFFFC0];
	_ =	sdelay $0x4  }
0x135: {  	v6 =	vshrl.u32 v5, $0x4  }
0x136: {  	v6 =	vand.u32 $0xFFFFFF0, v6  }
0x137: {  	v6 =	vor.u32 v0, v6;
	_ =	sdelay $0x1  }
0x138: {  	v7 =	vld [tilespmem:s22+$0xFFFFFFC0];
	_ =	sdelay $0x2  }
0x139: {  	v8 =	vld.idx.msk [tilespmem:v6+s13+$0x0], $0xffff;
	_ =	sdelay $0x1  }
0x13a: {  	vm5 =	vgt.s32 v7, $0x0;
	_ =	sdelay $0x2  }
0x13b: {  	v5 =	vshll.u32 v5, $0x7  }
0x13c: {  	v5 =	vand.u32 $0x7F80, v5  }
0x13d: {  	v5 =	vor.u32 s21, v5  }
0x13e: {  	[tilespmem:v8+s14+$0x0] =	vst.idx.msk vm5, v5  }
0x13f: {  	[tilespmem:v6+s13+$0x0] =	vst.idx.add.s32.msk vm5, v3  }
0x140: {  	v5 =	vld [tilespmem:s23+$0xFFFFFFD0];
	_ =	sdelay $0x4  }
0x141: {  	v6 =	vshrl.u32 v5, $0x4  }
0x142: {  	v6 =	vand.u32 $0xFFFFFF0, v6  }
0x143: {  	v6 =	vor.u32 v0, v6;
	_ =	sdelay $0x1  }
0x144: {  	v7 =	vld [tilespmem:s22+$0xFFFFFFD0];
	_ =	sdelay $0x2  }
0x145: {  	v8 =	vld.idx.msk [tilespmem:v6+s13+$0x0], $0xffff;
	_ =	sdelay $0x1  }
0x146: {  	vm6 =	vgt.s32 v7, $0x0;
	_ =	sdelay $0x2  }
0x147: {  	v5 =	vshll.u32 v5, $0x7  }
0x148: {  	v5 =	vand.u32 $0x7F80, v5  }
0x149: {  	v5 =	vor.u32 s21, v5  }
0x14a: {  	[tilespmem:v8+s14+$0x0] =	vst.idx.msk vm6, v5  }
0x14b: {  	[tilespmem:v6+s13+$0x0] =	vst.idx.add.s32.msk vm6, v3  }
0x14c: {  	v5 =	vld [tilespmem:s23+$0xFFFFFFE0];
	_ =	sdelay $0x4  }
0x14d: {  	v6 =	vshrl.u32 v5, $0x4  }
0x14e: {  	v6 =	vand.u32 $0xFFFFFF0, v6  }
0x14f: {  	v6 =	vor.u32 v0, v6;
	_ =	sdelay $0x1  }
0x150: {  	v7 =	vld [tilespmem:s22+$0xFFFFFFE0];
	_ =	sdelay $0x2  }
0x151: {  	v8 =	vld.idx.msk [tilespmem:v6+s13+$0x0], $0xffff;
	_ =	sdelay $0x1  }
0x152: {  	vm7 =	vgt.s32 v7, $0x0;
	_ =	sdelay $0x2  }
0x153: {  	v5 =	vshll.u32 v5, $0x7  }
0x154: {  	v5 =	vand.u32 $0x7F80, v5  }
0x155: {  	v5 =	vor.u32 s21, v5  }
0x156: {  	[tilespmem:v8+s14+$0x0] =	vst.idx.msk vm7, v5  }
0x157: {  	[tilespmem:v6+s13+$0x0] =	vst.idx.add.s32.msk vm7, v3  }
0x158: {  	v5 =	vld [tilespmem:s23+$0xFFFFFFF0];
	_ =	sdelay $0x4  }
0x159: {  	v6 =	vshrl.u32 v5, $0x4  }
0x15a: {  	v6 =	vand.u32 $0xFFFFFF0, v6  }
0x15b: {  	v6 =	vor.u32 v0, v6;
	_ =	sdelay $0x1  }
0x15c: {  	v7 =	vld [tilespmem:s22+$0xFFFFFFF0];
	_ =	sdelay $0x2  }
0x15d: {  	v8 =	vld.idx.msk [tilespmem:v6+s13+$0x0], $0xffff;
	_ =	sdelay $0x1  }
0x15e: {  	vm8 =	vgt.s32 v7, $0x0;
	_ =	sdelay $0x2  }
0x15f: {  	v5 =	vshll.u32 v5, $0x7  }
0x160: {  	v5 =	vand.u32 $0x7F80, v5  }
0x161: {  	v5 =	vor.u32 s21, v5  }
0x162: {  	[tilespmem:v8+s14+$0x0] =	vst.idx.msk vm8, v5  }
0x163: {  	[tilespmem:v6+s13+$0x0] =	vst.idx.add.s32.msk vm8, v3  }
0x164: {  	v5 =	vld [tilespmem:s23+$0x0];
	_ =	sdelay $0x4  }
0x165: {  	v6 =	vshrl.u32 v5, $0x4  }
0x166: {  	v6 =	vand.u32 $0xFFFFFF0, v6  }
0x167: {  	v6 =	vor.u32 v0, v6;
	_ =	sdelay $0x1  }
0x168: {  	v7 =	vld [tilespmem:s22+$0x0];
	_ =	sdelay $0x2  }
0x169: {  	v8 =	vld.idx.msk [tilespmem:v6+s13+$0x0], $0xffff;
	_ =	sdelay $0x1  }
0x16a: {  	vm9 =	vgt.s32 v7, $0x0;
	_ =	sdelay $0x2  }
0x16b: {  	v5 =	vshll.u32 v5, $0x7  }
0x16c: {  	v5 =	vand.u32 $0x7F80, v5  }
0x16d: {  	v5 =	vor.u32 s21, v5  }
0x16e: {  	[tilespmem:v8+s14+$0x0] =	vst.idx.msk vm9, v5  }
0x16f: {  	[tilespmem:v6+s13+$0x0] =	vst.idx.add.s32.msk vm9, v3  }
0x170: {  	v5 =	vld [tilespmem:s23+$0x10];
	_ =	sdelay $0x4  }
0x171: {  	v6 =	vshrl.u32 v5, $0x4  }
0x172: {  	v6 =	vand.u32 $0xFFFFFF0, v6  }
0x173: {  	v6 =	vor.u32 v0, v6;
	_ =	sdelay $0x1  }
0x174: {  	v7 =	vld [tilespmem:s22+$0x10];
	_ =	sdelay $0x2  }
0x175: {  	v8 =	vld.idx.msk [tilespmem:v6+s13+$0x0], $0xffff;
	_ =	sdelay $0x1  }
0x176: {  	vm10 =	vgt.s32 v7, $0x0;
	_ =	sdelay $0x2  }
0x177: {  	v5 =	vshll.u32 v5, $0x7  }
0x178: {  	v5 =	vand.u32 $0x7F80, v5  }
0x179: {  	v5 =	vor.u32 s21, v5  }
0x17a: {  	[tilespmem:v8+s14+$0x0] =	vst.idx.msk vm10, v5  }
0x17b: {  	[tilespmem:v6+s13+$0x0] =	vst.idx.add.s32.msk vm10, v3  }
0x17c: {  	v5 =	vld [tilespmem:s23+$0x20];
	_ =	sdelay $0x4  }
0x17d: {  	v6 =	vshrl.u32 v5, $0x4  }
0x17e: {  	v6 =	vand.u32 $0xFFFFFF0, v6  }
0x17f: {  	v6 =	vor.u32 v0, v6;
	_ =	sdelay $0x1  }
0x180: {  	v7 =	vld [tilespmem:s22+$0x20];
	_ =	sdelay $0x2  }
0x181: {  	v8 =	vld.idx.msk [tilespmem:v6+s13+$0x0], $0xffff;
	_ =	sdelay $0x1  }
0x182: {  	vm11 =	vgt.s32 v7, $0x0;
	_ =	sdelay $0x2  }
0x183: {  	v5 =	vshll.u32 v5, $0x7  }
0x184: {  	v5 =	vand.u32 $0x7F80, v5  }
0x185: {  	v5 =	vor.u32 s21, v5  }
0x186: {  	[tilespmem:v8+s14+$0x0] =	vst.idx.msk vm11, v5  }
0x187: {  	[tilespmem:v6+s13+$0x0] =	vst.idx.add.s32.msk vm11, v3  }
0x188: {  	v5 =	vld [tilespmem:s23+$0x30];
	_ =	sdelay $0x4  }
0x189: {  	v6 =	vshrl.u32 v5, $0x4  }
0x18a: {  	v6 =	vand.u32 $0xFFFFFF0, v6  }
0x18b: {  	v6 =	vor.u32 v0, v6;
	_ =	sdelay $0x1  }
0x18c: {  	v7 =	vld [tilespmem:s22+$0x30];
	_ =	sdelay $0x2  }
0x18d: {  	v8 =	vld.idx.msk [tilespmem:v6+s13+$0x0], $0xffff;
	_ =	sdelay $0x1  }
0x18e: {  	vm12 =	vgt.s32 v7, $0x0;
	_ =	sdelay $0x2  }
0x18f: {  	v5 =	vshll.u32 v5, $0x7  }
0x190: {  	v5 =	vand.u32 $0x7F80, v5  }
0x191: {  	v5 =	vor.u32 s21, v5  }
0x192: {  	[tilespmem:v8+s14+$0x0] =	vst.idx.msk vm12, v5  }
0x193: {  	[tilespmem:v6+s13+$0x0] =	vst.idx.add.s32.msk vm12, v3  }
0x194: {  	v5 =	vld [tilespmem:s23+$0x40];
	_ =	sdelay $0x4  }
0x195: {  	v6 =	vshrl.u32 v5, $0x4  }
0x196: {  	v6 =	vand.u32 $0xFFFFFF0, v6  }
0x197: {  	v6 =	vor.u32 v0, v6;
	_ =	sdelay $0x1  }
0x198: {  	v7 =	vld [tilespmem:s22+$0x40];
	_ =	sdelay $0x2  }
0x199: {  	v8 =	vld.idx.msk [tilespmem:v6+s13+$0x0], $0xffff;
	_ =	sdelay $0x1  }
0x19a: {  	vm13 =	vgt.s32 v7, $0x0;
	_ =	sdelay $0x2  }
0x19b: {  	v5 =	vshll.u32 v5, $0x7  }
0x19c: {  	v5 =	vand.u32 $0x7F80, v5  }
0x19d: {  	v5 =	vor.u32 s21, v5  }
0x19e: {  	[tilespmem:v8+s14+$0x0] =	vst.idx.msk vm13, v5  }
0x19f: {  	[tilespmem:v6+s13+$0x0] =	vst.idx.add.s32.msk vm13, v3  }
0x1a0: {  	v5 =	vld [tilespmem:s23+$0x50];
	_ =	sdelay $0x4  }
0x1a1: {  	v6 =	vshrl.u32 v5, $0x4  }
0x1a2: {  	v6 =	vand.u32 $0xFFFFFF0, v6  }
0x1a3: {  	v6 =	vor.u32 v0, v6;
	_ =	sdelay $0x1  }
0x1a4: {  	v7 =	vld [tilespmem:s22+$0x50];
	_ =	sdelay $0x2  }
0x1a5: {  	v8 =	vld.idx.msk [tilespmem:v6+s13+$0x0], $0xffff;
	_ =	sdelay $0x1  }
0x1a6: {  	vm14 =	vgt.s32 v7, $0x0;
	_ =	sdelay $0x2  }
0x1a7: {  	v5 =	vshll.u32 v5, $0x7  }
0x1a8: {  	v5 =	vand.u32 $0x7F80, v5  }
0x1a9: {  	v5 =	vor.u32 s21, v5  }
0x1aa: {  	[tilespmem:v8+s14+$0x0] =	vst.idx.msk vm14, v5  }
0x1ab: {  	[tilespmem:v6+s13+$0x0] =	vst.idx.add.s32.msk vm14, v3  }
0x1ac: {  	v5 =	vld [tilespmem:s23+$0x58];
	_ =	sdelay $0x4  }
0x1ad: {  	v6 =	vshrl.u32 v5, $0x4  }
0x1ae: {  	v6 =	vand.u32 $0xFFFFFF0, v6  }
0x1af: {  	v6 =	vor.u32 v0, v6  }
0x1b0: {  	v7 =	vld [tilespmem:s22+$0x58];
	_ =	sdelay $0x3  }
0x1b1: {  	v8 =	vld.idx.msk [tilespmem:v6+s13+$0x0], $0xffff  }
0x1b2: {  	v7 =	vand.u32 v4, v7  }
0x1b3: {  	vm15 =	vgt.s32 v7, $0x0;
	_ =	sdelay $0x1  }
0x1b4: {  	p0 =	sne.s32 s21, $0x3F  }
.Ltmp5:
0x1b5: {  	v5 =	vshll.u32 v5, $0x7;
	(pc) =	sbr.rel @p0 .LBB2_12-.Ltmp5, $4  }
0x1b6: {  	v5 =	vand.u32 $0x7F80, v5  }
0x1b7: {  	v5 =	vor.u32 s21, v5  }
0x1b8: {  	[tilespmem:v8+s14+$0x0] =	vst.idx.msk vm15, v5  }
0x1b9: {  	s22 =	sadd.s32 $0xC8, s22;
	s23 =	sadd.s32 $0xC8, s23;
	s21 =	sadd.s32 $0x1, s21;
	[tilespmem:v6+s13+$0x0] =	vst.idx.add.s32.msk vm15, v3  }
0x1ba: {  	[tilespmem:s2], [sflag:$0x3] =	stream.linear.gather [hbm4b:s6+s2], $0x3200, $0x38;
	[tilespmem:$0x1BDC0] =	vst v63  }
0x1bb: {  	_ =	swait.ge [sflag:s10], $0x3200  }
0x1bc: {  	[sflag:s10] =	ssyncset.done $0x0  }
0x1bd: {  	[sflag:s10] =	ssyncadd.s32 $0xFFFFCE00  }
0x1be: {  	[tilespmem:s11], [sflag:$0x3] =	stream.linear.gather [hbm4b:s7+s2], $0x3200, $0x38;
	[tilespmem:$0x1BDC0] =	vst v63  }
0x1bf: {  	_ =	swait.ge [sflag:s10], $0x3200  }
0x1c0: {  	s21 =	simm.s32 $0x40;
	[sflag:s10] =	ssyncset.done $0x0  }
0x1c1: {  	s22 =	simm.s32 $0x60;
	s23 =	simm.s32 $0x3260;
	[sflag:s10] =	ssyncadd.s32 $0xFFFFCE00  }
.LBB2_14:
0x1c2: {  	v5 =	vld [tilespmem:s22+$0xFFFFFFA0];
	_ =	sdelay $0x4  }
0x1c3: {  	v6 =	vshrl.u32 v5, $0x4  }
0x1c4: {  	v6 =	vand.u32 $0xFFFFFF0, v6  }
0x1c5: {  	v6 =	vor.u32 v0, v6;
	_ =	sdelay $0x1  }
0x1c6: {  	v7 =	vld [tilespmem:s23+$0xFFFFFFA0];
	_ =	sdelay $0x2  }
0x1c7: {  	v8 =	vld.idx.msk [tilespmem:v6+s13+$0x0], $0xffff;
	_ =	sdelay $0x1  }
0x1c8: {  	vm0 =	vgt.s32 v7, $0x0;
	_ =	sdelay $0x2  }
0x1c9: {  	v5 =	vshll.u32 v5, $0x7  }
0x1ca: {  	v5 =	vand.u32 $0x7F80, v5  }
0x1cb: {  	v5 =	vor.u32 s21, v5  }
0x1cc: {  	[tilespmem:v8+s14+$0x0] =	vst.idx.msk vm0, v5  }
0x1cd: {  	[tilespmem:v6+s13+$0x0] =	vst.idx.add.s32.msk vm0, v3  }
0x1ce: {  	v5 =	vld [tilespmem:s22+$0xFFFFFFB0];
	_ =	sdelay $0x4  }
0x1cf: {  	v6 =	vshrl.u32 v5, $0x4  }
0x1d0: {  	v6 =	vand.u32 $0xFFFFFF0, v6  }
0x1d1: {  	v6 =	vor.u32 v0, v6;
	_ =	sdelay $0x1  }
0x1d2: {  	v7 =	vld [tilespmem:s23+$0xFFFFFFB0];
	_ =	sdelay $0x2  }
0x1d3: {  	v8 =	vld.idx.msk [tilespmem:v6+s13+$0x0], $0xffff;
	_ =	sdelay $0x1  }
0x1d4: {  	vm4 =	vgt.s32 v7, $0x0;
	_ =	sdelay $0x2  }
0x1d5: {  	v5 =	vshll.u32 v5, $0x7  }
0x1d6: {  	v5 =	vand.u32 $0x7F80, v5  }
0x1d7: {  	v5 =	vor.u32 s21, v5  }
0x1d8: {  	[tilespmem:v8+s14+$0x0] =	vst.idx.msk vm4, v5  }
0x1d9: {  	[tilespmem:v6+s13+$0x0] =	vst.idx.add.s32.msk vm4, v3  }
0x1da: {  	v5 =	vld [tilespmem:s22+$0xFFFFFFC0];
	_ =	sdelay $0x4  }
0x1db: {  	v6 =	vshrl.u32 v5, $0x4  }
0x1dc: {  	v6 =	vand.u32 $0xFFFFFF0, v6  }
0x1dd: {  	v6 =	vor.u32 v0, v6;
	_ =	sdelay $0x1  }
0x1de: {  	v7 =	vld [tilespmem:s23+$0xFFFFFFC0];
	_ =	sdelay $0x2  }
0x1df: {  	v8 =	vld.idx.msk [tilespmem:v6+s13+$0x0], $0xffff;
	_ =	sdelay $0x1  }
0x1e0: {  	vm5 =	vgt.s32 v7, $0x0;
	_ =	sdelay $0x2  }
0x1e1: {  	v5 =	vshll.u32 v5, $0x7  }
0x1e2: {  	v5 =	vand.u32 $0x7F80, v5  }
0x1e3: {  	v5 =	vor.u32 s21, v5  }
0x1e4: {  	[tilespmem:v8+s14+$0x0] =	vst.idx.msk vm5, v5  }
0x1e5: {  	[tilespmem:v6+s13+$0x0] =	vst.idx.add.s32.msk vm5, v3  }
0x1e6: {  	v5 =	vld [tilespmem:s22+$0xFFFFFFD0];
	_ =	sdelay $0x4  }
0x1e7: {  	v6 =	vshrl.u32 v5, $0x4  }
0x1e8: {  	v6 =	vand.u32 $0xFFFFFF0, v6  }
0x1e9: {  	v6 =	vor.u32 v0, v6;
	_ =	sdelay $0x1  }
0x1ea: {  	v7 =	vld [tilespmem:s23+$0xFFFFFFD0];
	_ =	sdelay $0x2  }
0x1eb: {  	v8 =	vld.idx.msk [tilespmem:v6+s13+$0x0], $0xffff;
	_ =	sdelay $0x1  }
0x1ec: {  	vm6 =	vgt.s32 v7, $0x0;
	_ =	sdelay $0x2  }
0x1ed: {  	v5 =	vshll.u32 v5, $0x7  }
0x1ee: {  	v5 =	vand.u32 $0x7F80, v5  }
0x1ef: {  	v5 =	vor.u32 s21, v5  }
0x1f0: {  	[tilespmem:v8+s14+$0x0] =	vst.idx.msk vm6, v5  }
0x1f1: {  	[tilespmem:v6+s13+$0x0] =	vst.idx.add.s32.msk vm6, v3  }
0x1f2: {  	v5 =	vld [tilespmem:s22+$0xFFFFFFE0];
	_ =	sdelay $0x4  }
0x1f3: {  	v6 =	vshrl.u32 v5, $0x4  }
0x1f4: {  	v6 =	vand.u32 $0xFFFFFF0, v6  }
0x1f5: {  	v6 =	vor.u32 v0, v6;
	_ =	sdelay $0x1  }
0x1f6: {  	v7 =	vld [tilespmem:s23+$0xFFFFFFE0];
	_ =	sdelay $0x2  }
0x1f7: {  	v8 =	vld.idx.msk [tilespmem:v6+s13+$0x0], $0xffff;
	_ =	sdelay $0x1  }
0x1f8: {  	vm7 =	vgt.s32 v7, $0x0;
	_ =	sdelay $0x2  }
0x1f9: {  	v5 =	vshll.u32 v5, $0x7  }
0x1fa: {  	v5 =	vand.u32 $0x7F80, v5  }
0x1fb: {  	v5 =	vor.u32 s21, v5  }
0x1fc: {  	[tilespmem:v8+s14+$0x0] =	vst.idx.msk vm7, v5  }
0x1fd: {  	[tilespmem:v6+s13+$0x0] =	vst.idx.add.s32.msk vm7, v3  }
0x1fe: {  	v5 =	vld [tilespmem:s22+$0xFFFFFFF0];
	_ =	sdelay $0x4  }
0x1ff: {  	v6 =	vshrl.u32 v5, $0x4  }
0x200: {  	v6 =	vand.u32 $0xFFFFFF0, v6  }
0x201: {  	v6 =	vor.u32 v0, v6;
	_ =	sdelay $0x1  }
0x202: {  	v7 =	vld [tilespmem:s23+$0xFFFFFFF0];
	_ =	sdelay $0x2  }
0x203: {  	v8 =	vld.idx.msk [tilespmem:v6+s13+$0x0], $0xffff;
	_ =	sdelay $0x1  }
0x204: {  	vm8 =	vgt.s32 v7, $0x0;
	_ =	sdelay $0x2  }
0x205: {  	v5 =	vshll.u32 v5, $0x7  }
0x206: {  	v5 =	vand.u32 $0x7F80, v5  }
0x207: {  	v5 =	vor.u32 s21, v5  }
0x208: {  	[tilespmem:v8+s14+$0x0] =	vst.idx.msk vm8, v5  }
0x209: {  	[tilespmem:v6+s13+$0x0] =	vst.idx.add.s32.msk vm8, v3  }
0x20a: {  	v5 =	vld [tilespmem:s22+$0x0];
	_ =	sdelay $0x4  }
0x20b: {  	v6 =	vshrl.u32 v5, $0x4  }
0x20c: {  	v6 =	vand.u32 $0xFFFFFF0, v6  }
0x20d: {  	v6 =	vor.u32 v0, v6;
	_ =	sdelay $0x1  }
0x20e: {  	v7 =	vld [tilespmem:s23+$0x0];
	_ =	sdelay $0x2  }
0x20f: {  	v8 =	vld.idx.msk [tilespmem:v6+s13+$0x0], $0xffff;
	_ =	sdelay $0x1  }
0x210: {  	vm9 =	vgt.s32 v7, $0x0;
	_ =	sdelay $0x2  }
0x211: {  	v5 =	vshll.u32 v5, $0x7  }
0x212: {  	v5 =	vand.u32 $0x7F80, v5  }
0x213: {  	v5 =	vor.u32 s21, v5  }
0x214: {  	[tilespmem:v8+s14+$0x0] =	vst.idx.msk vm9, v5  }
0x215: {  	[tilespmem:v6+s13+$0x0] =	vst.idx.add.s32.msk vm9, v3  }
0x216: {  	v5 =	vld [tilespmem:s22+$0x10];
	_ =	sdelay $0x4  }
0x217: {  	v6 =	vshrl.u32 v5, $0x4  }
0x218: {  	v6 =	vand.u32 $0xFFFFFF0, v6  }
0x219: {  	v6 =	vor.u32 v0, v6;
	_ =	sdelay $0x1  }
0x21a: {  	v7 =	vld [tilespmem:s23+$0x10];
	_ =	sdelay $0x2  }
0x21b: {  	v8 =	vld.idx.msk [tilespmem:v6+s13+$0x0], $0xffff;
	_ =	sdelay $0x1  }
0x21c: {  	vm10 =	vgt.s32 v7, $0x0;
	_ =	sdelay $0x2  }
0x21d: {  	v5 =	vshll.u32 v5, $0x7  }
0x21e: {  	v5 =	vand.u32 $0x7F80, v5  }
0x21f: {  	v5 =	vor.u32 s21, v5  }
0x220: {  	[tilespmem:v8+s14+$0x0] =	vst.idx.msk vm10, v5  }
0x221: {  	[tilespmem:v6+s13+$0x0] =	vst.idx.add.s32.msk vm10, v3  }
0x222: {  	v5 =	vld [tilespmem:s22+$0x20];
	_ =	sdelay $0x4  }
0x223: {  	v6 =	vshrl.u32 v5, $0x4  }
0x224: {  	v6 =	vand.u32 $0xFFFFFF0, v6  }
0x225: {  	v6 =	vor.u32 v0, v6;
	_ =	sdelay $0x1  }
0x226: {  	v7 =	vld [tilespmem:s23+$0x20];
	_ =	sdelay $0x2  }
0x227: {  	v8 =	vld.idx.msk [tilespmem:v6+s13+$0x0], $0xffff;
	_ =	sdelay $0x1  }
0x228: {  	vm11 =	vgt.s32 v7, $0x0;
	_ =	sdelay $0x2  }
0x229: {  	v5 =	vshll.u32 v5, $0x7  }
0x22a: {  	v5 =	vand.u32 $0x7F80, v5  }
0x22b: {  	v5 =	vor.u32 s21, v5  }
0x22c: {  	[tilespmem:v8+s14+$0x0] =	vst.idx.msk vm11, v5  }
0x22d: {  	[tilespmem:v6+s13+$0x0] =	vst.idx.add.s32.msk vm11, v3  }
0x22e: {  	v5 =	vld [tilespmem:s22+$0x30];
	_ =	sdelay $0x4  }
0x22f: {  	v6 =	vshrl.u32 v5, $0x4  }
0x230: {  	v6 =	vand.u32 $0xFFFFFF0, v6  }
0x231: {  	v6 =	vor.u32 v0, v6;
	_ =	sdelay $0x1  }
0x232: {  	v7 =	vld [tilespmem:s23+$0x30];
	_ =	sdelay $0x2  }
0x233: {  	v8 =	vld.idx.msk [tilespmem:v6+s13+$0x0], $0xffff;
	_ =	sdelay $0x1  }
0x234: {  	vm12 =	vgt.s32 v7, $0x0;
	_ =	sdelay $0x2  }
0x235: {  	v5 =	vshll.u32 v5, $0x7  }
0x236: {  	v5 =	vand.u32 $0x7F80, v5  }
0x237: {  	v5 =	vor.u32 s21, v5  }
0x238: {  	[tilespmem:v8+s14+$0x0] =	vst.idx.msk vm12, v5  }
0x239: {  	[tilespmem:v6+s13+$0x0] =	vst.idx.add.s32.msk vm12, v3  }
0x23a: {  	v5 =	vld [tilespmem:s22+$0x40];
	_ =	sdelay $0x4  }
0x23b: {  	v6 =	vshrl.u32 v5, $0x4  }
0x23c: {  	v6 =	vand.u32 $0xFFFFFF0, v6  }
0x23d: {  	v6 =	vor.u32 v0, v6;
	_ =	sdelay $0x1  }
0x23e: {  	v7 =	vld [tilespmem:s23+$0x40];
	_ =	sdelay $0x2  }
0x23f: {  	v8 =	vld.idx.msk [tilespmem:v6+s13+$0x0], $0xffff;
	_ =	sdelay $0x1  }
0x240: {  	vm13 =	vgt.s32 v7, $0x0;
	_ =	sdelay $0x2  }
0x241: {  	v5 =	vshll.u32 v5, $0x7  }
0x242: {  	v5 =	vand.u32 $0x7F80, v5  }
0x243: {  	v5 =	vor.u32 s21, v5  }
0x244: {  	[tilespmem:v8+s14+$0x0] =	vst.idx.msk vm13, v5  }
0x245: {  	[tilespmem:v6+s13+$0x0] =	vst.idx.add.s32.msk vm13, v3  }
0x246: {  	v5 =	vld [tilespmem:s22+$0x50];
	_ =	sdelay $0x4  }
0x247: {  	v6 =	vshrl.u32 v5, $0x4  }
0x248: {  	v6 =	vand.u32 $0xFFFFFF0, v6  }
0x249: {  	v6 =	vor.u32 v0, v6;
	_ =	sdelay $0x1  }
0x24a: {  	v7 =	vld [tilespmem:s23+$0x50];
	_ =	sdelay $0x2  }
0x24b: {  	v8 =	vld.idx.msk [tilespmem:v6+s13+$0x0], $0xffff;
	_ =	sdelay $0x1  }
0x24c: {  	vm14 =	vgt.s32 v7, $0x0;
	_ =	sdelay $0x2  }
0x24d: {  	v5 =	vshll.u32 v5, $0x7  }
0x24e: {  	v5 =	vand.u32 $0x7F80, v5  }
0x24f: {  	v5 =	vor.u32 s21, v5  }
0x250: {  	[tilespmem:v8+s14+$0x0] =	vst.idx.msk vm14, v5  }
0x251: {  	[tilespmem:v6+s13+$0x0] =	vst.idx.add.s32.msk vm14, v3  }
0x252: {  	v5 =	vld [tilespmem:s22+$0x58];
	_ =	sdelay $0x4  }
0x253: {  	v6 =	vshrl.u32 v5, $0x4  }
0x254: {  	v6 =	vand.u32 $0xFFFFFF0, v6  }
0x255: {  	v6 =	vor.u32 v0, v6  }
0x256: {  	v7 =	vld [tilespmem:s23+$0x58];
	_ =	sdelay $0x3  }
0x257: {  	v8 =	vld.idx.msk [tilespmem:v6+s13+$0x0], $0xffff  }
0x258: {  	v7 =	vand.u32 v4, v7  }
0x259: {  	vm15 =	vgt.s32 v7, $0x0;
	_ =	sdelay $0x1  }
0x25a: {  	p0 =	sne.s32 s21, $0x7F  }
.Ltmp6:
0x25b: {  	v5 =	vshll.u32 v5, $0x7;
	(pc) =	sbr.rel @p0 .LBB2_14-.Ltmp6, $4  }
0x25c: {  	v5 =	vand.u32 $0x7F80, v5  }
0x25d: {  	v5 =	vor.u32 s21, v5  }
0x25e: {  	[tilespmem:v8+s14+$0x0] =	vst.idx.msk vm15, v5  }
0x25f: {  	s22 =	sadd.s32 $0xC8, s22;
	s23 =	sadd.s32 $0xC8, s23;
	s21 =	sadd.s32 $0x1, s21;
	[tilespmem:v6+s13+$0x0] =	vst.idx.add.s32.msk vm15, v3  }
.Ltmp7:
0x260: {  	(pc) =	sbr.rel .LBB2_16-.Ltmp7, $3  }
0x261: {  	_ =	sdelay $0x1  }
0x262: {  	s21 =	simm.s32 $0x0  }
0x263: {  	[tilespmem:s15], [sflag:$0x1] =	stream.linear.gather [hbm4b:s3+s21], $0x4000, $0x38;
	[tilespmem:$0x1BDC0] =	vst v63  }
.LBB2_23:
0x264: {  	(v2sf) =	vpush v5, $0x0;
	_ =	sdelay $0xe  }
0x265: {  	s22 =	spop (v2sf)  }
0x266: {  	s23 =	sshrl.u32 s22, $0x1  }
0x267: {  	s23 =	sand.u32 $0x7FFFFFC0, s23  }
0x268: {  	v5 =	vld [tilespmem:s23+$0x155C0];
	_ =	sdelay $0x2  }
0x269: {  	s22 =	sshll.u32 s22, $0x6  }
0x26a: {  	s22 =	sand.u32 $0x1FC0, s22  }
0x26b: {  	[tilespmem:s22+$0x195C0] =	vst.add.f32.msk $0xffff, v5  }
0x26c: {  	v5 =	vld [tilespmem:s23+$0x155D0];
	_ =	sdelay $0x4  }
0x26d: {  	[tilespmem:s22+$0x195D0] =	vst.add.f32.msk $0xffff, v5  }
0x26e: {  	v5 =	vld [tilespmem:s23+$0x155E0];
	_ =	sdelay $0x4  }
0x26f: {  	[tilespmem:s22+$0x195E0] =	vst.add.f32.msk $0xffff, v5  }
0x270: {  	v5 =	vld [tilespmem:s23+$0x155F0];
	_ =	sdelay $0x4  }
0x271: {  	[tilespmem:s22+$0x195F0] =	vst.add.f32.msk $0xffff, v5  }
.LBB2_24:
0x272: {  	s21 =	sadd.s32 $0x1, s21  }
0x273: {  	p0 =	sne.s32 s21, $0xC4  }
.Ltmp8:
0x274: {  	_ = 	snop;
	(pc) =	sbr.rel @!p0 .LBB2_25-.Ltmp8, $1  }
0x275: {  	_ =	sdelay $0x3  }
.LBB2_16:
0x276: {  	s22 =	sshllo.u32 s21, $0x1  }
0x277: {  	s23 =	sshll.u32 s22, $0xB  }
0x278: {  	s23 =	sadd.s32 s3, s23  }
0x279: {  	[tilespmem:s16], [sflag:$0x2] =	stream.linear.gather [hbm4b:s23+s2], $0x4000, $0x38;
	[tilespmem:$0x1BDC0] =	vst v63  }
0x27a: {  	_ =	swait.ge [sflag:s17], $0x4000  }
0x27b: {  	s31 =	sshll.u32 s21, $0x5;
	[sflag:s17] =	ssyncset.done $0x0  }
0x27c: {  	s22 =	sshll.u32 s22, $0x6;
	s23 =	sand.u32 $0x3FFFFFE0, s31;
	[sflag:s17] =	ssyncadd.s32 $0xFFFFC000  }
0x27d: {  	s22 =	sshrl.u32 s22, $0x2;
	v5 =	vld [tilespmem:s23+$0xE4A0]  }
0x27e: {  	v6 =	vld [tilespmem:s22+$0xE4A0];
	_ =	sdelay $0x3  }
0x27f: {  	(v2sf) =	vpush v5, $0x0  }
0x280: {  	(v2sf) =	vpush v6, $0x0;
	_ =	sdelay $0xd  }
0x281: {  	s23 =	spop (v2sf)  }
0x282: {  	s24 =	spop (v2sf)  }
0x283: {  	p0 =	sle.s32 s24, s23  }
.Ltmp9:
0x284: {  	_ = 	snop;
	(pc) =	sbr.rel @p0 .LBB2_20-.Ltmp9, $1  }
0x285: {  	_ =	sdelay $0x3  }
0x286: {  	s24 =	ssub.s32 s24, s23  }
0x287: {  	p0 =	sne.s32 s24, $0x1  }
.Ltmp10:
0x288: {  	_ = 	snop;
	(pc) =	sbr.rel @!p0 .LBB2_19-.Ltmp10, $4  }
0x289: {  	s25 =	sshll.u32 s23, $0x2  }
0x28a: {  	s31 =	sshra.s32 s25, $0x2  }
0x28b: {  	s23 =	sadd.s32 $0x6400, s31  }
0x28c: {  	s24 =	sadd.s32 $0xFFFFFFFF, s24;
	v5 =	vld [tilespmem:s23+$0x0]  }
.LBB2_18:
0x28d: {  	p0 =	sne.s32 s24, $0x1;
	_ =	sdelay $0x3  }
0x28e: {  	(v2sf) =	vpush v5, $0x0;
	_ =	sdelay $0xe  }
0x28f: {  	s25 =	spop (v2sf)  }
0x290: {  	s26 =	sshrl.u32 s25, $0x1  }
0x291: {  	s26 =	sand.u32 $0x7FFFFFC0, s26  }
0x292: {  	v5 =	vld [tilespmem:s26+$0x115C0];
	_ =	sdelay $0x2  }
0x293: {  	s25 =	sshll.u32 s25, $0x6  }
0x294: {  	s25 =	sand.u32 $0x1FC0, s25  }
0x295: {  	[tilespmem:s25+$0x195C0] =	vst.add.f32.msk $0xffff, v5  }
0x296: {  	v5 =	vld [tilespmem:s26+$0x115D0];
	_ =	sdelay $0x4  }
0x297: {  	[tilespmem:s25+$0x195D0] =	vst.add.f32.msk $0xffff, v5  }
0x298: {  	v5 =	vld [tilespmem:s26+$0x115E0];
	_ =	sdelay $0x4  }
0x299: {  	[tilespmem:s25+$0x195E0] =	vst.add.f32.msk $0xffff, v5  }
0x29a: {  	v5 =	vld [tilespmem:s26+$0x115F0];
	_ =	sdelay $0x1  }
.Ltmp11:
0x29b: {  	(pc) =	sbr.rel @p0 .LBB2_18-.Ltmp11, $3  }
0x29c: {  	_ =	sdelay $0x1  }
0x29d: {  	s23 =	sadd.s32 $0x1, s23;
	[tilespmem:s25+$0x195F0] =	vst.add.f32.msk $0xffff, v5  }
0x29e: {  	s24 =	sadd.s32 $0xFFFFFFFF, s24;
	v5 =	vld [tilespmem:s23+$0x0]  }
.LBB2_19:
0x29f: {  	_ =	sdelay $0x3  }
0x2a0: {  	(v2sf) =	vpush v5, $0x0;
	_ =	sdelay $0xe  }
0x2a1: {  	s23 =	spop (v2sf)  }
0x2a2: {  	s24 =	sshrl.u32 s23, $0x1  }
0x2a3: {  	s24 =	sand.u32 $0x7FFFFFC0, s24  }
0x2a4: {  	v5 =	vld [tilespmem:s24+$0x115C0];
	_ =	sdelay $0x2  }
0x2a5: {  	s23 =	sshll.u32 s23, $0x6  }
0x2a6: {  	s23 =	sand.u32 $0x1FC0, s23  }
0x2a7: {  	[tilespmem:s23+$0x195C0] =	vst.add.f32.msk $0xffff, v5  }
0x2a8: {  	v5 =	vld [tilespmem:s24+$0x115D0];
	_ =	sdelay $0x4  }
0x2a9: {  	[tilespmem:s23+$0x195D0] =	vst.add.f32.msk $0xffff, v5  }
0x2aa: {  	v5 =	vld [tilespmem:s24+$0x115E0];
	_ =	sdelay $0x4  }
0x2ab: {  	[tilespmem:s23+$0x195E0] =	vst.add.f32.msk $0xffff, v5  }
0x2ac: {  	v5 =	vld [tilespmem:s24+$0x115F0];
	_ =	sdelay $0x4  }
0x2ad: {  	[tilespmem:s23+$0x195F0] =	vst.add.f32.msk $0xffff, v5  }
.LBB2_20:
0x2ae: {  	s23 =	sshll.u32 s21, $0x1  }
0x2af: {  	s23 =	sadd.s32 $0x2, s23  }
0x2b0: {  	s24 =	smin.u32 s23, $0x187  }
0x2b1: {  	s24 =	sshll.u32 s24, $0xB  }
0x2b2: {  	s24 =	sadd.s32 s3, s24  }
0x2b3: {  	[tilespmem:s15], [sflag:$0x1] =	stream.linear.gather [hbm4b:s24+s2], $0x4000, $0x38;
	[tilespmem:$0x1BDC0] =	vst v63  }
0x2b4: {  	_ =	swait.ge [sflag:s18], $0x4000  }
0x2b5: {  	[sflag:s18] =	ssyncset.done $0x0  }
0x2b6: {  	s23 =	sshll.u32 s23, $0x4;
	[sflag:s18] =	ssyncadd.s32 $0xFFFFC000  }
0x2b7: {  	s31 =	sand.u32 $0x3FFFFFF0, s23;
	v5 =	vld [tilespmem:s22+$0xE4A0]  }
0x2b8: {  	v6 =	vld [tilespmem:s31+$0xE4A0];
	_ =	sdelay $0x3  }
0x2b9: {  	(v2sf) =	vpush v5, $0x0  }
0x2ba: {  	(v2sf) =	vpush v6, $0x0;
	_ =	sdelay $0xd  }
0x2bb: {  	s22 =	spop (v2sf)  }
0x2bc: {  	s23 =	spop (v2sf)  }
0x2bd: {  	p0 =	sle.s32 s23, s22  }
.Ltmp12:
0x2be: {  	_ = 	snop;
	(pc) =	sbr.rel @p0 .LBB2_24-.Ltmp12, $1  }
0x2bf: {  	_ =	sdelay $0x3  }
0x2c0: {  	s24 =	sshll.u32 s22, $0x2  }
0x2c1: {  	s23 =	ssub.s32 s23, s22;
	s31 =	sshra.s32 s24, $0x2  }
0x2c2: {  	p0 =	sne.s32 s23, $0x1;
	s22 =	sadd.s32 $0x6400, s31  }
.Ltmp13:
0x2c3: {  	v5 =	vld [tilespmem:s22+$0x0];
	(pc) =	sbr.rel @!p0 .LBB2_23-.Ltmp13, $2  }
0x2c4: {  	_ =	sdelay $0x2  }
0x2c5: {  	s23 =	sadd.s32 $0xFFFFFFFF, s23  }
.LBB2_22:
0x2c6: {  	p0 =	sne.s32 s23, $0x1;
	_ =	sdelay $0x3  }
0x2c7: {  	(v2sf) =	vpush v5, $0x0;
	_ =	sdelay $0xe  }
0x2c8: {  	s24 =	spop (v2sf)  }
0x2c9: {  	s25 =	sshrl.u32 s24, $0x1  }
0x2ca: {  	s25 =	sand.u32 $0x7FFFFFC0, s25  }
0x2cb: {  	v5 =	vld [tilespmem:s25+$0x155C0];
	_ =	sdelay $0x2  }
0x2cc: {  	s24 =	sshll.u32 s24, $0x6  }
0x2cd: {  	s24 =	sand.u32 $0x1FC0, s24  }
0x2ce: {  	[tilespmem:s24+$0x195C0] =	vst.add.f32.msk $0xffff, v5  }
0x2cf: {  	v5 =	vld [tilespmem:s25+$0x155D0];
	_ =	sdelay $0x4  }
0x2d0: {  	[tilespmem:s24+$0x195D0] =	vst.add.f32.msk $0xffff, v5  }
0x2d1: {  	v5 =	vld [tilespmem:s25+$0x155E0];
	_ =	sdelay $0x4  }
0x2d2: {  	[tilespmem:s24+$0x195E0] =	vst.add.f32.msk $0xffff, v5  }
0x2d3: {  	v5 =	vld [tilespmem:s25+$0x155F0];
	_ =	sdelay $0x1  }
.Ltmp14:
0x2d4: {  	(pc) =	sbr.rel @p0 .LBB2_22-.Ltmp14, $3  }
0x2d5: {  	_ =	sdelay $0x1  }
0x2d6: {  	s22 =	sadd.s32 $0x1, s22;
	[tilespmem:s24+$0x195F0] =	vst.add.f32.msk $0xffff, v5  }
0x2d7: {  	s23 =	sadd.s32 $0xFFFFFFFF, s23;
	v5 =	vld [tilespmem:s22+$0x0]  }
.Ltmp15:
0x2d8: {  	_ = 	snop;
	(pc) =	sbr.rel .LBB2_23-.Ltmp15, $1  }
0x2d9: {  	_ =	sdelay $0x3  }
.LBB2_25:
0x2da: {  	_ =	swait.ge [sflag:s17], $0x4000  }
0x2db: {  	[sflag:s17] =	ssyncset.done $0x0  }
0x2dc: {  	s21 =	simm.s32 $0x0;
	[sflag:s17] =	ssyncadd.s32 $0xFFFFC000  }
0x2dd: {  	v5 =	vld [tilespmem:s21+$0x1B5C0];
	_ =	sdelay $0x4  }
0x2de: {  	(erf) = vrcp.f32 v5;
	_ =	sdelay $0x3  }
0x2df: {  	s21 =	simm.s32 $0x195E0  }
0x2e0: {  	v5 =	vld [tilespmem:s21+$0xFFFFFFE0]  }
0x2e1: {  	v6 =	vld [tilespmem:s21+$0xFFFFFFF0]  }
0x2e2: {  	v7 =	vld [tilespmem:s21+$0x0]  }
0x2e3: {  	v8 =	vld [tilespmem:s21+$0x10]  }
0x2e4: {  	v9 =	vpop (erf)  }
0x2e5: {  	v5 =	vmul.f32 v9, v5  }
0x2e6: {  	v6 =	vmul.f32 v6, v9  }
0x2e7: {  	v7 =	vmul.f32 v7, v9;
	[tilespmem:s21+$0xFFFFFFE0] =	vst v5  }
0x2e8: {  	v5 =	vmul.f32 v8, v9;
	[tilespmem:s21+$0xFFFFFFF0] =	vst v6  }
0x2e9: {  	[tilespmem:s21+$0x0] =	vst v7  }
0x2ea: {  	s23 =	simm.s32 $0x10;
	s22 =	simm.s32 $0x80;
	[tilespmem:s21+$0x10] =	vst v5  }
.LBB2_26:
0x2eb: {  	p0 =	sne.s32 s22, $0x1FC0;
	v5 =	vld [tilespmem:s23+$0x1B5C0];
	_ =	sdelay $0x4  }
0x2ec: {  	(erf) = vrcp.f32 v5;
	_ =	sdelay $0x1  }
0x2ed: {  	s21 =	sadd.s32 $0x40, s21  }
0x2ee: {  	v5 =	vld [tilespmem:s21+$0xFFFFFFF0]  }
0x2ef: {  	v6 =	vld [tilespmem:s21+$0x10]  }
0x2f0: {  	v7 =	vld [tilespmem:s21+$0xFFFFFFE0]  }
0x2f1: {  	v8 =	vld [tilespmem:s21+$0x0];
	_ =	sdelay $0x2  }
0x2f2: {  	v9 =	vpop (erf)  }
0x2f3: {  	v7 =	vmul.f32 v9, v7;
	v5 =	vmul.f32 v5, v9  }
.Ltmp16:
0x2f4: {  	v6 =	vmul.f32 v6, v9;
	v8 =	vmul.f32 v8, v9;
	(pc) =	sbr.rel @p0 .LBB2_26-.Ltmp16, $4  }
0x2f5: {  	[tilespmem:s21+$0xFFFFFFE0] =	vst v7  }
0x2f6: {  	[tilespmem:s21+$0xFFFFFFF0] =	vst v5  }
0x2f7: {  	[tilespmem:s21+$0x0] =	vst v8  }
0x2f8: {  	s23 =	sshra.s32 s22, $0x2;
	s22 =	sadd.s32 $0x40, s22;
	[tilespmem:s21+$0x10] =	vst v6  }
0x2f9: {  	v5 =	vld [tilespmem:s23+$0x1B5C0];
	_ =	sdelay $0x4  }
0x2fa: {  	(erf) = vrcp.f32 v5;
	_ =	sdelay $0x3  }
0x2fb: {  	s21 =	sadd.s32 $0x40, s21  }
0x2fc: {  	v5 =	vld [tilespmem:s21+$0xFFFFFFE0]  }
0x2fd: {  	v6 =	vld [tilespmem:s21+$0xFFFFFFF0]  }
0x2fe: {  	v7 =	vld [tilespmem:s21+$0x0]  }
0x2ff: {  	v8 =	vld [tilespmem:s21+$0x10]  }
0x300: {  	v9 =	vpop (erf)  }
0x301: {  	v5 =	vmul.f32 v9, v5  }
0x302: {  	v6 =	vmul.f32 v6, v9  }
0x303: {  	v7 =	vmul.f32 v7, v9;
	[tilespmem:s21+$0xFFFFFFE0] =	vst v5  }
0x304: {  	s20 =	sadd.s32 $0x1, s20;
	v5 =	vmul.f32 v8, v9;
	[tilespmem:s21+$0xFFFFFFF0] =	vst v6  }
0x305: {  	p0 =	sne.s32 s20, s9;
	[tilespmem:s21+$0x0] =	vst v7  }
.Ltmp17:
0x306: {  	[tilespmem:s21+$0x10] =	vst v5;
	(pc) =	sbr.rel @p0 .LBB2_1-.Ltmp17, $4  }
0x307: {  	[hbm4b:s8+s2] =	stream.linear.scatter [tilespmem:s19], [sflag:$0x3], $0x2000, $0x38;
	[tilespmem:$0x1BDC0] =	vst v63  }
0x308: {  	_ =	swait.ge [sflag:s10], $0x2000  }
0x309: {  	[sflag:s10] =	ssyncset.done $0x0  }
0x30a: {  	[sflag:s10] =	ssyncadd.s32 $0xFFFFE000  }
0x30b: {  	_ =	sfence.sel $0x180000  }
0x30c: {  	[bflag:$0x0] =	sbarrier.arrive $0xFFFF  }
0x30d: {  	p0 =	sne.s32 s1, $0x0;
	_ =	strace $0x90000047  }
0x30e: {  	s0 =	sadd.s32 @!p0 $0x100000, s0;
	[bflag:$0x2] =	sbarrier.arrive $0xFFFF  }
0x30f: {  	[sflag:s0] =	ssyncadd.tile.s32 @!p0 $0x1;
	_ =	shalt  }
.Lfunc_end2:
_tile_overlayer_lowered:
.L_overlay_start_2:
0x310: {  	(tag) =	ssettag $0x2  }
0x311: {  	s0 =	rddreg [dreg:$0x0];
	s2 =	stileid.u32  }
0x312: {  	s1 =	rddreg [dreg:$0x1];
	p0 =	sne.s32 s2, $0x0  }
0x313: {  	s3 =	rddreg [dreg:$0x2];
	[bflag:$0x3] =	sbarrier.arrive $0xFFFF;
	s2 =	simm.s32 @!p0 $0x1C03  }
0x314: {  	[timem:s3], [sflag:s2] =	dma.local @!p0 [hbm:s0], s1  }
0x315: {  	s0 =	simm.s32 @!p0 $0x3  }
0x316: {  	_ =	swait.ge @!p0 [sflag:s0], s1  }
0x317: {  	s1 =	ssub.s32 @!p0 $0x0, s1;
	[sflag:s0] =	ssyncset.done @!p0 $0x0  }
0x318: {  	[sflag:s0] =	ssyncadd.s32 @!p0 s1  }
0x319: {  	[bflag:$0x3] =	sbarrier.arrive $0xFFFF  }
0x31a: {  	_ =	shalt  }

</sc_bundles>
